<compile_context>
chip_gen: v7x
topology: tpu7x:2x2x1
jax: 0.10.2.dev20260603
libtpu: 0.0.44.dev20260713+nightly
codegen_flags: <defaults>
</compile_context>

<pallas_src>
import functools

import jax
import jax.numpy as jnp
from jax import lax
from jax.experimental import pallas as pl
from jax.experimental.pallas import tpu as pltpu
from jax.experimental.pallas import tpu_sc as plsc

N = 10000
E = 320000
D = 128

NC = 2
NS = 16
NW = NC * NS
N_PAD = 10112
ROWS_PER_TILE = N_PAD // NS
K = 125
CHUNKS = 80
PAIRS = CHUNKS // 2
B = 632
GRID = N_PAD // B

_mesh = plsc.VectorSubcoreMesh(core_axis_name="c", subcore_axis_name="s")


def _fill(ref, rows, value):
  v = jnp.full((16,), value, jnp.float32)

  def body(r, _):
    for j in range(8):
      ref[r, pl.ds(j * 16, 16)] = v
    return 0

  lax.fori_loop(0, rows, body, 0)


def _zero_shared_slice(zer_v, shared, s):
  full, rem = divmod(ROWS_PER_TILE, 128)
  for k in range(full):
    pltpu.sync_copy(zer_v, shared.at[pl.ds(s * ROWS_PER_TILE + k * 128, 128)])
  if rem:
    pltpu.sync_copy(
        zer_v.at[pl.ds(0, rem)],
        shared.at[pl.ds(s * ROWS_PER_TILE + full * 128, rem)])


@functools.partial(
    pl.kernel,
    out_type=jax.ShapeDtypeStruct((NC, N_PAD, D), jnp.float32),
    mesh=_mesh,
    scratch_types=[
        pltpu.VMEM((K,), jnp.int32),
        pltpu.VMEM((K,), jnp.int32),
        pltpu.VMEM((K, D), jnp.float32),
        pltpu.VMEM((128, D), jnp.float32),
        pltpu.VMEM_SHARED((N_PAD, D), jnp.float32),
        pltpu.SemaphoreType.DMA,
        pltpu.SemaphoreType.DMA,
    ],
)
def _deg_kernel(dst_hbm, out_hbm, dst_a, dst_b, ones_v, zer_v, hist,
                semA, semB):
  c = lax.axis_index("c")
  s = lax.axis_index("s")
  wid = c * NS + s

  _fill(ones_v, K, 1.0)
  _fill(zer_v, 128, 0.0)
  _zero_shared_slice(zer_v, hist, s)
  plsc.subcore_barrier()

  pltpu.sync_copy(dst_hbm.at[wid, 0], dst_a)
  pltpu.async_copy(ones_v, hist.at[dst_a], semA, add=True)
  pltpu.sync_copy(dst_hbm.at[wid, 1], dst_b)
  pltpu.async_copy(ones_v, hist.at[dst_b], semB, add=True)

  def body(j, _):
    a = 2 * j
    pltpu.make_async_copy(ones_v, hist.at[dst_a], semA).wait()
    pltpu.sync_copy(dst_hbm.at[wid, a], dst_a)
    pltpu.async_copy(ones_v, hist.at[dst_a], semA, add=True)
    pltpu.make_async_copy(ones_v, hist.at[dst_b], semB).wait()
    pltpu.sync_copy(dst_hbm.at[wid, a + 1], dst_b)
    pltpu.async_copy(ones_v, hist.at[dst_b], semB, add=True)
    return 0

  lax.fori_loop(1, PAIRS, body, 0)
  pltpu.make_async_copy(ones_v, hist.at[dst_a], semA).wait()
  pltpu.make_async_copy(ones_v, hist.at[dst_b], semB).wait()
  plsc.subcore_barrier()

  pltpu.sync_copy(
      hist.at[pl.ds(s * ROWS_PER_TILE, ROWS_PER_TILE)],
      out_hbm.at[c, pl.ds(s * ROWS_PER_TILE, ROWS_PER_TILE)],
  )


@functools.partial(
    pl.kernel,
    out_type=jax.ShapeDtypeStruct((NC, N_PAD, D), jnp.float32),
    mesh=_mesh,
    scratch_types=[
        pltpu.VMEM((K,), jnp.int32),
        pltpu.VMEM((K,), jnp.int32),
        pltpu.VMEM((K,), jnp.int32),
        pltpu.VMEM((K,), jnp.int32),
        pltpu.VMEM((K, D), jnp.float32),
        pltpu.VMEM((K, D), jnp.float32),
        pltpu.VMEM((128, D), jnp.float32),
        pltpu.VMEM_SHARED((N_PAD, D), jnp.float32),
        pltpu.SemaphoreType.DMA,
        pltpu.SemaphoreType.DMA,
        pltpu.SemaphoreType.DMA,
        pltpu.SemaphoreType.DMA,
    ],
)
def _edge_kernel(y_hbm, src_hbm, dst_hbm, out_hbm, src_a, dst_a, src_b, dst_b,
                 rows_a, rows_b, zer_v, acc, gA, gB, sA, sB):
  c = lax.axis_index("c")
  s = lax.axis_index("s")
  wid = c * NS + s

  _fill(zer_v, 128, 0.0)
  _zero_shared_slice(zer_v, acc, s)
  plsc.subcore_barrier()

  pltpu.sync_copy(src_hbm.at[wid, 0], src_a)
  pltpu.sync_copy(dst_hbm.at[wid, 0], dst_a)
  pltpu.async_copy(y_hbm.at[src_a], rows_a, gA)
  _fill(rows_b, K, 0.0)
  pltpu.sync_copy(dst_hbm.at[wid, 0], dst_b)
  pltpu.async_copy(rows_b, acc.at[dst_b], sB, add=True)

  def body(j, _):
    a = 2 * j
    b = a + 1
    pltpu.make_async_copy(rows_b, acc.at[dst_b], sB).wait()
    pltpu.sync_copy(src_hbm.at[wid, b], src_b)
    pltpu.sync_copy(dst_hbm.at[wid, b], dst_b)
    pltpu.make_async_copy(y_hbm.at[src_a], rows_a, gA).wait()
    pltpu.async_copy(rows_a, acc.at[dst_a], sA, add=True)
    pltpu.async_copy(y_hbm.at[src_b], rows_b, gB)
    pltpu.make_async_copy(rows_a, acc.at[dst_a], sA).wait()

    @pl.when(j < PAIRS - 1)
    def _():
      pltpu.sync_copy(src_hbm.at[wid, a + 2], src_a)
      pltpu.sync_copy(dst_hbm.at[wid, a + 2], dst_a)

    pltpu.make_async_copy(y_hbm.at[src_b], rows_b, gB).wait()
    pltpu.async_copy(rows_b, acc.at[dst_b], sB, add=True)

    @pl.when(j < PAIRS - 1)
    def _():
      pltpu.async_copy(y_hbm.at[src_a], rows_a, gA)

    return 0

  lax.fori_loop(0, PAIRS, body, 0)
  pltpu.make_async_copy(rows_b, acc.at[dst_b], sB).wait()
  plsc.subcore_barrier()

  pltpu.sync_copy(
      acc.at[pl.ds(s * ROWS_PER_TILE, ROWS_PER_TILE)],
      out_hbm.at[c, pl.ds(s * ROWS_PER_TILE, ROWS_PER_TILE)],
  )


def _tc0_body(x_ref, w_ref, xw_ref):
  xw_ref[...] = jnp.dot(x_ref[...], w_ref[...],
                        preferred_element_type=jnp.float32)


def _tc1_body(hist_ref, xw_ref, y_ref, dinv_ref):
  h = hist_ref[...]
  deg = h[0, :, :] + h[1, :, :]
  i = pl.program_id(0)
  row = lax.broadcasted_iota(jnp.int32, (B, D), 0) + i * B
  deg = deg + jnp.where(row < N, 1.0, 0.0)
  d128 = jnp.where(deg > 0, lax.rsqrt(jnp.maximum(deg, 1e-12)), 0.0)
  dinv_ref[...] = d128
  y_ref[...] = xw_ref[...] * d128


def _tc2_body(part_ref, y_ref, dinv_ref, b_ref, w_ref, out_ref):
  p = part_ref[0, :, :] + part_ref[1, :, :]
  dinv = dinv_ref[...]
  h = jnp.maximum((p + y_ref[...]) * dinv + b_ref[...], 0.0)
  out_ref[...] = (
      jnp.dot(h, w_ref[...], preferred_element_type=jnp.float32) * dinv)


def _tc3_body(part_ref, y_ref, dinv_ref, b_ref, out_ref):
  p = part_ref[0, :, :] + part_ref[1, :, :]
  out_ref[...] = (p + y_ref[...]) * dinv_ref[...] + b_ref[...]


_row_spec = pl.BlockSpec((B, D), lambda i: (i, 0))
_part_spec = pl.BlockSpec((NC, B, D), lambda i: (0, i, 0))
_mat_spec = pl.BlockSpec((D, D), lambda i: (0, 0))
_bias_spec = pl.BlockSpec((1, D), lambda i: (0, 0))

_tc0 = pl.pallas_call(
    _tc0_body,
    grid=(GRID,),
    in_specs=[_row_spec, _mat_spec],
    out_specs=_row_spec,
    out_shape=jax.ShapeDtypeStruct((N_PAD, D), jnp.float32),
)

_tc1 = pl.pallas_call(
    _tc1_body,
    grid=(GRID,),
    in_specs=[_part_spec, _row_spec],
    out_specs=[_row_spec, _row_spec],
    out_shape=[
        jax.ShapeDtypeStruct((N_PAD, D), jnp.float32),
        jax.ShapeDtypeStruct((N_PAD, D), jnp.float32),
    ],
)

_tc2 = pl.pallas_call(
    _tc2_body,
    grid=(GRID,),
    in_specs=[_part_spec, _row_spec, _row_spec, _bias_spec, _mat_spec],
    out_specs=_row_spec,
    out_shape=jax.ShapeDtypeStruct((N_PAD, D), jnp.float32),
)

_tc3 = pl.pallas_call(
    _tc3_body,
    grid=(GRID,),
    in_specs=[_part_spec, _row_spec, _row_spec, _bias_spec],
    out_specs=_row_spec,
    out_shape=jax.ShapeDtypeStruct((N_PAD, D), jnp.float32),
)


@jax.jit
def kernel(x, edge_index, W1, b1, W2, b2):
  src = edge_index[0].astype(jnp.int32).reshape(NW, CHUNKS, K)
  dst = edge_index[1].astype(jnp.int32).reshape(NW, CHUNKS, K)
  b1r = b1.reshape(1, D)
  b2r = b2.reshape(1, D)

  x_pad = jnp.zeros((N_PAD, D), jnp.float32).at[:N].set(x)
  xw1 = _tc0(x_pad, W1)
  hist = _deg_kernel(dst)
  y1, dinv = _tc1(hist, xw1)
  part1 = _edge_kernel(y1, src, dst)
  y2 = _tc2(part1, y1, dinv, b1r, W2)
  part2 = _edge_kernel(y2, src, dst)
  out = _tc3(part2, y2, dinv, b2r)
  return out[:N]

# --- scband reference (transcript-rebuilt; emitter-appended) ---
"""Pipeline reference for scband-gcn-76020921139643 (READ-ONLY COPY).

The authoritative reference and input builder live on the scoring server;
editing this copy changes nothing except your own understanding.
"""

import jax, jax.numpy as jnp
import numpy as np

N = 10000
E = 320000
D_IN = 128
D_MID = 128
D_OUT = 128


def setup_inputs(seed: int = 0) -> dict:
    key = jax.random.key(seed)
    k1, k2, k3, k4, k5, k6 = jax.random.split(key, 6)
    x = jax.random.normal(k1, (N, D_IN), dtype=jnp.float32)
    edge_index = jax.random.randint(k2, (2, E), 0, N)
    W1 = jax.random.normal(k3, (D_IN, D_MID), dtype=jnp.float32) * (1.0 / np.sqrt(D_IN))
    b1 = jax.random.normal(k4, (D_MID,), dtype=jnp.float32) * 0.01
    W2 = jax.random.normal(k5, (D_MID, D_OUT), dtype=jnp.float32) * (1.0 / np.sqrt(D_MID))
    b2 = jax.random.normal(k6, (D_OUT,), dtype=jnp.float32) * 0.01
    return {"x": x, "edge_index": edge_index, "W1": W1, "b1": b1, "W2": W2, "b2": b2}


def _gcn_conv(x, edge_index, W, b):
    # GCNConv with symmetric normalization and self-loops (PyG-style):
    # out = D^{-1/2} (A + I) D^{-1/2} (x W) + b
    n = x.shape[0]
    src = edge_index[0]
    dst = edge_index[1]
    loop = jnp.arange(n, dtype=src.dtype)
    src = jnp.concatenate([src, loop])
    dst = jnp.concatenate([dst, loop])
    deg = jax.ops.segment_sum(jnp.ones_like(src, dtype=x.dtype), dst, num_segments=n)
    dinv = jnp.where(deg > 0, jax.lax.rsqrt(jnp.maximum(deg, 1e-12)), 0.0)
    norm = dinv[src] * dinv[dst]
    xw = x @ W
    msg = jnp.take(xw, src, axis=0) * norm[:, None]
    out = jax.ops.segment_sum(msg, dst, num_segments=n)
    return out + b


def reference(x, edge_index, W1, b1, W2, b2):
    h = jax.nn.relu(_gcn_conv(x, edge_index, W1, b1))
    out = _gcn_conv(h, edge_index, W2, b2)
    return out

if __name__ == "__main__":
    import jax
    _d = setup_inputs()
    print(jax.jit(kernel)(*tuple(_d.values())))

</pallas_src>

<mosaic_0001>
#map = affine_map<(d0, d1) -> (0, 0)>
#map1 = affine_map<(d0, d1) -> (0, 0, 0)>
module attributes {stable_mosaic.version = 14 : i64} {
  func.func @_edge_kernel(%arg0: i32, %arg1: i32, %arg2: memref<10112x128xf32, #tpu.memory_space<hbm>>, %arg3: memref<32x80x125xi32, #tpu.memory_space<hbm>>, %arg4: memref<32x80x125xi32, #tpu.memory_space<hbm>>, %arg5: memref<2x10112x128xf32, #tpu.memory_space<hbm>>, %arg6: memref<125xi32, #tpu.memory_space<vmem>>, %arg7: memref<125xi32, #tpu.memory_space<vmem>>, %arg8: memref<125xi32, #tpu.memory_space<vmem>>, %arg9: memref<125xi32, #tpu.memory_space<vmem>>, %arg10: memref<125x128xf32, #tpu.memory_space<vmem>>, %arg11: memref<125x128xf32, #tpu.memory_space<vmem>>, %arg12: memref<128x128xf32, #tpu.memory_space<vmem>>, %arg13: memref<10112x128xf32, #tpu.memory_space<vmem_shared>>, %arg14: memref<!tpu.dma_semaphore, #tpu.memory_space<semaphore_mem>>, %arg15: memref<!tpu.dma_semaphore, #tpu.memory_space<semaphore_mem>>, %arg16: memref<!tpu.dma_semaphore, #tpu.memory_space<semaphore_mem>>, %arg17: memref<!tpu.dma_semaphore, #tpu.memory_space<semaphore_mem>>) attributes {dimension_semantics = [#tpu.dimension_semantics<core_parallel>, #tpu.dimension_semantics<subcore_parallel>], iteration_bounds = array<i64: 2, 16>, scalar_prefetch = 0 : i64, scratch_operands = 12 : i64, tpu.core_type = #tpu.core_type<sc_vector_subcore>, window_params = [{transform_indices = #map}, {transform_indices = #map1}, {transform_indices = #map1}, {transform_indices = #map1}]} {
    %mul3A = arith.constant 16 : i32
    %mul3A_0 = arith.muli %arg0, %mul3A : i32
    %add3A = arith.addi %mul3A_0, %arg1 : i32
    %broadcast_in_dim3A = arith.constant 0.000000e+00 : f32
    %broadcast_in_dim3A_1 = vector.broadcast %broadcast_in_dim3A : f32 to vector<16xf32>
    %scan3A = arith.constant 0 : i32
    %scan3A_2 = arith.constant 0 : i32
    %scan3A_3 = arith.constant 128 : i32
    %scan3A_4 = arith.addi %scan3A_2, %scan3A_3 : i32
    %scan3A_5 = arith.constant 1 : i32
    %scan3A_6 = scf.for %scan3A_58 = %scan3A_2 to %scan3A_4 step %scan3A_5 iter_args(%scan3A_59 = %scan3A) -> (i32)  : i32 {
      %swap3A = arith.index_cast %scan3A_58 : i32 to index
      %swap3A_60 = arith.constant 0 : index
      %swap3A_61 = tpu.vector_load %arg12[%swap3A, %swap3A_60] {strides = array<i32>} : memref<128x128xf32, #tpu.memory_space<vmem>>, vector<1x16xf32>,
      %swap3A_62 = vector.shape_cast %swap3A_61 : vector<1x16xf32> to vector<16xf32>
      %swap3A_63 = vector.shape_cast %broadcast_in_dim3A_1 : vector<16xf32> to vector<1x16xf32>
      tpu.vector_store %arg12[%swap3A, %swap3A_60], %swap3A_63 {strides = array<i32>} : memref<128x128xf32, #tpu.memory_space<vmem>>, vector<1x16xf32>,
      %swap3A_64 = arith.index_cast %scan3A_58 : i32 to index
      %swap3A_65 = arith.constant 16 : index
      %swap3A_66 = tpu.vector_load %arg12[%swap3A_64, %swap3A_65] {strides = array<i32>} : memref<128x128xf32, #tpu.memory_space<vmem>>, vector<1x16xf32>,
      %swap3A_67 = vector.shape_cast %swap3A_66 : vector<1x16xf32> to vector<16xf32>
      %swap3A_68 = vector.shape_cast %broadcast_in_dim3A_1 : vector<16xf32> to vector<1x16xf32>
      tpu.vector_store %arg12[%swap3A_64, %swap3A_65], %swap3A_68 {strides = array<i32>} : memref<128x128xf32, #tpu.memory_space<vmem>>, vector<1x16xf32>,
      %swap3A_69 = arith.index_cast %scan3A_58 : i32 to index
      %swap3A_70 = arith.constant 32 : index
      %swap3A_71 = tpu.vector_load %arg12[%swap3A_69, %swap3A_70] {strides = array<i32>} : memref<128x128xf32, #tpu.memory_space<vmem>>, vector<1x16xf32>,
      %swap3A_72 = vector.shape_cast %swap3A_71 : vector<1x16xf32> to vector<16xf32>
      %swap3A_73 = vector.shape_cast %broadcast_in_dim3A_1 : vector<16xf32> to vector<1x16xf32>
      tpu.vector_store %arg12[%swap3A_69, %swap3A_70], %swap3A_73 {strides = array<i32>} : memref<128x128xf32, #tpu.memory_space<vmem>>, vector<1x16xf32>,
      %swap3A_74 = arith.index_cast %scan3A_58 : i32 to index
      %swap3A_75 = arith.constant 48 : index
      %swap3A_76 = tpu.vector_load %arg12[%swap3A_74, %swap3A_75] {strides = array<i32>} : memref<128x128xf32, #tpu.memory_space<vmem>>, vector<1x16xf32>,
      %swap3A_77 = vector.shape_cast %swap3A_76 : vector<1x16xf32> to vector<16xf32>
      %swap3A_78 = vector.shape_cast %broadcast_in_dim3A_1 : vector<16xf32> to vector<1x16xf32>
      tpu.vector_store %arg12[%swap3A_74, %swap3A_75], %swap3A_78 {strides = array<i32>} : memref<128x128xf32, #tpu.memory_space<vmem>>, vector<1x16xf32>,
      %swap3A_79 = arith.index_cast %scan3A_58 : i32 to index
      %swap3A_80 = arith.constant 64 : index
      %swap3A_81 = tpu.vector_load %arg12[%swap3A_79, %swap3A_80] {strides = array<i32>} : memref<128x128xf32, #tpu.memory_space<vmem>>, vector<1x16xf32>,
      %swap3A_82 = vector.shape_cast %swap3A_81 : vector<1x16xf32> to vector<16xf32>
      %swap3A_83 = vector.shape_cast %broadcast_in_dim3A_1 : vector<16xf32> to vector<1x16xf32>
      tpu.vector_store %arg12[%swap3A_79, %swap3A_80], %swap3A_83 {strides = array<i32>} : memref<128x128xf32, #tpu.memory_space<vmem>>, vector<1x16xf32>,
      %swap3A_84 = arith.index_cast %scan3A_58 : i32 to index
      %swap3A_85 = arith.constant 80 : index
      %swap3A_86 = tpu.vector_load %arg12[%swap3A_84, %swap3A_85] {strides = array<i32>} : memref<128x128xf32, #tpu.memory_space<vmem>>, vector<1x16xf32>,
      %swap3A_87 = vector.shape_cast %swap3A_86 : vector<1x16xf32> to vector<16xf32>
      %swap3A_88 = vector.shape_cast %broadcast_in_dim3A_1 : vector<16xf32> to vector<1x16xf32>
      tpu.vector_store %arg12[%swap3A_84, %swap3A_85], %swap3A_88 {strides = array<i32>} : memref<128x128xf32, #tpu.memory_space<vmem>>, vector<1x16xf32>,
      %swap3A_89 = arith.index_cast %scan3A_58 : i32 to index
      %swap3A_90 = arith.constant 96 : index
      %swap3A_91 = tpu.vector_load %arg12[%swap3A_89, %swap3A_90] {strides = array<i32>} : memref<128x128xf32, #tpu.memory_space<vmem>>, vector<1x16xf32>,
      %swap3A_92 = vector.shape_cast %swap3A_91 : vector<1x16xf32> to vector<16xf32>
      %swap3A_93 = vector.shape_cast %broadcast_in_dim3A_1 : vector<16xf32> to vector<1x16xf32>
      tpu.vector_store %arg12[%swap3A_89, %swap3A_90], %swap3A_93 {strides = array<i32>} : memref<128x128xf32, #tpu.memory_space<vmem>>, vector<1x16xf32>,
      %swap3A_94 = arith.index_cast %scan3A_58 : i32 to index
      %swap3A_95 = arith.constant 112 : index
      %swap3A_96 = tpu.vector_load %arg12[%swap3A_94, %swap3A_95] {strides = array<i32>} : memref<128x128xf32, #tpu.memory_space<vmem>>, vector<1x16xf32>,
      %swap3A_97 = vector.shape_cast %swap3A_96 : vector<1x16xf32> to vector<16xf32>
      %swap3A_98 = vector.shape_cast %broadcast_in_dim3A_1 : vector<16xf32> to vector<1x16xf32>
      tpu.vector_store %arg12[%swap3A_94, %swap3A_95], %swap3A_98 {strides = array<i32>} : memref<128x128xf32, #tpu.memory_space<vmem>>, vector<1x16xf32>,
      %scan3A_99 = arith.constant 0 : i32
      scf.yield %scan3A_99 : i32
    }
    %scan3A_7 = arith.constant 128 : i32
    %mul3A_8 = arith.constant 632 : i32
    %mul3A_9 = arith.muli %arg1, %mul3A_8 : i32
    %add3A_10 = arith.constant 0 : i32
    %add3A_11 = arith.addi %mul3A_9, %add3A_10 : i32
    "tpu.region"() ({
      %run_scoped3A_58 = tpu.sem_alloc : memref<!tpu.dma_semaphore, #tpu.memory_space<semaphore_mem>>
      %dma_start3A_59 = arith.constant 0 : i32
      %dma_start3A_60 = tpu.memref_slice %arg13[%add3A_11, %dma_start3A_59] : memref<10112x128xf32, #tpu.memory_space<vmem_shared>> -> memref<128x128xf32, #tpu.memory_space<vmem_shared>>
      %dma_start3A_61 = arith.constant 0 : i32
      %dma_start3A_62 = tpu.memref_slice %arg13[%add3A_11, %dma_start3A_61] : memref<10112x128xf32, #tpu.memory_space<vmem_shared>> -> memref<128x128xf32, #tpu.memory_space<vmem_shared>>
      tpu.enqueue_dma source(%arg12 : memref<128x128xf32, #tpu.memory_space<vmem>>) target(%dma_start3A_62 : memref<128x128xf32, #tpu.memory_space<vmem_shared>>) target_semaphore(%run_scoped3A_58 : memref<!tpu.dma_semaphore, #tpu.memory_space<semaphore_mem>>)
      %dma_wait3A_63 = arith.constant 0 : i32
      %dma_wait3A_64 = tpu.memref_slice %arg13[%add3A_11, %dma_wait3A_63] : memref<10112x128xf32, #tpu.memory_space<vmem_shared>> -> memref<128x128xf32, #tpu.memory_space<vmem_shared>>
      %dma_wait3A_65 = arith.constant 0 : i32
      %dma_wait3A_66 = tpu.memref_slice %arg13[%add3A_11, %dma_wait3A_65] : memref<10112x128xf32, #tpu.memory_space<vmem_shared>> -> memref<128x128xf32, #tpu.memory_space<vmem_shared>>
      tpu.wait_dma2 semaphore(%run_scoped3A_58 : memref<!tpu.dma_semaphore, #tpu.memory_space<semaphore_mem>>) src(%arg12 : memref<128x128xf32, #tpu.memory_space<vmem>>) dst(%dma_wait3A_66 : memref<128x128xf32, #tpu.memory_space<vmem_shared>>)
      tpu.yield
    }) : () -> ()
    %mul3A_12 = arith.constant 632 : i32
    %mul3A_13 = arith.muli %arg1, %mul3A_12 : i32
    %add3A_14 = arith.constant 128 : i32
    %add3A_15 = arith.addi %mul3A_13, %add3A_14 : i32
    "tpu.region"() ({
      %run_scoped3A_58 = tpu.sem_alloc : memref<!tpu.dma_semaphore, #tpu.memory_space<semaphore_mem>>
      %dma_start3A_59 = arith.constant 0 : i32
      %dma_start3A_60 = tpu.memref_slice %arg13[%add3A_15, %dma_start3A_59] : memref<10112x128xf32, #tpu.memory_space<vmem_shared>> -> memref<128x128xf32, #tpu.memory_space<vmem_shared>>
      %dma_start3A_61 = arith.constant 0 : i32
      %dma_start3A_62 = tpu.memref_slice %arg13[%add3A_15, %dma_start3A_61] : memref<10112x128xf32, #tpu.memory_space<vmem_shared>> -> memref<128x128xf32, #tpu.memory_space<vmem_shared>>
      tpu.enqueue_dma source(%arg12 : memref<128x128xf32, #tpu.memory_space<vmem>>) target(%dma_start3A_62 : memref<128x128xf32, #tpu.memory_space<vmem_shared>>) target_semaphore(%run_scoped3A_58 : memref<!tpu.dma_semaphore, #tpu.memory_space<semaphore_mem>>)
      %dma_wait3A_63 = arith.constant 0 : i32
      %dma_wait3A_64 = tpu.memref_slice %arg13[%add3A_15, %dma_wait3A_63] : memref<10112x128xf32, #tpu.memory_space<vmem_shared>> -> memref<128x128xf32, #tpu.memory_space<vmem_shared>>
      %dma_wait3A_65 = arith.constant 0 : i32
      %dma_wait3A_66 = tpu.memref_slice %arg13[%add3A_15, %dma_wait3A_65] : memref<10112x128xf32, #tpu.memory_space<vmem_shared>> -> memref<128x128xf32, #tpu.memory_space<vmem_shared>>
      tpu.wait_dma2 semaphore(%run_scoped3A_58 : memref<!tpu.dma_semaphore, #tpu.memory_space<semaphore_mem>>) src(%arg12 : memref<128x128xf32, #tpu.memory_space<vmem>>) dst(%dma_wait3A_66 : memref<128x128xf32, #tpu.memory_space<vmem_shared>>)
      tpu.yield
    }) : () -> ()
    %mul3A_16 = arith.constant 632 : i32
    %mul3A_17 = arith.muli %arg1, %mul3A_16 : i32
    %add3A_18 = arith.constant 256 : i32
    %add3A_19 = arith.addi %mul3A_17, %add3A_18 : i32
    "tpu.region"() ({
      %run_scoped3A_58 = tpu.sem_alloc : memref<!tpu.dma_semaphore, #tpu.memory_space<semaphore_mem>>
      %dma_start3A_59 = arith.constant 0 : i32
      %dma_start3A_60 = tpu.memref_slice %arg13[%add3A_19, %dma_start3A_59] : memref<10112x128xf32, #tpu.memory_space<vmem_shared>> -> memref<128x128xf32, #tpu.memory_space<vmem_shared>>
      %dma_start3A_61 = arith.constant 0 : i32
      %dma_start3A_62 = tpu.memref_slice %arg13[%add3A_19, %dma_start3A_61] : memref<10112x128xf32, #tpu.memory_space<vmem_shared>> -> memref<128x128xf32, #tpu.memory_space<vmem_shared>>
      tpu.enqueue_dma source(%arg12 : memref<128x128xf32, #tpu.memory_space<vmem>>) target(%dma_start3A_62 : memref<128x128xf32, #tpu.memory_space<vmem_shared>>) target_semaphore(%run_scoped3A_58 : memref<!tpu.dma_semaphore, #tpu.memory_space<semaphore_mem>>)
      %dma_wait3A_63 = arith.constant 0 : i32
      %dma_wait3A_64 = tpu.memref_slice %arg13[%add3A_19, %dma_wait3A_63] : memref<10112x128xf32, #tpu.memory_space<vmem_shared>> -> memref<128x128xf32, #tpu.memory_space<vmem_shared>>
      %dma_wait3A_65 = arith.constant 0 : i32
      %dma_wait3A_66 = tpu.memref_slice %arg13[%add3A_19, %dma_wait3A_65] : memref<10112x128xf32, #tpu.memory_space<vmem_shared>> -> memref<128x128xf32, #tpu.memory_space<vmem_shared>>
      tpu.wait_dma2 semaphore(%run_scoped3A_58 : memref<!tpu.dma_semaphore, #tpu.memory_space<semaphore_mem>>) src(%arg12 : memref<128x128xf32, #tpu.memory_space<vmem>>) dst(%dma_wait3A_66 : memref<128x128xf32, #tpu.memory_space<vmem_shared>>)
      tpu.yield
    }) : () -> ()
    %mul3A_20 = arith.constant 632 : i32
    %mul3A_21 = arith.muli %arg1, %mul3A_20 : i32
    %add3A_22 = arith.constant 384 : i32
    %add3A_23 = arith.addi %mul3A_21, %add3A_22 : i32
    "tpu.region"() ({
      %run_scoped3A_58 = tpu.sem_alloc : memref<!tpu.dma_semaphore, #tpu.memory_space<semaphore_mem>>
      %dma_start3A_59 = arith.constant 0 : i32
      %dma_start3A_60 = tpu.memref_slice %arg13[%add3A_23, %dma_start3A_59] : memref<10112x128xf32, #tpu.memory_space<vmem_shared>> -> memref<128x128xf32, #tpu.memory_space<vmem_shared>>
      %dma_start3A_61 = arith.constant 0 : i32
      %dma_start3A_62 = tpu.memref_slice %arg13[%add3A_23, %dma_start3A_61] : memref<10112x128xf32, #tpu.memory_space<vmem_shared>> -> memref<128x128xf32, #tpu.memory_space<vmem_shared>>
      tpu.enqueue_dma source(%arg12 : memref<128x128xf32, #tpu.memory_space<vmem>>) target(%dma_start3A_62 : memref<128x128xf32, #tpu.memory_space<vmem_shared>>) target_semaphore(%run_scoped3A_58 : memref<!tpu.dma_semaphore, #tpu.memory_space<semaphore_mem>>)
      %dma_wait3A_63 = arith.constant 0 : i32
      %dma_wait3A_64 = tpu.memref_slice %arg13[%add3A_23, %dma_wait3A_63] : memref<10112x128xf32, #tpu.memory_space<vmem_shared>> -> memref<128x128xf32, #tpu.memory_space<vmem_shared>>
      %dma_wait3A_65 = arith.constant 0 : i32
      %dma_wait3A_66 = tpu.memref_slice %arg13[%add3A_23, %dma_wait3A_65] : memref<10112x128xf32, #tpu.memory_space<vmem_shared>> -> memref<128x128xf32, #tpu.memory_space<vmem_shared>>
      tpu.wait_dma2 semaphore(%run_scoped3A_58 : memref<!tpu.dma_semaphore, #tpu.memory_space<semaphore_mem>>) src(%arg12 : memref<128x128xf32, #tpu.memory_space<vmem>>) dst(%dma_wait3A_66 : memref<128x128xf32, #tpu.memory_space<vmem_shared>>)
      tpu.yield
    }) : () -> ()
    %mul3A_24 = arith.constant 632 : i32
    %mul3A_25 = arith.muli %arg1, %mul3A_24 : i32
    %add3A_26 = arith.constant 512 : i32
    %add3A_27 = arith.addi %mul3A_25, %add3A_26 : i32
    "tpu.region"() ({
      %run_scoped3A_58 = tpu.sem_alloc : memref<!tpu.dma_semaphore, #tpu.memory_space<semaphore_mem>>
      %dma_start3A_59 = arith.constant 0 : i32
      %dma_start3A_60 = arith.constant 0 : i32
      %dma_start3A_61 = tpu.memref_slice %arg12[%dma_start3A_59, %dma_start3A_60] : memref<128x128xf32, #tpu.memory_space<vmem>> -> memref<120x128xf32, #tpu.memory_space<vmem>>
      %dma_start3A_62 = arith.constant 0 : i32
      %dma_start3A_63 = tpu.memref_slice %arg13[%add3A_27, %dma_start3A_62] : memref<10112x128xf32, #tpu.memory_space<vmem_shared>> -> memref<120x128xf32, #tpu.memory_space<vmem_shared>>
      %dma_start3A_64 = arith.constant 0 : i32
      %dma_start3A_65 = tpu.memref_slice %arg13[%add3A_27, %dma_start3A_64] : memref<10112x128xf32, #tpu.memory_space<vmem_shared>> -> memref<120x128xf32, #tpu.memory_space<vmem_shared>>
      %dma_start3A_66 = arith.constant 0 : i32
      %dma_start3A_67 = arith.constant 0 : i32
      %dma_start3A_68 = tpu.memref_slice %arg12[%dma_start3A_66, %dma_start3A_67] : memref<128x128xf32, #tpu.memory_space<vmem>> -> memref<120x128xf32, #tpu.memory_space<vmem>>
      tpu.enqueue_dma source(%dma_start3A_68 : memref<120x128xf32, #tpu.memory_space<vmem>>) target(%dma_start3A_65 : memref<120x128xf32, #tpu.memory_space<vmem_shared>>) target_semaphore(%run_scoped3A_58 : memref<!tpu.dma_semaphore, #tpu.memory_space<semaphore_mem>>)
      %dma_wait3A_69 = arith.constant 0 : i32
      %dma_wait3A_70 = arith.constant 0 : i32
      %dma_wait3A_71 = tpu.memref_slice %arg12[%dma_wait3A_69, %dma_wait3A_70] : memref<128x128xf32, #tpu.memory_space<vmem>> -> memref<120x128xf32, #tpu.memory_space<vmem>>
      %dma_wait3A_72 = arith.constant 0 : i32
      %dma_wait3A_73 = tpu.memref_slice %arg13[%add3A_27, %dma_wait3A_72] : memref<10112x128xf32, #tpu.memory_space<vmem_shared>> -> memref<120x128xf32, #tpu.memory_space<vmem_shared>>
      %dma_wait3A_74 = arith.constant 0 : i32
      %dma_wait3A_75 = tpu.memref_slice %arg13[%add3A_27, %dma_wait3A_74] : memref<10112x128xf32, #tpu.memory_space<vmem_shared>> -> memref<120x128xf32, #tpu.memory_space<vmem_shared>>
      %dma_wait3A_76 = arith.constant 0 : i32
      %dma_wait3A_77 = arith.constant 0 : i32
      %dma_wait3A_78 = tpu.memref_slice %arg12[%dma_wait3A_76, %dma_wait3A_77] : memref<128x128xf32, #tpu.memory_space<vmem>> -> memref<120x128xf32, #tpu.memory_space<vmem>>
      tpu.wait_dma2 semaphore(%run_scoped3A_58 : memref<!tpu.dma_semaphore, #tpu.memory_space<semaphore_mem>>) src(%dma_wait3A_78 : memref<120x128xf32, #tpu.memory_space<vmem>>) dst(%dma_wait3A_75 : memref<120x128xf32, #tpu.memory_space<vmem_shared>>)
      tpu.yield
    }) : () -> ()
    %barrier3A = arith.constant 0 : index
    tpu.barrier barrier_id(%barrier3A)
    %run_scoped3A = arith.constant 0 : i32
    "tpu.region"() ({
      %run_scoped3A_58 = tpu.sem_alloc : memref<!tpu.dma_semaphore, #tpu.memory_space<semaphore_mem>>
      %dma_start3A_59 = arith.constant 0 : i32
      %dma_start3A_60 = tpu.memref_slice %arg3[%add3A, %run_scoped3A, %dma_start3A_59] : memref<32x80x125xi32, #tpu.memory_space<hbm>> -> memref<1x1x125xi32, #tpu.memory_space<hbm>>
      %dma_start3A_61 = tpu.memref_squeeze %dma_start3A_60 : memref<1x1x125xi32, #tpu.memory_space<hbm>> -> memref<125xi32, #tpu.memory_space<hbm>>
      %dma_start3A_62 = arith.constant 0 : i32
      %dma_start3A_63 = tpu.memref_slice %arg3[%add3A, %run_scoped3A, %dma_start3A_62] : memref<32x80x125xi32, #tpu.memory_space<hbm>> -> memref<1x1x125xi32, #tpu.memory_space<hbm>>
      %dma_start3A_64 = tpu.memref_squeeze %dma_start3A_63 : memref<1x1x125xi32, #tpu.memory_space<hbm>> -> memref<125xi32, #tpu.memory_space<hbm>>
      tpu.enqueue_dma source(%dma_start3A_64 : memref<125xi32, #tpu.memory_space<hbm>>) target(%arg6 : memref<125xi32, #tpu.memory_space<vmem>>) target_semaphore(%run_scoped3A_58 : memref<!tpu.dma_semaphore, #tpu.memory_space<semaphore_mem>>)
      %dma_wait3A_65 = arith.constant 0 : i32
      %dma_wait3A_66 = tpu.memref_slice %arg3[%add3A, %run_scoped3A, %dma_wait3A_65] : memref<32x80x125xi32, #tpu.memory_space<hbm>> -> memref<1x1x125xi32, #tpu.memory_space<hbm>>
      %dma_wait3A_67 = tpu.memref_squeeze %dma_wait3A_66 : memref<1x1x125xi32, #tpu.memory_space<hbm>> -> memref<125xi32, #tpu.memory_space<hbm>>
      %dma_wait3A_68 = arith.constant 0 : i32
      %dma_wait3A_69 = tpu.memref_slice %arg3[%add3A, %run_scoped3A, %dma_wait3A_68] : memref<32x80x125xi32, #tpu.memory_space<hbm>> -> memref<1x1x125xi32, #tpu.memory_space<hbm>>
      %dma_wait3A_70 = tpu.memref_squeeze %dma_wait3A_69 : memref<1x1x125xi32, #tpu.memory_space<hbm>> -> memref<125xi32, #tpu.memory_space<hbm>>
      tpu.wait_dma2 semaphore(%run_scoped3A_58 : memref<!tpu.dma_semaphore, #tpu.memory_space<semaphore_mem>>) src(%dma_wait3A_70 : memref<125xi32, #tpu.memory_space<hbm>>) dst(%arg6 : memref<125xi32, #tpu.memory_space<vmem>>)
      tpu.yield
    }) : () -> ()
    %run_scoped3A_28 = arith.constant 0 : i32
    "tpu.region"() ({
      %run_scoped3A_58 = tpu.sem_alloc : memref<!tpu.dma_semaphore, #tpu.memory_space<semaphore_mem>>
      %dma_start3A_59 = arith.constant 0 : i32
      %dma_start3A_60 = tpu.memref_slice %arg4[%add3A, %run_scoped3A_28, %dma_start3A_59] : memref<32x80x125xi32, #tpu.memory_space<hbm>> -> memref<1x1x125xi32, #tpu.memory_space<hbm>>
      %dma_start3A_61 = tpu.memref_squeeze %dma_start3A_60 : memref<1x1x125xi32, #tpu.memory_space<hbm>> -> memref<125xi32, #tpu.memory_space<hbm>>
      %dma_start3A_62 = arith.constant 0 : i32
      %dma_start3A_63 = tpu.memref_slice %arg4[%add3A, %run_scoped3A_28, %dma_start3A_62] : memref<32x80x125xi32, #tpu.memory_space<hbm>> -> memref<1x1x125xi32, #tpu.memory_space<hbm>>
      %dma_start3A_64 = tpu.memref_squeeze %dma_start3A_63 : memref<1x1x125xi32, #tpu.memory_space<hbm>> -> memref<125xi32, #tpu.memory_space<hbm>>
      tpu.enqueue_dma source(%dma_start3A_64 : memref<125xi32, #tpu.memory_space<hbm>>) target(%arg7 : memref<125xi32, #tpu.memory_space<vmem>>) target_semaphore(%run_scoped3A_58 : memref<!tpu.dma_semaphore, #tpu.memory_space<semaphore_mem>>)
      %dma_wait3A_65 = arith.constant 0 : i32
      %dma_wait3A_66 = tpu.memref_slice %arg4[%add3A, %run_scoped3A_28, %dma_wait3A_65] : memref<32x80x125xi32, #tpu.memory_space<hbm>> -> memref<1x1x125xi32, #tpu.memory_space<hbm>>
      %dma_wait3A_67 = tpu.memref_squeeze %dma_wait3A_66 : memref<1x1x125xi32, #tpu.memory_space<hbm>> -> memref<125xi32, #tpu.memory_space<hbm>>
      %dma_wait3A_68 = arith.constant 0 : i32
      %dma_wait3A_69 = tpu.memref_slice %arg4[%add3A, %run_scoped3A_28, %dma_wait3A_68] : memref<32x80x125xi32, #tpu.memory_space<hbm>> -> memref<1x1x125xi32, #tpu.memory_space<hbm>>
      %dma_wait3A_70 = tpu.memref_squeeze %dma_wait3A_69 : memref<1x1x125xi32, #tpu.memory_space<hbm>> -> memref<125xi32, #tpu.memory_space<hbm>>
      tpu.wait_dma2 semaphore(%run_scoped3A_58 : memref<!tpu.dma_semaphore, #tpu.memory_space<semaphore_mem>>) src(%dma_wait3A_70 : memref<125xi32, #tpu.memory_space<hbm>>) dst(%arg7 : memref<125xi32, #tpu.memory_space<vmem>>)
      tpu.yield
    }) : () -> ()
    %dma_start3A = arith.constant 0 : i32
    %dma_start3A_29 = arith.constant 0 : i32
    %dma_start3A_30 = tpu.memref_slice %arg2[%dma_start3A, %dma_start3A_29] : memref<10112x128xf32, #tpu.memory_space<hbm>> -> memref<10112x128xf32, #tpu.memory_space<hbm>>
    tpu.enqueue_indirect_dma source(%dma_start3A_30 : memref<10112x128xf32, #tpu.memory_space<hbm>>) target(%arg10 : memref<125x128xf32, #tpu.memory_space<vmem>>) offsets(%arg6 : memref<125xi32, #tpu.memory_space<vmem>>) semaphore(%arg14 : memref<!tpu.dma_semaphore, #tpu.memory_space<semaphore_mem>>)
    %broadcast_in_dim3A_31 = arith.constant 0.000000e+00 : f32
    %broadcast_in_dim3A_32 = vector.broadcast %broadcast_in_dim3A_31 : f32 to vector<16xf32>
    %scan3A_33 = arith.constant 0 : i32
    %scan3A_34 = arith.constant 0 : i32
    %scan3A_35 = arith.constant 125 : i32
    %scan3A_36 = arith.addi %scan3A_34, %scan3A_35 : i32
    %scan3A_37 = arith.constant 1 : i32
    %scan3A_38 = scf.for %scan3A_58 = %scan3A_34 to %scan3A_36 step %scan3A_37 iter_args(%scan3A_59 = %scan3A_33) -> (i32)  : i32 {
      %swap3A = arith.index_cast %scan3A_58 : i32 to index
      %swap3A_60 = arith.constant 0 : index
      %swap3A_61 = tpu.vector_load %arg11[%swap3A, %swap3A_60] {strides = array<i32>} : memref<125x128xf32, #tpu.memory_space<vmem>>, vector<1x16xf32>,
      %swap3A_62 = vector.shape_cast %swap3A_61 : vector<1x16xf32> to vector<16xf32>
      %swap3A_63 = vector.shape_cast %broadcast_in_dim3A_32 : vector<16xf32> to vector<1x16xf32>
      tpu.vector_store %arg11[%swap3A, %swap3A_60], %swap3A_63 {strides = array<i32>} : memref<125x128xf32, #tpu.memory_space<vmem>>, vector<1x16xf32>,
      %swap3A_64 = arith.index_cast %scan3A_58 : i32 to index
      %swap3A_65 = arith.constant 16 : index
      %swap3A_66 = tpu.vector_load %arg11[%swap3A_64, %swap3A_65] {strides = array<i32>} : memref<125x128xf32, #tpu.memory_space<vmem>>, vector<1x16xf32>,
      %swap3A_67 = vector.shape_cast %swap3A_66 : vector<1x16xf32> to vector<16xf32>
      %swap3A_68 = vector.shape_cast %broadcast_in_dim3A_32 : vector<16xf32> to vector<1x16xf32>
      tpu.vector_store %arg11[%swap3A_64, %swap3A_65], %swap3A_68 {strides = array<i32>} : memref<125x128xf32, #tpu.memory_space<vmem>>, vector<1x16xf32>,
      %swap3A_69 = arith.index_cast %scan3A_58 : i32 to index
      %swap3A_70 = arith.constant 32 : index
      %swap3A_71 = tpu.vector_load %arg11[%swap3A_69, %swap3A_70] {strides = array<i32>} : memref<125x128xf32, #tpu.memory_space<vmem>>, vector<1x16xf32>,
      %swap3A_72 = vector.shape_cast %swap3A_71 : vector<1x16xf32> to vector<16xf32>
      %swap3A_73 = vector.shape_cast %broadcast_in_dim3A_32 : vector<16xf32> to vector<1x16xf32>
      tpu.vector_store %arg11[%swap3A_69, %swap3A_70], %swap3A_73 {strides = array<i32>} : memref<125x128xf32, #tpu.memory_space<vmem>>, vector<1x16xf32>,
      %swap3A_74 = arith.index_cast %scan3A_58 : i32 to index
      %swap3A_75 = arith.constant 48 : index
      %swap3A_76 = tpu.vector_load %arg11[%swap3A_74, %swap3A_75] {strides = array<i32>} : memref<125x128xf32, #tpu.memory_space<vmem>>, vector<1x16xf32>,
      %swap3A_77 = vector.shape_cast %swap3A_76 : vector<1x16xf32> to vector<16xf32>
      %swap3A_78 = vector.shape_cast %broadcast_in_dim3A_32 : vector<16xf32> to vector<1x16xf32>
      tpu.vector_store %arg11[%swap3A_74, %swap3A_75], %swap3A_78 {strides = array<i32>} : memref<125x128xf32, #tpu.memory_space<vmem>>, vector<1x16xf32>,
      %swap3A_79 = arith.index_cast %scan3A_58 : i32 to index
      %swap3A_80 = arith.constant 64 : index
      %swap3A_81 = tpu.vector_load %arg11[%swap3A_79, %swap3A_80] {strides = array<i32>} : memref<125x128xf32, #tpu.memory_space<vmem>>, vector<1x16xf32>,
      %swap3A_82 = vector.shape_cast %swap3A_81 : vector<1x16xf32> to vector<16xf32>
      %swap3A_83 = vector.shape_cast %broadcast_in_dim3A_32 : vector<16xf32> to vector<1x16xf32>
      tpu.vector_store %arg11[%swap3A_79, %swap3A_80], %swap3A_83 {strides = array<i32>} : memref<125x128xf32, #tpu.memory_space<vmem>>, vector<1x16xf32>,
      %swap3A_84 = arith.index_cast %scan3A_58 : i32 to index
      %swap3A_85 = arith.constant 80 : index
      %swap3A_86 = tpu.vector_load %arg11[%swap3A_84, %swap3A_85] {strides = array<i32>} : memref<125x128xf32, #tpu.memory_space<vmem>>, vector<1x16xf32>,
      %swap3A_87 = vector.shape_cast %swap3A_86 : vector<1x16xf32> to vector<16xf32>
      %swap3A_88 = vector.shape_cast %broadcast_in_dim3A_32 : vector<16xf32> to vector<1x16xf32>
      tpu.vector_store %arg11[%swap3A_84, %swap3A_85], %swap3A_88 {strides = array<i32>} : memref<125x128xf32, #tpu.memory_space<vmem>>, vector<1x16xf32>,
      %swap3A_89 = arith.index_cast %scan3A_58 : i32 to index
      %swap3A_90 = arith.constant 96 : index
      %swap3A_91 = tpu.vector_load %arg11[%swap3A_89, %swap3A_90] {strides = array<i32>} : memref<125x128xf32, #tpu.memory_space<vmem>>, vector<1x16xf32>,
      %swap3A_92 = vector.shape_cast %swap3A_91 : vector<1x16xf32> to vector<16xf32>
      %swap3A_93 = vector.shape_cast %broadcast_in_dim3A_32 : vector<16xf32> to vector<1x16xf32>
      tpu.vector_store %arg11[%swap3A_89, %swap3A_90], %swap3A_93 {strides = array<i32>} : memref<125x128xf32, #tpu.memory_space<vmem>>, vector<1x16xf32>,
      %swap3A_94 = arith.index_cast %scan3A_58 : i32 to index
      %swap3A_95 = arith.constant 112 : index
      %swap3A_96 = tpu.vector_load %arg11[%swap3A_94, %swap3A_95] {strides = array<i32>} : memref<125x128xf32, #tpu.memory_space<vmem>>, vector<1x16xf32>,
      %swap3A_97 = vector.shape_cast %swap3A_96 : vector<1x16xf32> to vector<16xf32>
      %swap3A_98 = vector.shape_cast %broadcast_in_dim3A_32 : vector<16xf32> to vector<1x16xf32>
      tpu.vector_store %arg11[%swap3A_94, %swap3A_95], %swap3A_98 {strides = array<i32>} : memref<125x128xf32, #tpu.memory_space<vmem>>, vector<1x16xf32>,
      %scan3A_99 = arith.constant 0 : i32
      scf.yield %scan3A_99 : i32
    }
    %scan3A_39 = arith.constant 125 : i32
    %run_scoped3A_40 = arith.constant 0 : i32
    "tpu.region"() ({
      %run_scoped3A_58 = tpu.sem_alloc : memref<!tpu.dma_semaphore, #tpu.memory_space<semaphore_mem>>
      %dma_start3A_59 = arith.constant 0 : i32
      %dma_start3A_60 = tpu.memref_slice %arg4[%add3A, %run_scoped3A_40, %dma_start3A_59] : memref<32x80x125xi32, #tpu.memory_space<hbm>> -> memref<1x1x125xi32, #tpu.memory_space<hbm>>
      %dma_start3A_61 = tpu.memref_squeeze %dma_start3A_60 : memref<1x1x125xi32, #tpu.memory_space<hbm>> -> memref<125xi32, #tpu.memory_space<hbm>>
      %dma_start3A_62 = arith.constant 0 : i32
      %dma_start3A_63 = tpu.memref_slice %arg4[%add3A, %run_scoped3A_40, %dma_start3A_62] : memref<32x80x125xi32, #tpu.memory_space<hbm>> -> memref<1x1x125xi32, #tpu.memory_space<hbm>>
      %dma_start3A_64 = tpu.memref_squeeze %dma_start3A_63 : memref<1x1x125xi32, #tpu.memory_space<hbm>> -> memref<125xi32, #tpu.memory_space<hbm>>
      tpu.enqueue_dma source(%dma_start3A_64 : memref<125xi32, #tpu.memory_space<hbm>>) target(%arg9 : memref<125xi32, #tpu.memory_space<vmem>>) target_semaphore(%run_scoped3A_58 : memref<!tpu.dma_semaphore, #tpu.memory_space<semaphore_mem>>)
      %dma_wait3A_65 = arith.constant 0 : i32
      %dma_wait3A_66 = tpu.memref_slice %arg4[%add3A, %run_scoped3A_40, %dma_wait3A_65] : memref<32x80x125xi32, #tpu.memory_space<hbm>> -> memref<1x1x125xi32, #tpu.memory_space<hbm>>
      %dma_wait3A_67 = tpu.memref_squeeze %dma_wait3A_66 : memref<1x1x125xi32, #tpu.memory_space<hbm>> -> memref<125xi32, #tpu.memory_space<hbm>>
      %dma_wait3A_68 = arith.constant 0 : i32
      %dma_wait3A_69 = tpu.memref_slice %arg4[%add3A, %run_scoped3A_40, %dma_wait3A_68] : memref<32x80x125xi32, #tpu.memory_space<hbm>> -> memref<1x1x125xi32, #tpu.memory_space<hbm>>
      %dma_wait3A_70 = tpu.memref_squeeze %dma_wait3A_69 : memref<1x1x125xi32, #tpu.memory_space<hbm>> -> memref<125xi32, #tpu.memory_space<hbm>>
      tpu.wait_dma2 semaphore(%run_scoped3A_58 : memref<!tpu.dma_semaphore, #tpu.memory_space<semaphore_mem>>) src(%dma_wait3A_70 : memref<125xi32, #tpu.memory_space<hbm>>) dst(%arg9 : memref<125xi32, #tpu.memory_space<vmem>>)
      tpu.yield
    }) : () -> ()
    %dma_start3A_41 = arith.constant 0 : i32
    %dma_start3A_42 = arith.constant 0 : i32
    %dma_start3A_43 = tpu.memref_slice %arg13[%dma_start3A_41, %dma_start3A_42] : memref<10112x128xf32, #tpu.memory_space<vmem_shared>> -> memref<10112x128xf32, #tpu.memory_space<vmem_shared>>
    tpu.enqueue_indirect_dma source(%arg11 : memref<125x128xf32, #tpu.memory_space<vmem>>) target(%dma_start3A_43 : memref<10112x128xf32, #tpu.memory_space<vmem_shared>>) offsets(%arg9 : memref<125xi32, #tpu.memory_space<vmem>>) semaphore(%arg17 : memref<!tpu.dma_semaphore, #tpu.memory_space<semaphore_mem>>) {add = true}
    %scan3A_44 = arith.constant 0 : i32
    %scan3A_45 = arith.constant 0 : i32
    %scan3A_46 = arith.constant 40 : i32
    %scan3A_47 = arith.addi %scan3A_45, %scan3A_46 : i32
    %scan3A_48 = arith.constant 1 : i32
    %scan3A_49 = scf.for %scan3A_58 = %scan3A_45 to %scan3A_47 step %scan3A_48 iter_args(%scan3A_59 = %scan3A_44) -> (i32)  : i32 {
      %mul3A_60 = arith.constant 2 : i32
      %mul3A_61 = arith.muli %mul3A_60, %scan3A_58 : i32
      %add3A_62 = arith.constant 1 : i32
      %add3A_63 = arith.addi %mul3A_61, %add3A_62 : i32
      %dma_wait3A_64 = arith.constant 0 : i32
      %dma_wait3A_65 = arith.constant 0 : i32
      %dma_wait3A_66 = tpu.memref_slice %arg13[%dma_wait3A_64, %dma_wait3A_65] : memref<10112x128xf32, #tpu.memory_space<vmem_shared>> -> memref<10112x128xf32, #tpu.memory_space<vmem_shared>>
      tpu.wait_indirect_dma semaphore(%arg17 : memref<!tpu.dma_semaphore, #tpu.memory_space<semaphore_mem>>) src(%arg11 : memref<125x128xf32, #tpu.memory_space<vmem>>) dst(%dma_wait3A_66 : memref<10112x128xf32, #tpu.memory_space<vmem_shared>>)
      "tpu.region"() ({
        %run_scoped3A_93 = tpu.sem_alloc : memref<!tpu.dma_semaphore, #tpu.memory_space<semaphore_mem>>
        %dma_start3A_94 = arith.constant 0 : i32
        %dma_start3A_95 = tpu.memref_slice %arg3[%add3A, %add3A_63, %dma_start3A_94] : memref<32x80x125xi32, #tpu.memory_space<hbm>> -> memref<1x1x125xi32, #tpu.memory_space<hbm>>
        %dma_start3A_96 = tpu.memref_squeeze %dma_start3A_95 : memref<1x1x125xi32, #tpu.memory_space<hbm>> -> memref<125xi32, #tpu.memory_space<hbm>>
        %dma_start3A_97 = arith.constant 0 : i32
        %dma_start3A_98 = tpu.memref_slice %arg3[%add3A, %add3A_63, %dma_start3A_97] : memref<32x80x125xi32, #tpu.memory_space<hbm>> -> memref<1x1x125xi32, #tpu.memory_space<hbm>>
        %dma_start3A_99 = tpu.memref_squeeze %dma_start3A_98 : memref<1x1x125xi32, #tpu.memory_space<hbm>> -> memref<125xi32, #tpu.memory_space<hbm>>
        tpu.enqueue_dma source(%dma_start3A_99 : memref<125xi32, #tpu.memory_space<hbm>>) target(%arg8 : memref<125xi32, #tpu.memory_space<vmem>>) target_semaphore(%run_scoped3A_93 : memref<!tpu.dma_semaphore, #tpu.memory_space<semaphore_mem>>)
        %dma_wait3A_100 = arith.constant 0 : i32
        %dma_wait3A_101 = tpu.memref_slice %arg3[%add3A, %add3A_63, %dma_wait3A_100] : memref<32x80x125xi32, #tpu.memory_space<hbm>> -> memref<1x1x125xi32, #tpu.memory_space<hbm>>
        %dma_wait3A_102 = tpu.memref_squeeze %dma_wait3A_101 : memref<1x1x125xi32, #tpu.memory_space<hbm>> -> memref<125xi32, #tpu.memory_space<hbm>>
        %dma_wait3A_103 = arith.constant 0 : i32
        %dma_wait3A_104 = tpu.memref_slice %arg3[%add3A, %add3A_63, %dma_wait3A_103] : memref<32x80x125xi32, #tpu.memory_space<hbm>> -> memref<1x1x125xi32, #tpu.memory_space<hbm>>
        %dma_wait3A_105 = tpu.memref_squeeze %dma_wait3A_104 : memref<1x1x125xi32, #tpu.memory_space<hbm>> -> memref<125xi32, #tpu.memory_space<hbm>>
        tpu.wait_dma2 semaphore(%run_scoped3A_93 : memref<!tpu.dma_semaphore, #tpu.memory_space<semaphore_mem>>) src(%dma_wait3A_105 : memref<125xi32, #tpu.memory_space<hbm>>) dst(%arg8 : memref<125xi32, #tpu.memory_space<vmem>>)
        tpu.yield
      }) : () -> ()
      "tpu.region"() ({
        %run_scoped3A_93 = tpu.sem_alloc : memref<!tpu.dma_semaphore, #tpu.memory_space<semaphore_mem>>
        %dma_start3A_94 = arith.constant 0 : i32
        %dma_start3A_95 = tpu.memref_slice %arg4[%add3A, %add3A_63, %dma_start3A_94] : memref<32x80x125xi32, #tpu.memory_space<hbm>> -> memref<1x1x125xi32, #tpu.memory_space<hbm>>
        %dma_start3A_96 = tpu.memref_squeeze %dma_start3A_95 : memref<1x1x125xi32, #tpu.memory_space<hbm>> -> memref<125xi32, #tpu.memory_space<hbm>>
        %dma_start3A_97 = arith.constant 0 : i32
        %dma_start3A_98 = tpu.memref_slice %arg4[%add3A, %add3A_63, %dma_start3A_97] : memref<32x80x125xi32, #tpu.memory_space<hbm>> -> memref<1x1x125xi32, #tpu.memory_space<hbm>>
        %dma_start3A_99 = tpu.memref_squeeze %dma_start3A_98 : memref<1x1x125xi32, #tpu.memory_space<hbm>> -> memref<125xi32, #tpu.memory_space<hbm>>
        tpu.enqueue_dma source(%dma_start3A_99 : memref<125xi32, #tpu.memory_space<hbm>>) target(%arg9 : memref<125xi32, #tpu.memory_space<vmem>>) target_semaphore(%run_scoped3A_93 : memref<!tpu.dma_semaphore, #tpu.memory_space<semaphore_mem>>)
        %dma_wait3A_100 = arith.constant 0 : i32
        %dma_wait3A_101 = tpu.memref_slice %arg4[%add3A, %add3A_63, %dma_wait3A_100] : memref<32x80x125xi32, #tpu.memory_space<hbm>> -> memref<1x1x125xi32, #tpu.memory_space<hbm>>
        %dma_wait3A_102 = tpu.memref_squeeze %dma_wait3A_101 : memref<1x1x125xi32, #tpu.memory_space<hbm>> -> memref<125xi32, #tpu.memory_space<hbm>>
        %dma_wait3A_103 = arith.constant 0 : i32
        %dma_wait3A_104 = tpu.memref_slice %arg4[%add3A, %add3A_63, %dma_wait3A_103] : memref<32x80x125xi32, #tpu.memory_space<hbm>> -> memref<1x1x125xi32, #tpu.memory_space<hbm>>
        %dma_wait3A_105 = tpu.memref_squeeze %dma_wait3A_104 : memref<1x1x125xi32, #tpu.memory_space<hbm>> -> memref<125xi32, #tpu.memory_space<hbm>>
        tpu.wait_dma2 semaphore(%run_scoped3A_93 : memref<!tpu.dma_semaphore, #tpu.memory_space<semaphore_mem>>) src(%dma_wait3A_105 : memref<125xi32, #tpu.memory_space<hbm>>) dst(%arg9 : memref<125xi32, #tpu.memory_space<vmem>>)
        tpu.yield
      }) : () -> ()
      %dma_wait3A_67 = arith.constant 0 : i32
      %dma_wait3A_68 = arith.constant 0 : i32
      %dma_wait3A_69 = tpu.memref_slice %arg2[%dma_wait3A_67, %dma_wait3A_68] : memref<10112x128xf32, #tpu.memory_space<hbm>> -> memref<10112x128xf32, #tpu.memory_space<hbm>>
      tpu.wait_indirect_dma semaphore(%arg14 : memref<!tpu.dma_semaphore, #tpu.memory_space<semaphore_mem>>) src(%dma_wait3A_69 : memref<10112x128xf32, #tpu.memory_space<hbm>>) dst(%arg10 : memref<125x128xf32, #tpu.memory_space<vmem>>)
      %dma_start3A_70 = arith.constant 0 : i32
      %dma_start3A_71 = arith.constant 0 : i32
      %dma_start3A_72 = tpu.memref_slice %arg13[%dma_start3A_70, %dma_start3A_71] : memref<10112x128xf32, #tpu.memory_space<vmem_shared>> -> memref<10112x128xf32, #tpu.memory_space<vmem_shared>>
      tpu.enqueue_indirect_dma source(%arg10 : memref<125x128xf32, #tpu.memory_space<vmem>>) target(%dma_start3A_72 : memref<10112x128xf32, #tpu.memory_space<vmem_shared>>) offsets(%arg7 : memref<125xi32, #tpu.memory_space<vmem>>) semaphore(%arg16 : memref<!tpu.dma_semaphore, #tpu.memory_space<semaphore_mem>>) {add = true}
      %dma_start3A_73 = arith.constant 0 : i32
      %dma_start3A_74 = arith.constant 0 : i32
      %dma_start3A_75 = tpu.memref_slice %arg2[%dma_start3A_73, %dma_start3A_74] : memref<10112x128xf32, #tpu.memory_space<hbm>> -> memref<10112x128xf32, #tpu.memory_space<hbm>>
      tpu.enqueue_indirect_dma source(%dma_start3A_75 : memref<10112x128xf32, #tpu.memory_space<hbm>>) target(%arg11 : memref<125x128xf32, #tpu.memory_space<vmem>>) offsets(%arg8 : memref<125xi32, #tpu.memory_space<vmem>>) semaphore(%arg15 : memref<!tpu.dma_semaphore, #tpu.memory_space<semaphore_mem>>)
      %dma_wait3A_76 = arith.constant 0 : i32
      %dma_wait3A_77 = arith.constant 0 : i32
      %dma_wait3A_78 = tpu.memref_slice %arg13[%dma_wait3A_76, %dma_wait3A_77] : memref<10112x128xf32, #tpu.memory_space<vmem_shared>> -> memref<10112x128xf32, #tpu.memory_space<vmem_shared>>
      tpu.wait_indirect_dma semaphore(%arg16 : memref<!tpu.dma_semaphore, #tpu.memory_space<semaphore_mem>>) src(%arg10 : memref<125x128xf32, #tpu.memory_space<vmem>>) dst(%dma_wait3A_78 : memref<10112x128xf32, #tpu.memory_space<vmem_shared>>)
      %lt3A = arith.constant 39 : i32
      %lt3A_79 = arith.cmpi slt, %scan3A_58, %lt3A : i32
      %convert_element_type3A = arith.extui %lt3A_79 : i1 to i32
      %cond3A = arith.constant 0 : i32
      %cond3A_80 = arith.cmpi ne, %convert_element_type3A, %cond3A : i32
      scf.if %cond3A_80 {
        %add3A_93 = arith.constant 2 : i32
        %add3A_94 = arith.addi %mul3A_61, %add3A_93 : i32
        "tpu.region"() ({
          %run_scoped3A_97 = tpu.sem_alloc : memref<!tpu.dma_semaphore, #tpu.memory_space<semaphore_mem>>
          %dma_start3A_98 = arith.constant 0 : i32
          %dma_start3A_99 = tpu.memref_slice %arg3[%add3A, %add3A_94, %dma_start3A_98] : memref<32x80x125xi32, #tpu.memory_space<hbm>> -> memref<1x1x125xi32, #tpu.memory_space<hbm>>
          %dma_start3A_100 = tpu.memref_squeeze %dma_start3A_99 : memref<1x1x125xi32, #tpu.memory_space<hbm>> -> memref<125xi32, #tpu.memory_space<hbm>>
          %dma_start3A_101 = arith.constant 0 : i32
          %dma_start3A_102 = tpu.memref_slice %arg3[%add3A, %add3A_94, %dma_start3A_101] : memref<32x80x125xi32, #tpu.memory_space<hbm>> -> memref<1x1x125xi32, #tpu.memory_space<hbm>>
          %dma_start3A_103 = tpu.memref_squeeze %dma_start3A_102 : memref<1x1x125xi32, #tpu.memory_space<hbm>> -> memref<125xi32, #tpu.memory_space<hbm>>
          tpu.enqueue_dma source(%dma_start3A_103 : memref<125xi32, #tpu.memory_space<hbm>>) target(%arg6 : memref<125xi32, #tpu.memory_space<vmem>>) target_semaphore(%run_scoped3A_97 : memref<!tpu.dma_semaphore, #tpu.memory_space<semaphore_mem>>)
          %dma_wait3A_104 = arith.constant 0 : i32
          %dma_wait3A_105 = tpu.memref_slice %arg3[%add3A, %add3A_94, %dma_wait3A_104] : memref<32x80x125xi32, #tpu.memory_space<hbm>> -> memref<1x1x125xi32, #tpu.memory_space<hbm>>
          %dma_wait3A_106 = tpu.memref_squeeze %dma_wait3A_105 : memref<1x1x125xi32, #tpu.memory_space<hbm>> -> memref<125xi32, #tpu.memory_space<hbm>>
          %dma_wait3A_107 = arith.constant 0 : i32
          %dma_wait3A_108 = tpu.memref_slice %arg3[%add3A, %add3A_94, %dma_wait3A_107] : memref<32x80x125xi32, #tpu.memory_space<hbm>> -> memref<1x1x125xi32, #tpu.memory_space<hbm>>
          %dma_wait3A_109 = tpu.memref_squeeze %dma_wait3A_108 : memref<1x1x125xi32, #tpu.memory_space<hbm>> -> memref<125xi32, #tpu.memory_space<hbm>>
          tpu.wait_dma2 semaphore(%run_scoped3A_97 : memref<!tpu.dma_semaphore, #tpu.memory_space<semaphore_mem>>) src(%dma_wait3A_109 : memref<125xi32, #tpu.memory_space<hbm>>) dst(%arg6 : memref<125xi32, #tpu.memory_space<vmem>>)
          tpu.yield
        }) : () -> ()
        %add3A_95 = arith.constant 2 : i32
        %add3A_96 = arith.addi %mul3A_61, %add3A_95 : i32
        "tpu.region"() ({
          %run_scoped3A_97 = tpu.sem_alloc : memref<!tpu.dma_semaphore, #tpu.memory_space<semaphore_mem>>
          %dma_start3A_98 = arith.constant 0 : i32
          %dma_start3A_99 = tpu.memref_slice %arg4[%add3A, %add3A_96, %dma_start3A_98] : memref<32x80x125xi32, #tpu.memory_space<hbm>> -> memref<1x1x125xi32, #tpu.memory_space<hbm>>
          %dma_start3A_100 = tpu.memref_squeeze %dma_start3A_99 : memref<1x1x125xi32, #tpu.memory_space<hbm>> -> memref<125xi32, #tpu.memory_space<hbm>>
          %dma_start3A_101 = arith.constant 0 : i32
          %dma_start3A_102 = tpu.memref_slice %arg4[%add3A, %add3A_96, %dma_start3A_101] : memref<32x80x125xi32, #tpu.memory_space<hbm>> -> memref<1x1x125xi32, #tpu.memory_space<hbm>>
          %dma_start3A_103 = tpu.memref_squeeze %dma_start3A_102 : memref<1x1x125xi32, #tpu.memory_space<hbm>> -> memref<125xi32, #tpu.memory_space<hbm>>
          tpu.enqueue_dma source(%dma_start3A_103 : memref<125xi32, #tpu.memory_space<hbm>>) target(%arg7 : memref<125xi32, #tpu.memory_space<vmem>>) target_semaphore(%run_scoped3A_97 : memref<!tpu.dma_semaphore, #tpu.memory_space<semaphore_mem>>)
          %dma_wait3A_104 = arith.constant 0 : i32
          %dma_wait3A_105 = tpu.memref_slice %arg4[%add3A, %add3A_96, %dma_wait3A_104] : memref<32x80x125xi32, #tpu.memory_space<hbm>> -> memref<1x1x125xi32, #tpu.memory_space<hbm>>
          %dma_wait3A_106 = tpu.memref_squeeze %dma_wait3A_105 : memref<1x1x125xi32, #tpu.memory_space<hbm>> -> memref<125xi32, #tpu.memory_space<hbm>>
          %dma_wait3A_107 = arith.constant 0 : i32
          %dma_wait3A_108 = tpu.memref_slice %arg4[%add3A, %add3A_96, %dma_wait3A_107] : memref<32x80x125xi32, #tpu.memory_space<hbm>> -> memref<1x1x125xi32, #tpu.memory_space<hbm>>
          %dma_wait3A_109 = tpu.memref_squeeze %dma_wait3A_108 : memref<1x1x125xi32, #tpu.memory_space<hbm>> -> memref<125xi32, #tpu.memory_space<hbm>>
          tpu.wait_dma2 semaphore(%run_scoped3A_97 : memref<!tpu.dma_semaphore, #tpu.memory_space<semaphore_mem>>) src(%dma_wait3A_109 : memref<125xi32, #tpu.memory_space<hbm>>) dst(%arg7 : memref<125xi32, #tpu.memory_space<vmem>>)
          tpu.yield
        }) : () -> ()
      } else {
      }
      %dma_wait3A_81 = arith.constant 0 : i32
      %dma_wait3A_82 = arith.constant 0 : i32
      %dma_wait3A_83 = tpu.memref_slice %arg2[%dma_wait3A_81, %dma_wait3A_82] : memref<10112x128xf32, #tpu.memory_space<hbm>> -> memref<10112x128xf32, #tpu.memory_space<hbm>>
      tpu.wait_indirect_dma semaphore(%arg15 : memref<!tpu.dma_semaphore, #tpu.memory_space<semaphore_mem>>) src(%dma_wait3A_83 : memref<10112x128xf32, #tpu.memory_space<hbm>>) dst(%arg11 : memref<125x128xf32, #tpu.memory_space<vmem>>)
      %dma_start3A_84 = arith.constant 0 : i32
      %dma_start3A_85 = arith.constant 0 : i32
      %dma_start3A_86 = tpu.memref_slice %arg13[%dma_start3A_84, %dma_start3A_85] : memref<10112x128xf32, #tpu.memory_space<vmem_shared>> -> memref<10112x128xf32, #tpu.memory_space<vmem_shared>>
      tpu.enqueue_indirect_dma source(%arg11 : memref<125x128xf32, #tpu.memory_space<vmem>>) target(%dma_start3A_86 : memref<10112x128xf32, #tpu.memory_space<vmem_shared>>) offsets(%arg9 : memref<125xi32, #tpu.memory_space<vmem>>) semaphore(%arg17 : memref<!tpu.dma_semaphore, #tpu.memory_space<semaphore_mem>>) {add = true}
      %lt3A_87 = arith.constant 39 : i32
      %lt3A_88 = arith.cmpi slt, %scan3A_58, %lt3A_87 : i32
      %convert_element_type3A_89 = arith.extui %lt3A_88 : i1 to i32
      %cond3A_90 = arith.constant 0 : i32
      %cond3A_91 = arith.cmpi ne, %convert_element_type3A_89, %cond3A_90 : i32
      scf.if %cond3A_91 {
        %dma_start3A_93 = arith.constant 0 : i32
        %dma_start3A_94 = arith.constant 0 : i32
        %dma_start3A_95 = tpu.memref_slice %arg2[%dma_start3A_93, %dma_start3A_94] : memref<10112x128xf32, #tpu.memory_space<hbm>> -> memref<10112x128xf32, #tpu.memory_space<hbm>>
        tpu.enqueue_indirect_dma source(%dma_start3A_95 : memref<10112x128xf32, #tpu.memory_space<hbm>>) target(%arg10 : memref<125x128xf32, #tpu.memory_space<vmem>>) offsets(%arg6 : memref<125xi32, #tpu.memory_space<vmem>>) semaphore(%arg14 : memref<!tpu.dma_semaphore, #tpu.memory_space<semaphore_mem>>)
      } else {
      }
      %scan3A_92 = arith.constant 0 : i32
      scf.yield %scan3A_92 : i32
    }
    %scan3A_50 = arith.constant 40 : i32
    %dma_wait3A = arith.constant 0 : i32
    %dma_wait3A_51 = arith.constant 0 : i32
    %dma_wait3A_52 = tpu.memref_slice %arg13[%dma_wait3A, %dma_wait3A_51] : memref<10112x128xf32, #tpu.memory_space<vmem_shared>> -> memref<10112x128xf32, #tpu.memory_space<vmem_shared>>
    tpu.wait_indirect_dma semaphore(%arg17 : memref<!tpu.dma_semaphore, #tpu.memory_space<semaphore_mem>>) src(%arg11 : memref<125x128xf32, #tpu.memory_space<vmem>>) dst(%dma_wait3A_52 : memref<10112x128xf32, #tpu.memory_space<vmem_shared>>)
    %barrier3A_53 = arith.constant 0 : index
    tpu.barrier barrier_id(%barrier3A_53)
    %mul3A_54 = arith.constant 632 : i32
    %mul3A_55 = arith.muli %arg1, %mul3A_54 : i32
    %mul3A_56 = arith.constant 632 : i32
    %mul3A_57 = arith.muli %arg1, %mul3A_56 : i32
    "tpu.region"() ({
      %run_scoped3A_58 = tpu.sem_alloc : memref<!tpu.dma_semaphore, #tpu.memory_space<semaphore_mem>>
      %dma_start3A_59 = arith.constant 0 : i32
      %dma_start3A_60 = tpu.memref_slice %arg5[%arg0, %mul3A_57, %dma_start3A_59] : memref<2x10112x128xf32, #tpu.memory_space<hbm>> -> memref<1x632x128xf32, #tpu.memory_space<hbm>>
      %dma_start3A_61 = tpu.memref_squeeze %dma_start3A_60 : memref<1x632x128xf32, #tpu.memory_space<hbm>> -> memref<632x128xf32, #tpu.memory_space<hbm>>
      %dma_start3A_62 = arith.constant 0 : i32
      %dma_start3A_63 = tpu.memref_slice %arg13[%mul3A_55, %dma_start3A_62] : memref<10112x128xf32, #tpu.memory_space<vmem_shared>> -> memref<632x128xf32, #tpu.memory_space<vmem_shared>>
      tpu.enqueue_dma source(%dma_start3A_63 : memref<632x128xf32, #tpu.memory_space<vmem_shared>>) target(%dma_start3A_61 : memref<632x128xf32, #tpu.memory_space<hbm>>) target_semaphore(%run_scoped3A_58 : memref<!tpu.dma_semaphore, #tpu.memory_space<semaphore_mem>>)
      %dma_wait3A_64 = arith.constant 0 : i32
      %dma_wait3A_65 = tpu.memref_slice %arg5[%arg0, %mul3A_57, %dma_wait3A_64] : memref<2x10112x128xf32, #tpu.memory_space<hbm>> -> memref<1x632x128xf32, #tpu.memory_space<hbm>>
      %dma_wait3A_66 = tpu.memref_squeeze %dma_wait3A_65 : memref<1x632x128xf32, #tpu.memory_space<hbm>> -> memref<632x128xf32, #tpu.memory_space<hbm>>
      %dma_wait3A_67 = arith.constant 0 : i32
      %dma_wait3A_68 = tpu.memref_slice %arg13[%mul3A_55, %dma_wait3A_67] : memref<10112x128xf32, #tpu.memory_space<vmem_shared>> -> memref<632x128xf32, #tpu.memory_space<vmem_shared>>
      tpu.wait_dma2 semaphore(%run_scoped3A_58 : memref<!tpu.dma_semaphore, #tpu.memory_space<semaphore_mem>>) src(%dma_wait3A_68 : memref<632x128xf32, #tpu.memory_space<vmem_shared>>) dst(%dma_wait3A_66 : memref<632x128xf32, #tpu.memory_space<hbm>>)
      tpu.yield
    }) : () -> ()
    return
  }
}

#map = affine_map<(d0, d1) -> (0, 0, 0)>
module attributes {stable_mosaic.version = 14 : i64} {
  func.func @_deg_kernel(%arg0: i32, %arg1: i32, %arg2: memref<32x80x125xi32, #tpu.memory_space<hbm>>, %arg3: memref<2x10112x128xf32, #tpu.memory_space<hbm>>, %arg4: memref<125xi32, #tpu.memory_space<vmem>>, %arg5: memref<125xi32, #tpu.memory_space<vmem>>, %arg6: memref<125x128xf32, #tpu.memory_space<vmem>>, %arg7: memref<128x128xf32, #tpu.memory_space<vmem>>, %arg8: memref<10112x128xf32, #tpu.memory_space<vmem_shared>>, %arg9: memref<!tpu.dma_semaphore, #tpu.memory_space<semaphore_mem>>, %arg10: memref<!tpu.dma_semaphore, #tpu.memory_space<semaphore_mem>>) attributes {dimension_semantics = [#tpu.dimension_semantics<core_parallel>, #tpu.dimension_semantics<subcore_parallel>], iteration_bounds = array<i64: 2, 16>, scalar_prefetch = 0 : i64, scratch_operands = 7 : i64, tpu.core_type = #tpu.core_type<sc_vector_subcore>, window_params = [{transform_indices = #map}, {transform_indices = #map}]} {
    %mul3A = arith.constant 16 : i32
    %mul3A_0 = arith.muli %arg0, %mul3A : i32
    %add3A = arith.addi %mul3A_0, %arg1 : i32
    %broadcast_in_dim3A = arith.constant 1.000000e+00 : f32
    %broadcast_in_dim3A_1 = vector.broadcast %broadcast_in_dim3A : f32 to vector<16xf32>
    %scan3A = arith.constant 0 : i32
    %scan3A_2 = arith.constant 0 : i32
    %scan3A_3 = arith.constant 125 : i32
    %scan3A_4 = arith.addi %scan3A_2, %scan3A_3 : i32
    %scan3A_5 = arith.constant 1 : i32
    %scan3A_6 = scf.for %scan3A_60 = %scan3A_2 to %scan3A_4 step %scan3A_5 iter_args(%scan3A_61 = %scan3A) -> (i32)  : i32 {
      %swap3A = arith.index_cast %scan3A_60 : i32 to index
      %swap3A_62 = arith.constant 0 : index
      %swap3A_63 = tpu.vector_load %arg6[%swap3A, %swap3A_62] {strides = array<i32>} : memref<125x128xf32, #tpu.memory_space<vmem>>, vector<1x16xf32>,
      %swap3A_64 = vector.shape_cast %swap3A_63 : vector<1x16xf32> to vector<16xf32>
      %swap3A_65 = vector.shape_cast %broadcast_in_dim3A_1 : vector<16xf32> to vector<1x16xf32>
      tpu.vector_store %arg6[%swap3A, %swap3A_62], %swap3A_65 {strides = array<i32>} : memref<125x128xf32, #tpu.memory_space<vmem>>, vector<1x16xf32>,
      %swap3A_66 = arith.index_cast %scan3A_60 : i32 to index
      %swap3A_67 = arith.constant 16 : index
      %swap3A_68 = tpu.vector_load %arg6[%swap3A_66, %swap3A_67] {strides = array<i32>} : memref<125x128xf32, #tpu.memory_space<vmem>>, vector<1x16xf32>,
      %swap3A_69 = vector.shape_cast %swap3A_68 : vector<1x16xf32> to vector<16xf32>
      %swap3A_70 = vector.shape_cast %broadcast_in_dim3A_1 : vector<16xf32> to vector<1x16xf32>
      tpu.vector_store %arg6[%swap3A_66, %swap3A_67], %swap3A_70 {strides = array<i32>} : memref<125x128xf32, #tpu.memory_space<vmem>>, vector<1x16xf32>,
      %swap3A_71 = arith.index_cast %scan3A_60 : i32 to index
      %swap3A_72 = arith.constant 32 : index
      %swap3A_73 = tpu.vector_load %arg6[%swap3A_71, %swap3A_72] {strides = array<i32>} : memref<125x128xf32, #tpu.memory_space<vmem>>, vector<1x16xf32>,
      %swap3A_74 = vector.shape_cast %swap3A_73 : vector<1x16xf32> to vector<16xf32>
      %swap3A_75 = vector.shape_cast %broadcast_in_dim3A_1 : vector<16xf32> to vector<1x16xf32>
      tpu.vector_store %arg6[%swap3A_71, %swap3A_72], %swap3A_75 {strides = array<i32>} : memref<125x128xf32, #tpu.memory_space<vmem>>, vector<1x16xf32>,
      %swap3A_76 = arith.index_cast %scan3A_60 : i32 to index
      %swap3A_77 = arith.constant 48 : index
      %swap3A_78 = tpu.vector_load %arg6[%swap3A_76, %swap3A_77] {strides = array<i32>} : memref<125x128xf32, #tpu.memory_space<vmem>>, vector<1x16xf32>,
      %swap3A_79 = vector.shape_cast %swap3A_78 : vector<1x16xf32> to vector<16xf32>
      %swap3A_80 = vector.shape_cast %broadcast_in_dim3A_1 : vector<16xf32> to vector<1x16xf32>
      tpu.vector_store %arg6[%swap3A_76, %swap3A_77], %swap3A_80 {strides = array<i32>} : memref<125x128xf32, #tpu.memory_space<vmem>>, vector<1x16xf32>,
      %swap3A_81 = arith.index_cast %scan3A_60 : i32 to index
      %swap3A_82 = arith.constant 64 : index
      %swap3A_83 = tpu.vector_load %arg6[%swap3A_81, %swap3A_82] {strides = array<i32>} : memref<125x128xf32, #tpu.memory_space<vmem>>, vector<1x16xf32>,
      %swap3A_84 = vector.shape_cast %swap3A_83 : vector<1x16xf32> to vector<16xf32>
      %swap3A_85 = vector.shape_cast %broadcast_in_dim3A_1 : vector<16xf32> to vector<1x16xf32>
      tpu.vector_store %arg6[%swap3A_81, %swap3A_82], %swap3A_85 {strides = array<i32>} : memref<125x128xf32, #tpu.memory_space<vmem>>, vector<1x16xf32>,
      %swap3A_86 = arith.index_cast %scan3A_60 : i32 to index
      %swap3A_87 = arith.constant 80 : index
      %swap3A_88 = tpu.vector_load %arg6[%swap3A_86, %swap3A_87] {strides = array<i32>} : memref<125x128xf32, #tpu.memory_space<vmem>>, vector<1x16xf32>,
      %swap3A_89 = vector.shape_cast %swap3A_88 : vector<1x16xf32> to vector<16xf32>
      %swap3A_90 = vector.shape_cast %broadcast_in_dim3A_1 : vector<16xf32> to vector<1x16xf32>
      tpu.vector_store %arg6[%swap3A_86, %swap3A_87], %swap3A_90 {strides = array<i32>} : memref<125x128xf32, #tpu.memory_space<vmem>>, vector<1x16xf32>,
      %swap3A_91 = arith.index_cast %scan3A_60 : i32 to index
      %swap3A_92 = arith.constant 96 : index
      %swap3A_93 = tpu.vector_load %arg6[%swap3A_91, %swap3A_92] {strides = array<i32>} : memref<125x128xf32, #tpu.memory_space<vmem>>, vector<1x16xf32>,
      %swap3A_94 = vector.shape_cast %swap3A_93 : vector<1x16xf32> to vector<16xf32>
      %swap3A_95 = vector.shape_cast %broadcast_in_dim3A_1 : vector<16xf32> to vector<1x16xf32>
      tpu.vector_store %arg6[%swap3A_91, %swap3A_92], %swap3A_95 {strides = array<i32>} : memref<125x128xf32, #tpu.memory_space<vmem>>, vector<1x16xf32>,
      %swap3A_96 = arith.index_cast %scan3A_60 : i32 to index
      %swap3A_97 = arith.constant 112 : index
      %swap3A_98 = tpu.vector_load %arg6[%swap3A_96, %swap3A_97] {strides = array<i32>} : memref<125x128xf32, #tpu.memory_space<vmem>>, vector<1x16xf32>,
      %swap3A_99 = vector.shape_cast %swap3A_98 : vector<1x16xf32> to vector<16xf32>
      %swap3A_100 = vector.shape_cast %broadcast_in_dim3A_1 : vector<16xf32> to vector<1x16xf32>
      tpu.vector_store %arg6[%swap3A_96, %swap3A_97], %swap3A_100 {strides = array<i32>} : memref<125x128xf32, #tpu.memory_space<vmem>>, vector<1x16xf32>,
      %scan3A_101 = arith.constant 0 : i32
      scf.yield %scan3A_101 : i32
    }
    %scan3A_7 = arith.constant 125 : i32
    %broadcast_in_dim3A_8 = arith.constant 0.000000e+00 : f32
    %broadcast_in_dim3A_9 = vector.broadcast %broadcast_in_dim3A_8 : f32 to vector<16xf32>
    %scan3A_10 = arith.constant 0 : i32
    %scan3A_11 = arith.constant 0 : i32
    %scan3A_12 = arith.constant 128 : i32
    %scan3A_13 = arith.addi %scan3A_11, %scan3A_12 : i32
    %scan3A_14 = arith.constant 1 : i32
    %scan3A_15 = scf.for %scan3A_60 = %scan3A_11 to %scan3A_13 step %scan3A_14 iter_args(%scan3A_61 = %scan3A_10) -> (i32)  : i32 {
      %swap3A = arith.index_cast %scan3A_60 : i32 to index
      %swap3A_62 = arith.constant 0 : index
      %swap3A_63 = tpu.vector_load %arg7[%swap3A, %swap3A_62] {strides = array<i32>} : memref<128x128xf32, #tpu.memory_space<vmem>>, vector<1x16xf32>,
      %swap3A_64 = vector.shape_cast %swap3A_63 : vector<1x16xf32> to vector<16xf32>
      %swap3A_65 = vector.shape_cast %broadcast_in_dim3A_9 : vector<16xf32> to vector<1x16xf32>
      tpu.vector_store %arg7[%swap3A, %swap3A_62], %swap3A_65 {strides = array<i32>} : memref<128x128xf32, #tpu.memory_space<vmem>>, vector<1x16xf32>,
      %swap3A_66 = arith.index_cast %scan3A_60 : i32 to index
      %swap3A_67 = arith.constant 16 : index
      %swap3A_68 = tpu.vector_load %arg7[%swap3A_66, %swap3A_67] {strides = array<i32>} : memref<128x128xf32, #tpu.memory_space<vmem>>, vector<1x16xf32>,
      %swap3A_69 = vector.shape_cast %swap3A_68 : vector<1x16xf32> to vector<16xf32>
      %swap3A_70 = vector.shape_cast %broadcast_in_dim3A_9 : vector<16xf32> to vector<1x16xf32>
      tpu.vector_store %arg7[%swap3A_66, %swap3A_67], %swap3A_70 {strides = array<i32>} : memref<128x128xf32, #tpu.memory_space<vmem>>, vector<1x16xf32>,
      %swap3A_71 = arith.index_cast %scan3A_60 : i32 to index
      %swap3A_72 = arith.constant 32 : index
      %swap3A_73 = tpu.vector_load %arg7[%swap3A_71, %swap3A_72] {strides = array<i32>} : memref<128x128xf32, #tpu.memory_space<vmem>>, vector<1x16xf32>,
      %swap3A_74 = vector.shape_cast %swap3A_73 : vector<1x16xf32> to vector<16xf32>
      %swap3A_75 = vector.shape_cast %broadcast_in_dim3A_9 : vector<16xf32> to vector<1x16xf32>
      tpu.vector_store %arg7[%swap3A_71, %swap3A_72], %swap3A_75 {strides = array<i32>} : memref<128x128xf32, #tpu.memory_space<vmem>>, vector<1x16xf32>,
      %swap3A_76 = arith.index_cast %scan3A_60 : i32 to index
      %swap3A_77 = arith.constant 48 : index
      %swap3A_78 = tpu.vector_load %arg7[%swap3A_76, %swap3A_77] {strides = array<i32>} : memref<128x128xf32, #tpu.memory_space<vmem>>, vector<1x16xf32>,
      %swap3A_79 = vector.shape_cast %swap3A_78 : vector<1x16xf32> to vector<16xf32>
      %swap3A_80 = vector.shape_cast %broadcast_in_dim3A_9 : vector<16xf32> to vector<1x16xf32>
      tpu.vector_store %arg7[%swap3A_76, %swap3A_77], %swap3A_80 {strides = array<i32>} : memref<128x128xf32, #tpu.memory_space<vmem>>, vector<1x16xf32>,
      %swap3A_81 = arith.index_cast %scan3A_60 : i32 to index
      %swap3A_82 = arith.constant 64 : index
      %swap3A_83 = tpu.vector_load %arg7[%swap3A_81, %swap3A_82] {strides = array<i32>} : memref<128x128xf32, #tpu.memory_space<vmem>>, vector<1x16xf32>,
      %swap3A_84 = vector.shape_cast %swap3A_83 : vector<1x16xf32> to vector<16xf32>
      %swap3A_85 = vector.shape_cast %broadcast_in_dim3A_9 : vector<16xf32> to vector<1x16xf32>
      tpu.vector_store %arg7[%swap3A_81, %swap3A_82], %swap3A_85 {strides = array<i32>} : memref<128x128xf32, #tpu.memory_space<vmem>>, vector<1x16xf32>,
      %swap3A_86 = arith.index_cast %scan3A_60 : i32 to index
      %swap3A_87 = arith.constant 80 : index
      %swap3A_88 = tpu.vector_load %arg7[%swap3A_86, %swap3A_87] {strides = array<i32>} : memref<128x128xf32, #tpu.memory_space<vmem>>, vector<1x16xf32>,
      %swap3A_89 = vector.shape_cast %swap3A_88 : vector<1x16xf32> to vector<16xf32>
      %swap3A_90 = vector.shape_cast %broadcast_in_dim3A_9 : vector<16xf32> to vector<1x16xf32>
      tpu.vector_store %arg7[%swap3A_86, %swap3A_87], %swap3A_90 {strides = array<i32>} : memref<128x128xf32, #tpu.memory_space<vmem>>, vector<1x16xf32>,
      %swap3A_91 = arith.index_cast %scan3A_60 : i32 to index
      %swap3A_92 = arith.constant 96 : index
      %swap3A_93 = tpu.vector_load %arg7[%swap3A_91, %swap3A_92] {strides = array<i32>} : memref<128x128xf32, #tpu.memory_space<vmem>>, vector<1x16xf32>,
      %swap3A_94 = vector.shape_cast %swap3A_93 : vector<1x16xf32> to vector<16xf32>
      %swap3A_95 = vector.shape_cast %broadcast_in_dim3A_9 : vector<16xf32> to vector<1x16xf32>
      tpu.vector_store %arg7[%swap3A_91, %swap3A_92], %swap3A_95 {strides = array<i32>} : memref<128x128xf32, #tpu.memory_space<vmem>>, vector<1x16xf32>,
      %swap3A_96 = arith.index_cast %scan3A_60 : i32 to index
      %swap3A_97 = arith.constant 112 : index
      %swap3A_98 = tpu.vector_load %arg7[%swap3A_96, %swap3A_97] {strides = array<i32>} : memref<128x128xf32, #tpu.memory_space<vmem>>, vector<1x16xf32>,
      %swap3A_99 = vector.shape_cast %swap3A_98 : vector<1x16xf32> to vector<16xf32>
      %swap3A_100 = vector.shape_cast %broadcast_in_dim3A_9 : vector<16xf32> to vector<1x16xf32>
      tpu.vector_store %arg7[%swap3A_96, %swap3A_97], %swap3A_100 {strides = array<i32>} : memref<128x128xf32, #tpu.memory_space<vmem>>, vector<1x16xf32>,
      %scan3A_101 = arith.constant 0 : i32
      scf.yield %scan3A_101 : i32
    }
    %scan3A_16 = arith.constant 128 : i32
    %mul3A_17 = arith.constant 632 : i32
    %mul3A_18 = arith.muli %arg1, %mul3A_17 : i32
    %add3A_19 = arith.constant 0 : i32
    %add3A_20 = arith.addi %mul3A_18, %add3A_19 : i32
    "tpu.region"() ({
      %run_scoped3A_60 = tpu.sem_alloc : memref<!tpu.dma_semaphore, #tpu.memory_space<semaphore_mem>>
      %dma_start3A_61 = arith.constant 0 : i32
      %dma_start3A_62 = tpu.memref_slice %arg8[%add3A_20, %dma_start3A_61] : memref<10112x128xf32, #tpu.memory_space<vmem_shared>> -> memref<128x128xf32, #tpu.memory_space<vmem_shared>>
      %dma_start3A_63 = arith.constant 0 : i32
      %dma_start3A_64 = tpu.memref_slice %arg8[%add3A_20, %dma_start3A_63] : memref<10112x128xf32, #tpu.memory_space<vmem_shared>> -> memref<128x128xf32, #tpu.memory_space<vmem_shared>>
      tpu.enqueue_dma source(%arg7 : memref<128x128xf32, #tpu.memory_space<vmem>>) target(%dma_start3A_64 : memref<128x128xf32, #tpu.memory_space<vmem_shared>>) target_semaphore(%run_scoped3A_60 : memref<!tpu.dma_semaphore, #tpu.memory_space<semaphore_mem>>)
      %dma_wait3A_65 = arith.constant 0 : i32
      %dma_wait3A_66 = tpu.memref_slice %arg8[%add3A_20, %dma_wait3A_65] : memref<10112x128xf32, #tpu.memory_space<vmem_shared>> -> memref<128x128xf32, #tpu.memory_space<vmem_shared>>
      %dma_wait3A_67 = arith.constant 0 : i32
      %dma_wait3A_68 = tpu.memref_slice %arg8[%add3A_20, %dma_wait3A_67] : memref<10112x128xf32, #tpu.memory_space<vmem_shared>> -> memref<128x128xf32, #tpu.memory_space<vmem_shared>>
      tpu.wait_dma2 semaphore(%run_scoped3A_60 : memref<!tpu.dma_semaphore, #tpu.memory_space<semaphore_mem>>) src(%arg7 : memref<128x128xf32, #tpu.memory_space<vmem>>) dst(%dma_wait3A_68 : memref<128x128xf32, #tpu.memory_space<vmem_shared>>)
      tpu.yield
    }) : () -> ()
    %mul3A_21 = arith.constant 632 : i32
    %mul3A_22 = arith.muli %arg1, %mul3A_21 : i32
    %add3A_23 = arith.constant 128 : i32
    %add3A_24 = arith.addi %mul3A_22, %add3A_23 : i32
    "tpu.region"() ({
      %run_scoped3A_60 = tpu.sem_alloc : memref<!tpu.dma_semaphore, #tpu.memory_space<semaphore_mem>>
      %dma_start3A_61 = arith.constant 0 : i32
      %dma_start3A_62 = tpu.memref_slice %arg8[%add3A_24, %dma_start3A_61] : memref<10112x128xf32, #tpu.memory_space<vmem_shared>> -> memref<128x128xf32, #tpu.memory_space<vmem_shared>>
      %dma_start3A_63 = arith.constant 0 : i32
      %dma_start3A_64 = tpu.memref_slice %arg8[%add3A_24, %dma_start3A_63] : memref<10112x128xf32, #tpu.memory_space<vmem_shared>> -> memref<128x128xf32, #tpu.memory_space<vmem_shared>>
      tpu.enqueue_dma source(%arg7 : memref<128x128xf32, #tpu.memory_space<vmem>>) target(%dma_start3A_64 : memref<128x128xf32, #tpu.memory_space<vmem_shared>>) target_semaphore(%run_scoped3A_60 : memref<!tpu.dma_semaphore, #tpu.memory_space<semaphore_mem>>)
      %dma_wait3A_65 = arith.constant 0 : i32
      %dma_wait3A_66 = tpu.memref_slice %arg8[%add3A_24, %dma_wait3A_65] : memref<10112x128xf32, #tpu.memory_space<vmem_shared>> -> memref<128x128xf32, #tpu.memory_space<vmem_shared>>
      %dma_wait3A_67 = arith.constant 0 : i32
      %dma_wait3A_68 = tpu.memref_slice %arg8[%add3A_24, %dma_wait3A_67] : memref<10112x128xf32, #tpu.memory_space<vmem_shared>> -> memref<128x128xf32, #tpu.memory_space<vmem_shared>>
      tpu.wait_dma2 semaphore(%run_scoped3A_60 : memref<!tpu.dma_semaphore, #tpu.memory_space<semaphore_mem>>) src(%arg7 : memref<128x128xf32, #tpu.memory_space<vmem>>) dst(%dma_wait3A_68 : memref<128x128xf32, #tpu.memory_space<vmem_shared>>)
      tpu.yield
    }) : () -> ()
    %mul3A_25 = arith.constant 632 : i32
    %mul3A_26 = arith.muli %arg1, %mul3A_25 : i32
    %add3A_27 = arith.constant 256 : i32
    %add3A_28 = arith.addi %mul3A_26, %add3A_27 : i32
    "tpu.region"() ({
      %run_scoped3A_60 = tpu.sem_alloc : memref<!tpu.dma_semaphore, #tpu.memory_space<semaphore_mem>>
      %dma_start3A_61 = arith.constant 0 : i32
      %dma_start3A_62 = tpu.memref_slice %arg8[%add3A_28, %dma_start3A_61] : memref<10112x128xf32, #tpu.memory_space<vmem_shared>> -> memref<128x128xf32, #tpu.memory_space<vmem_shared>>
      %dma_start3A_63 = arith.constant 0 : i32
      %dma_start3A_64 = tpu.memref_slice %arg8[%add3A_28, %dma_start3A_63] : memref<10112x128xf32, #tpu.memory_space<vmem_shared>> -> memref<128x128xf32, #tpu.memory_space<vmem_shared>>
      tpu.enqueue_dma source(%arg7 : memref<128x128xf32, #tpu.memory_space<vmem>>) target(%dma_start3A_64 : memref<128x128xf32, #tpu.memory_space<vmem_shared>>) target_semaphore(%run_scoped3A_60 : memref<!tpu.dma_semaphore, #tpu.memory_space<semaphore_mem>>)
      %dma_wait3A_65 = arith.constant 0 : i32
      %dma_wait3A_66 = tpu.memref_slice %arg8[%add3A_28, %dma_wait3A_65] : memref<10112x128xf32, #tpu.memory_space<vmem_shared>> -> memref<128x128xf32, #tpu.memory_space<vmem_shared>>
      %dma_wait3A_67 = arith.constant 0 : i32
      %dma_wait3A_68 = tpu.memref_slice %arg8[%add3A_28, %dma_wait3A_67] : memref<10112x128xf32, #tpu.memory_space<vmem_shared>> -> memref<128x128xf32, #tpu.memory_space<vmem_shared>>
      tpu.wait_dma2 semaphore(%run_scoped3A_60 : memref<!tpu.dma_semaphore, #tpu.memory_space<semaphore_mem>>) src(%arg7 : memref<128x128xf32, #tpu.memory_space<vmem>>) dst(%dma_wait3A_68 : memref<128x128xf32, #tpu.memory_space<vmem_shared>>)
      tpu.yield
    }) : () -> ()
    %mul3A_29 = arith.constant 632 : i32
    %mul3A_30 = arith.muli %arg1, %mul3A_29 : i32
    %add3A_31 = arith.constant 384 : i32
    %add3A_32 = arith.addi %mul3A_30, %add3A_31 : i32
    "tpu.region"() ({
      %run_scoped3A_60 = tpu.sem_alloc : memref<!tpu.dma_semaphore, #tpu.memory_space<semaphore_mem>>
      %dma_start3A_61 = arith.constant 0 : i32
      %dma_start3A_62 = tpu.memref_slice %arg8[%add3A_32, %dma_start3A_61] : memref<10112x128xf32, #tpu.memory_space<vmem_shared>> -> memref<128x128xf32, #tpu.memory_space<vmem_shared>>
      %dma_start3A_63 = arith.constant 0 : i32
      %dma_start3A_64 = tpu.memref_slice %arg8[%add3A_32, %dma_start3A_63] : memref<10112x128xf32, #tpu.memory_space<vmem_shared>> -> memref<128x128xf32, #tpu.memory_space<vmem_shared>>
      tpu.enqueue_dma source(%arg7 : memref<128x128xf32, #tpu.memory_space<vmem>>) target(%dma_start3A_64 : memref<128x128xf32, #tpu.memory_space<vmem_shared>>) target_semaphore(%run_scoped3A_60 : memref<!tpu.dma_semaphore, #tpu.memory_space<semaphore_mem>>)
      %dma_wait3A_65 = arith.constant 0 : i32
      %dma_wait3A_66 = tpu.memref_slice %arg8[%add3A_32, %dma_wait3A_65] : memref<10112x128xf32, #tpu.memory_space<vmem_shared>> -> memref<128x128xf32, #tpu.memory_space<vmem_shared>>
      %dma_wait3A_67 = arith.constant 0 : i32
      %dma_wait3A_68 = tpu.memref_slice %arg8[%add3A_32, %dma_wait3A_67] : memref<10112x128xf32, #tpu.memory_space<vmem_shared>> -> memref<128x128xf32, #tpu.memory_space<vmem_shared>>
      tpu.wait_dma2 semaphore(%run_scoped3A_60 : memref<!tpu.dma_semaphore, #tpu.memory_space<semaphore_mem>>) src(%arg7 : memref<128x128xf32, #tpu.memory_space<vmem>>) dst(%dma_wait3A_68 : memref<128x128xf32, #tpu.memory_space<vmem_shared>>)
      tpu.yield
    }) : () -> ()
    %mul3A_33 = arith.constant 632 : i32
    %mul3A_34 = arith.muli %arg1, %mul3A_33 : i32
    %add3A_35 = arith.constant 512 : i32
    %add3A_36 = arith.addi %mul3A_34, %add3A_35 : i32
    "tpu.region"() ({
      %run_scoped3A_60 = tpu.sem_alloc : memref<!tpu.dma_semaphore, #tpu.memory_space<semaphore_mem>>
      %dma_start3A_61 = arith.constant 0 : i32
      %dma_start3A_62 = arith.constant 0 : i32
      %dma_start3A_63 = tpu.memref_slice %arg7[%dma_start3A_61, %dma_start3A_62] : memref<128x128xf32, #tpu.memory_space<vmem>> -> memref<120x128xf32, #tpu.memory_space<vmem>>
      %dma_start3A_64 = arith.constant 0 : i32
      %dma_start3A_65 = tpu.memref_slice %arg8[%add3A_36, %dma_start3A_64] : memref<10112x128xf32, #tpu.memory_space<vmem_shared>> -> memref<120x128xf32, #tpu.memory_space<vmem_shared>>
      %dma_start3A_66 = arith.constant 0 : i32
      %dma_start3A_67 = tpu.memref_slice %arg8[%add3A_36, %dma_start3A_66] : memref<10112x128xf32, #tpu.memory_space<vmem_shared>> -> memref<120x128xf32, #tpu.memory_space<vmem_shared>>
      %dma_start3A_68 = arith.constant 0 : i32
      %dma_start3A_69 = arith.constant 0 : i32
      %dma_start3A_70 = tpu.memref_slice %arg7[%dma_start3A_68, %dma_start3A_69] : memref<128x128xf32, #tpu.memory_space<vmem>> -> memref<120x128xf32, #tpu.memory_space<vmem>>
      tpu.enqueue_dma source(%dma_start3A_70 : memref<120x128xf32, #tpu.memory_space<vmem>>) target(%dma_start3A_67 : memref<120x128xf32, #tpu.memory_space<vmem_shared>>) target_semaphore(%run_scoped3A_60 : memref<!tpu.dma_semaphore, #tpu.memory_space<semaphore_mem>>)
      %dma_wait3A_71 = arith.constant 0 : i32
      %dma_wait3A_72 = arith.constant 0 : i32
      %dma_wait3A_73 = tpu.memref_slice %arg7[%dma_wait3A_71, %dma_wait3A_72] : memref<128x128xf32, #tpu.memory_space<vmem>> -> memref<120x128xf32, #tpu.memory_space<vmem>>
      %dma_wait3A_74 = arith.constant 0 : i32
      %dma_wait3A_75 = tpu.memref_slice %arg8[%add3A_36, %dma_wait3A_74] : memref<10112x128xf32, #tpu.memory_space<vmem_shared>> -> memref<120x128xf32, #tpu.memory_space<vmem_shared>>
      %dma_wait3A_76 = arith.constant 0 : i32
      %dma_wait3A_77 = tpu.memref_slice %arg8[%add3A_36, %dma_wait3A_76] : memref<10112x128xf32, #tpu.memory_space<vmem_shared>> -> memref<120x128xf32, #tpu.memory_space<vmem_shared>>
      %dma_wait3A_78 = arith.constant 0 : i32
      %dma_wait3A_79 = arith.constant 0 : i32
      %dma_wait3A_80 = tpu.memref_slice %arg7[%dma_wait3A_78, %dma_wait3A_79] : memref<128x128xf32, #tpu.memory_space<vmem>> -> memref<120x128xf32, #tpu.memory_space<vmem>>
      tpu.wait_dma2 semaphore(%run_scoped3A_60 : memref<!tpu.dma_semaphore, #tpu.memory_space<semaphore_mem>>) src(%dma_wait3A_80 : memref<120x128xf32, #tpu.memory_space<vmem>>) dst(%dma_wait3A_77 : memref<120x128xf32, #tpu.memory_space<vmem_shared>>)
      tpu.yield
    }) : () -> ()
    %barrier3A = arith.constant 0 : index
    tpu.barrier barrier_id(%barrier3A)
    %run_scoped3A = arith.constant 0 : i32
    "tpu.region"() ({
      %run_scoped3A_60 = tpu.sem_alloc : memref<!tpu.dma_semaphore, #tpu.memory_space<semaphore_mem>>
      %dma_start3A_61 = arith.constant 0 : i32
      %dma_start3A_62 = tpu.memref_slice %arg2[%add3A, %run_scoped3A, %dma_start3A_61] : memref<32x80x125xi32, #tpu.memory_space<hbm>> -> memref<1x1x125xi32, #tpu.memory_space<hbm>>
      %dma_start3A_63 = tpu.memref_squeeze %dma_start3A_62 : memref<1x1x125xi32, #tpu.memory_space<hbm>> -> memref<125xi32, #tpu.memory_space<hbm>>
      %dma_start3A_64 = arith.constant 0 : i32
      %dma_start3A_65 = tpu.memref_slice %arg2[%add3A, %run_scoped3A, %dma_start3A_64] : memref<32x80x125xi32, #tpu.memory_space<hbm>> -> memref<1x1x125xi32, #tpu.memory_space<hbm>>
      %dma_start3A_66 = tpu.memref_squeeze %dma_start3A_65 : memref<1x1x125xi32, #tpu.memory_space<hbm>> -> memref<125xi32, #tpu.memory_space<hbm>>
      tpu.enqueue_dma source(%dma_start3A_66 : memref<125xi32, #tpu.memory_space<hbm>>) target(%arg4 : memref<125xi32, #tpu.memory_space<vmem>>) target_semaphore(%run_scoped3A_60 : memref<!tpu.dma_semaphore, #tpu.memory_space<semaphore_mem>>)
      %dma_wait3A_67 = arith.constant 0 : i32
      %dma_wait3A_68 = tpu.memref_slice %arg2[%add3A, %run_scoped3A, %dma_wait3A_67] : memref<32x80x125xi32, #tpu.memory_space<hbm>> -> memref<1x1x125xi32, #tpu.memory_space<hbm>>
      %dma_wait3A_69 = tpu.memref_squeeze %dma_wait3A_68 : memref<1x1x125xi32, #tpu.memory_space<hbm>> -> memref<125xi32, #tpu.memory_space<hbm>>
      %dma_wait3A_70 = arith.constant 0 : i32
      %dma_wait3A_71 = tpu.memref_slice %arg2[%add3A, %run_scoped3A, %dma_wait3A_70] : memref<32x80x125xi32, #tpu.memory_space<hbm>> -> memref<1x1x125xi32, #tpu.memory_space<hbm>>
      %dma_wait3A_72 = tpu.memref_squeeze %dma_wait3A_71 : memref<1x1x125xi32, #tpu.memory_space<hbm>> -> memref<125xi32, #tpu.memory_space<hbm>>
      tpu.wait_dma2 semaphore(%run_scoped3A_60 : memref<!tpu.dma_semaphore, #tpu.memory_space<semaphore_mem>>) src(%dma_wait3A_72 : memref<125xi32, #tpu.memory_space<hbm>>) dst(%arg4 : memref<125xi32, #tpu.memory_space<vmem>>)
      tpu.yield
    }) : () -> ()
    %dma_start3A = arith.constant 0 : i32
    %dma_start3A_37 = arith.constant 0 : i32
    %dma_start3A_38 = tpu.memref_slice %arg8[%dma_start3A, %dma_start3A_37] : memref<10112x128xf32, #tpu.memory_space<vmem_shared>> -> memref<10112x128xf32, #tpu.memory_space<vmem_shared>>
    tpu.enqueue_indirect_dma source(%arg6 : memref<125x128xf32, #tpu.memory_space<vmem>>) target(%dma_start3A_38 : memref<10112x128xf32, #tpu.memory_space<vmem_shared>>) offsets(%arg4 : memref<125xi32, #tpu.memory_space<vmem>>) semaphore(%arg9 : memref<!tpu.dma_semaphore, #tpu.memory_space<semaphore_mem>>) {add = true}
    %run_scoped3A_39 = arith.constant 1 : i32
    "tpu.region"() ({
      %run_scoped3A_60 = tpu.sem_alloc : memref<!tpu.dma_semaphore, #tpu.memory_space<semaphore_mem>>
      %dma_start3A_61 = arith.constant 0 : i32
      %dma_start3A_62 = tpu.memref_slice %arg2[%add3A, %run_scoped3A_39, %dma_start3A_61] : memref<32x80x125xi32, #tpu.memory_space<hbm>> -> memref<1x1x125xi32, #tpu.memory_space<hbm>>
      %dma_start3A_63 = tpu.memref_squeeze %dma_start3A_62 : memref<1x1x125xi32, #tpu.memory_space<hbm>> -> memref<125xi32, #tpu.memory_space<hbm>>
      %dma_start3A_64 = arith.constant 0 : i32
      %dma_start3A_65 = tpu.memref_slice %arg2[%add3A, %run_scoped3A_39, %dma_start3A_64] : memref<32x80x125xi32, #tpu.memory_space<hbm>> -> memref<1x1x125xi32, #tpu.memory_space<hbm>>
      %dma_start3A_66 = tpu.memref_squeeze %dma_start3A_65 : memref<1x1x125xi32, #tpu.memory_space<hbm>> -> memref<125xi32, #tpu.memory_space<hbm>>
      tpu.enqueue_dma source(%dma_start3A_66 : memref<125xi32, #tpu.memory_space<hbm>>) target(%arg5 : memref<125xi32, #tpu.memory_space<vmem>>) target_semaphore(%run_scoped3A_60 : memref<!tpu.dma_semaphore, #tpu.memory_space<semaphore_mem>>)
      %dma_wait3A_67 = arith.constant 0 : i32
      %dma_wait3A_68 = tpu.memref_slice %arg2[%add3A, %run_scoped3A_39, %dma_wait3A_67] : memref<32x80x125xi32, #tpu.memory_space<hbm>> -> memref<1x1x125xi32, #tpu.memory_space<hbm>>
      %dma_wait3A_69 = tpu.memref_squeeze %dma_wait3A_68 : memref<1x1x125xi32, #tpu.memory_space<hbm>> -> memref<125xi32, #tpu.memory_space<hbm>>
      %dma_wait3A_70 = arith.constant 0 : i32
      %dma_wait3A_71 = tpu.memref_slice %arg2[%add3A, %run_scoped3A_39, %dma_wait3A_70] : memref<32x80x125xi32, #tpu.memory_space<hbm>> -> memref<1x1x125xi32, #tpu.memory_space<hbm>>
      %dma_wait3A_72 = tpu.memref_squeeze %dma_wait3A_71 : memref<1x1x125xi32, #tpu.memory_space<hbm>> -> memref<125xi32, #tpu.memory_space<hbm>>
      tpu.wait_dma2 semaphore(%run_scoped3A_60 : memref<!tpu.dma_semaphore, #tpu.memory_space<semaphore_mem>>) src(%dma_wait3A_72 : memref<125xi32, #tpu.memory_space<hbm>>) dst(%arg5 : memref<125xi32, #tpu.memory_space<vmem>>)
      tpu.yield
    }) : () -> ()
    %dma_start3A_40 = arith.constant 0 : i32
    %dma_start3A_41 = arith.constant 0 : i32
    %dma_start3A_42 = tpu.memref_slice %arg8[%dma_start3A_40, %dma_start3A_41] : memref<10112x128xf32, #tpu.memory_space<vmem_shared>> -> memref<10112x128xf32, #tpu.memory_space<vmem_shared>>
    tpu.enqueue_indirect_dma source(%arg6 : memref<125x128xf32, #tpu.memory_space<vmem>>) target(%dma_start3A_42 : memref<10112x128xf32, #tpu.memory_space<vmem_shared>>) offsets(%arg5 : memref<125xi32, #tpu.memory_space<vmem>>) semaphore(%arg10 : memref<!tpu.dma_semaphore, #tpu.memory_space<semaphore_mem>>) {add = true}
    %scan3A_43 = arith.constant 0 : i32
    %scan3A_44 = arith.constant 1 : i32
    %scan3A_45 = arith.constant 39 : i32
    %scan3A_46 = arith.addi %scan3A_44, %scan3A_45 : i32
    %scan3A_47 = arith.constant 1 : i32
    %scan3A_48 = scf.for %scan3A_60 = %scan3A_44 to %scan3A_46 step %scan3A_47 iter_args(%scan3A_61 = %scan3A_43) -> (i32)  : i32 {
      %mul3A_62 = arith.constant 2 : i32
      %mul3A_63 = arith.muli %mul3A_62, %scan3A_60 : i32
      %dma_wait3A_64 = arith.constant 0 : i32
      %dma_wait3A_65 = arith.constant 0 : i32
      %dma_wait3A_66 = tpu.memref_slice %arg8[%dma_wait3A_64, %dma_wait3A_65] : memref<10112x128xf32, #tpu.memory_space<vmem_shared>> -> memref<10112x128xf32, #tpu.memory_space<vmem_shared>>
      tpu.wait_indirect_dma semaphore(%arg9 : memref<!tpu.dma_semaphore, #tpu.memory_space<semaphore_mem>>) src(%arg6 : memref<125x128xf32, #tpu.memory_space<vmem>>) dst(%dma_wait3A_66 : memref<10112x128xf32, #tpu.memory_space<vmem_shared>>)
      "tpu.region"() ({
        %run_scoped3A_79 = tpu.sem_alloc : memref<!tpu.dma_semaphore, #tpu.memory_space<semaphore_mem>>
        %dma_start3A_80 = arith.constant 0 : i32
        %dma_start3A_81 = tpu.memref_slice %arg2[%add3A, %mul3A_63, %dma_start3A_80] : memref<32x80x125xi32, #tpu.memory_space<hbm>> -> memref<1x1x125xi32, #tpu.memory_space<hbm>>
        %dma_start3A_82 = tpu.memref_squeeze %dma_start3A_81 : memref<1x1x125xi32, #tpu.memory_space<hbm>> -> memref<125xi32, #tpu.memory_space<hbm>>
        %dma_start3A_83 = arith.constant 0 : i32
        %dma_start3A_84 = tpu.memref_slice %arg2[%add3A, %mul3A_63, %dma_start3A_83] : memref<32x80x125xi32, #tpu.memory_space<hbm>> -> memref<1x1x125xi32, #tpu.memory_space<hbm>>
        %dma_start3A_85 = tpu.memref_squeeze %dma_start3A_84 : memref<1x1x125xi32, #tpu.memory_space<hbm>> -> memref<125xi32, #tpu.memory_space<hbm>>
        tpu.enqueue_dma source(%dma_start3A_85 : memref<125xi32, #tpu.memory_space<hbm>>) target(%arg4 : memref<125xi32, #tpu.memory_space<vmem>>) target_semaphore(%run_scoped3A_79 : memref<!tpu.dma_semaphore, #tpu.memory_space<semaphore_mem>>)
        %dma_wait3A_86 = arith.constant 0 : i32
        %dma_wait3A_87 = tpu.memref_slice %arg2[%add3A, %mul3A_63, %dma_wait3A_86] : memref<32x80x125xi32, #tpu.memory_space<hbm>> -> memref<1x1x125xi32, #tpu.memory_space<hbm>>
        %dma_wait3A_88 = tpu.memref_squeeze %dma_wait3A_87 : memref<1x1x125xi32, #tpu.memory_space<hbm>> -> memref<125xi32, #tpu.memory_space<hbm>>
        %dma_wait3A_89 = arith.constant 0 : i32
        %dma_wait3A_90 = tpu.memref_slice %arg2[%add3A, %mul3A_63, %dma_wait3A_89] : memref<32x80x125xi32, #tpu.memory_space<hbm>> -> memref<1x1x125xi32, #tpu.memory_space<hbm>>
        %dma_wait3A_91 = tpu.memref_squeeze %dma_wait3A_90 : memref<1x1x125xi32, #tpu.memory_space<hbm>> -> memref<125xi32, #tpu.memory_space<hbm>>
        tpu.wait_dma2 semaphore(%run_scoped3A_79 : memref<!tpu.dma_semaphore, #tpu.memory_space<semaphore_mem>>) src(%dma_wait3A_91 : memref<125xi32, #tpu.memory_space<hbm>>) dst(%arg4 : memref<125xi32, #tpu.memory_space<vmem>>)
        tpu.yield
      }) : () -> ()
      %dma_start3A_67 = arith.constant 0 : i32
      %dma_start3A_68 = arith.constant 0 : i32
      %dma_start3A_69 = tpu.memref_slice %arg8[%dma_start3A_67, %dma_start3A_68] : memref<10112x128xf32, #tpu.memory_space<vmem_shared>> -> memref<10112x128xf32, #tpu.memory_space<vmem_shared>>
      tpu.enqueue_indirect_dma source(%arg6 : memref<125x128xf32, #tpu.memory_space<vmem>>) target(%dma_start3A_69 : memref<10112x128xf32, #tpu.memory_space<vmem_shared>>) offsets(%arg4 : memref<125xi32, #tpu.memory_space<vmem>>) semaphore(%arg9 : memref<!tpu.dma_semaphore, #tpu.memory_space<semaphore_mem>>) {add = true}
      %dma_wait3A_70 = arith.constant 0 : i32
      %dma_wait3A_71 = arith.constant 0 : i32
      %dma_wait3A_72 = tpu.memref_slice %arg8[%dma_wait3A_70, %dma_wait3A_71] : memref<10112x128xf32, #tpu.memory_space<vmem_shared>> -> memref<10112x128xf32, #tpu.memory_space<vmem_shared>>
      tpu.wait_indirect_dma semaphore(%arg10 : memref<!tpu.dma_semaphore, #tpu.memory_space<semaphore_mem>>) src(%arg6 : memref<125x128xf32, #tpu.memory_space<vmem>>) dst(%dma_wait3A_72 : memref<10112x128xf32, #tpu.memory_space<vmem_shared>>)
      %add3A_73 = arith.constant 1 : i32
      %add3A_74 = arith.addi %mul3A_63, %add3A_73 : i32
      "tpu.region"() ({
        %run_scoped3A_79 = tpu.sem_alloc : memref<!tpu.dma_semaphore, #tpu.memory_space<semaphore_mem>>
        %dma_start3A_80 = arith.constant 0 : i32
        %dma_start3A_81 = tpu.memref_slice %arg2[%add3A, %add3A_74, %dma_start3A_80] : memref<32x80x125xi32, #tpu.memory_space<hbm>> -> memref<1x1x125xi32, #tpu.memory_space<hbm>>
        %dma_start3A_82 = tpu.memref_squeeze %dma_start3A_81 : memref<1x1x125xi32, #tpu.memory_space<hbm>> -> memref<125xi32, #tpu.memory_space<hbm>>
        %dma_start3A_83 = arith.constant 0 : i32
        %dma_start3A_84 = tpu.memref_slice %arg2[%add3A, %add3A_74, %dma_start3A_83] : memref<32x80x125xi32, #tpu.memory_space<hbm>> -> memref<1x1x125xi32, #tpu.memory_space<hbm>>
        %dma_start3A_85 = tpu.memref_squeeze %dma_start3A_84 : memref<1x1x125xi32, #tpu.memory_space<hbm>> -> memref<125xi32, #tpu.memory_space<hbm>>
        tpu.enqueue_dma source(%dma_start3A_85 : memref<125xi32, #tpu.memory_space<hbm>>) target(%arg5 : memref<125xi32, #tpu.memory_space<vmem>>) target_semaphore(%run_scoped3A_79 : memref<!tpu.dma_semaphore, #tpu.memory_space<semaphore_mem>>)
        %dma_wait3A_86 = arith.constant 0 : i32
        %dma_wait3A_87 = tpu.memref_slice %arg2[%add3A, %add3A_74, %dma_wait3A_86] : memref<32x80x125xi32, #tpu.memory_space<hbm>> -> memref<1x1x125xi32, #tpu.memory_space<hbm>>
        %dma_wait3A_88 = tpu.memref_squeeze %dma_wait3A_87 : memref<1x1x125xi32, #tpu.memory_space<hbm>> -> memref<125xi32, #tpu.memory_space<hbm>>
        %dma_wait3A_89 = arith.constant 0 : i32
        %dma_wait3A_90 = tpu.memref_slice %arg2[%add3A, %add3A_74, %dma_wait3A_89] : memref<32x80x125xi32, #tpu.memory_space<hbm>> -> memref<1x1x125xi32, #tpu.memory_space<hbm>>
        %dma_wait3A_91 = tpu.memref_squeeze %dma_wait3A_90 : memref<1x1x125xi32, #tpu.memory_space<hbm>> -> memref<125xi32, #tpu.memory_space<hbm>>
        tpu.wait_dma2 semaphore(%run_scoped3A_79 : memref<!tpu.dma_semaphore, #tpu.memory_space<semaphore_mem>>) src(%dma_wait3A_91 : memref<125xi32, #tpu.memory_space<hbm>>) dst(%arg5 : memref<125xi32, #tpu.memory_space<vmem>>)
        tpu.yield
      }) : () -> ()
      %dma_start3A_75 = arith.constant 0 : i32
      %dma_start3A_76 = arith.constant 0 : i32
      %dma_start3A_77 = tpu.memref_slice %arg8[%dma_start3A_75, %dma_start3A_76] : memref<10112x128xf32, #tpu.memory_space<vmem_shared>> -> memref<10112x128xf32, #tpu.memory_space<vmem_shared>>
      tpu.enqueue_indirect_dma source(%arg6 : memref<125x128xf32, #tpu.memory_space<vmem>>) target(%dma_start3A_77 : memref<10112x128xf32, #tpu.memory_space<vmem_shared>>) offsets(%arg5 : memref<125xi32, #tpu.memory_space<vmem>>) semaphore(%arg10 : memref<!tpu.dma_semaphore, #tpu.memory_space<semaphore_mem>>) {add = true}
      %scan3A_78 = arith.constant 0 : i32
      scf.yield %scan3A_78 : i32
    }
    %scan3A_49 = arith.constant 39 : i32
    %dma_wait3A = arith.constant 0 : i32
    %dma_wait3A_50 = arith.constant 0 : i32
    %dma_wait3A_51 = tpu.memref_slice %arg8[%dma_wait3A, %dma_wait3A_50] : memref<10112x128xf32, #tpu.memory_space<vmem_shared>> -> memref<10112x128xf32, #tpu.memory_space<vmem_shared>>
    tpu.wait_indirect_dma semaphore(%arg9 : memref<!tpu.dma_semaphore, #tpu.memory_space<semaphore_mem>>) src(%arg6 : memref<125x128xf32, #tpu.memory_space<vmem>>) dst(%dma_wait3A_51 : memref<10112x128xf32, #tpu.memory_space<vmem_shared>>)
    %dma_wait3A_52 = arith.constant 0 : i32
    %dma_wait3A_53 = arith.constant 0 : i32
    %dma_wait3A_54 = tpu.memref_slice %arg8[%dma_wait3A_52, %dma_wait3A_53] : memref<10112x128xf32, #tpu.memory_space<vmem_shared>> -> memref<10112x128xf32, #tpu.memory_space<vmem_shared>>
    tpu.wait_indirect_dma semaphore(%arg10 : memref<!tpu.dma_semaphore, #tpu.memory_space<semaphore_mem>>) src(%arg6 : memref<125x128xf32, #tpu.memory_space<vmem>>) dst(%dma_wait3A_54 : memref<10112x128xf32, #tpu.memory_space<vmem_shared>>)
    %barrier3A_55 = arith.constant 0 : index
    tpu.barrier barrier_id(%barrier3A_55)
    %mul3A_56 = arith.constant 632 : i32
    %mul3A_57 = arith.muli %arg1, %mul3A_56 : i32
    %mul3A_58 = arith.constant 632 : i32
    %mul3A_59 = arith.muli %arg1, %mul3A_58 : i32
    "tpu.region"() ({
      %run_scoped3A_60 = tpu.sem_alloc : memref<!tpu.dma_semaphore, #tpu.memory_space<semaphore_mem>>
      %dma_start3A_61 = arith.constant 0 : i32
      %dma_start3A_62 = tpu.memref_slice %arg3[%arg0, %mul3A_59, %dma_start3A_61] : memref<2x10112x128xf32, #tpu.memory_space<hbm>> -> memref<1x632x128xf32, #tpu.memory_space<hbm>>
      %dma_start3A_63 = tpu.memref_squeeze %dma_start3A_62 : memref<1x632x128xf32, #tpu.memory_space<hbm>> -> memref<632x128xf32, #tpu.memory_space<hbm>>
      %dma_start3A_64 = arith.constant 0 : i32
      %dma_start3A_65 = tpu.memref_slice %arg8[%mul3A_57, %dma_start3A_64] : memref<10112x128xf32, #tpu.memory_space<vmem_shared>> -> memref<632x128xf32, #tpu.memory_space<vmem_shared>>
      tpu.enqueue_dma source(%dma_start3A_65 : memref<632x128xf32, #tpu.memory_space<vmem_shared>>) target(%dma_start3A_63 : memref<632x128xf32, #tpu.memory_space<hbm>>) target_semaphore(%run_scoped3A_60 : memref<!tpu.dma_semaphore, #tpu.memory_space<semaphore_mem>>)
      %dma_wait3A_66 = arith.constant 0 : i32
      %dma_wait3A_67 = tpu.memref_slice %arg3[%arg0, %mul3A_59, %dma_wait3A_66] : memref<2x10112x128xf32, #tpu.memory_space<hbm>> -> memref<1x632x128xf32, #tpu.memory_space<hbm>>
      %dma_wait3A_68 = tpu.memref_squeeze %dma_wait3A_67 : memref<1x632x128xf32, #tpu.memory_space<hbm>> -> memref<632x128xf32, #tpu.memory_space<hbm>>
      %dma_wait3A_69 = arith.constant 0 : i32
      %dma_wait3A_70 = tpu.memref_slice %arg8[%mul3A_57, %dma_wait3A_69] : memref<10112x128xf32, #tpu.memory_space<vmem_shared>> -> memref<632x128xf32, #tpu.memory_space<vmem_shared>>
      tpu.wait_dma2 semaphore(%run_scoped3A_60 : memref<!tpu.dma_semaphore, #tpu.memory_space<semaphore_mem>>) src(%dma_wait3A_70 : memref<632x128xf32, #tpu.memory_space<vmem_shared>>) dst(%dma_wait3A_68 : memref<632x128xf32, #tpu.memory_space<hbm>>)
      tpu.yield
    }) : () -> ()
    return
  }
}

#map = affine_map<(d0, d1) -> (0, 0)>
#map1 = affine_map<(d0, d1) -> (0, 0, 0)>
module attributes {stable_mosaic.version = 14 : i64} {
  func.func @_edge_kernel(%arg0: i32, %arg1: i32, %arg2: memref<10112x128xf32, #tpu.memory_space<hbm>>, %arg3: memref<32x80x125xi32, #tpu.memory_space<hbm>>, %arg4: memref<32x80x125xi32, #tpu.memory_space<hbm>>, %arg5: memref<2x10112x128xf32, #tpu.memory_space<hbm>>, %arg6: memref<125xi32, #tpu.memory_space<vmem>>, %arg7: memref<125xi32, #tpu.memory_space<vmem>>, %arg8: memref<125xi32, #tpu.memory_space<vmem>>, %arg9: memref<125xi32, #tpu.memory_space<vmem>>, %arg10: memref<125x128xf32, #tpu.memory_space<vmem>>, %arg11: memref<125x128xf32, #tpu.memory_space<vmem>>, %arg12: memref<128x128xf32, #tpu.memory_space<vmem>>, %arg13: memref<10112x128xf32, #tpu.memory_space<vmem_shared>>, %arg14: memref<!tpu.dma_semaphore, #tpu.memory_space<semaphore_mem>>, %arg15: memref<!tpu.dma_semaphore, #tpu.memory_space<semaphore_mem>>, %arg16: memref<!tpu.dma_semaphore, #tpu.memory_space<semaphore_mem>>, %arg17: memref<!tpu.dma_semaphore, #tpu.memory_space<semaphore_mem>>) attributes {dimension_semantics = [#tpu.dimension_semantics<core_parallel>, #tpu.dimension_semantics<subcore_parallel>], iteration_bounds = array<i64: 2, 16>, scalar_prefetch = 0 : i64, scratch_operands = 12 : i64, tpu.core_type = #tpu.core_type<sc_vector_subcore>, window_params = [{transform_indices = #map}, {transform_indices = #map1}, {transform_indices = #map1}, {transform_indices = #map1}]} {
    %mul3A = arith.constant 16 : i32
    %mul3A_0 = arith.muli %arg0, %mul3A : i32
    %add3A = arith.addi %mul3A_0, %arg1 : i32
    %broadcast_in_dim3A = arith.constant 0.000000e+00 : f32
    %broadcast_in_dim3A_1 = vector.broadcast %broadcast_in_dim3A : f32 to vector<16xf32>
    %scan3A = arith.constant 0 : i32
    %scan3A_2 = arith.constant 0 : i32
    %scan3A_3 = arith.constant 128 : i32
    %scan3A_4 = arith.addi %scan3A_2, %scan3A_3 : i32
    %scan3A_5 = arith.constant 1 : i32
    %scan3A_6 = scf.for %scan3A_58 = %scan3A_2 to %scan3A_4 step %scan3A_5 iter_args(%scan3A_59 = %scan3A) -> (i32)  : i32 {
      %swap3A = arith.index_cast %scan3A_58 : i32 to index
      %swap3A_60 = arith.constant 0 : index
      %swap3A_61 = tpu.vector_load %arg12[%swap3A, %swap3A_60] {strides = array<i32>} : memref<128x128xf32, #tpu.memory_space<vmem>>, vector<1x16xf32>,
      %swap3A_62 = vector.shape_cast %swap3A_61 : vector<1x16xf32> to vector<16xf32>
      %swap3A_63 = vector.shape_cast %broadcast_in_dim3A_1 : vector<16xf32> to vector<1x16xf32>
      tpu.vector_store %arg12[%swap3A, %swap3A_60], %swap3A_63 {strides = array<i32>} : memref<128x128xf32, #tpu.memory_space<vmem>>, vector<1x16xf32>,
      %swap3A_64 = arith.index_cast %scan3A_58 : i32 to index
      %swap3A_65 = arith.constant 16 : index
      %swap3A_66 = tpu.vector_load %arg12[%swap3A_64, %swap3A_65] {strides = array<i32>} : memref<128x128xf32, #tpu.memory_space<vmem>>, vector<1x16xf32>,
      %swap3A_67 = vector.shape_cast %swap3A_66 : vector<1x16xf32> to vector<16xf32>
      %swap3A_68 = vector.shape_cast %broadcast_in_dim3A_1 : vector<16xf32> to vector<1x16xf32>
      tpu.vector_store %arg12[%swap3A_64, %swap3A_65], %swap3A_68 {strides = array<i32>} : memref<128x128xf32, #tpu.memory_space<vmem>>, vector<1x16xf32>,
      %swap3A_69 = arith.index_cast %scan3A_58 : i32 to index
      %swap3A_70 = arith.constant 32 : index
      %swap3A_71 = tpu.vector_load %arg12[%swap3A_69, %swap3A_70] {strides = array<i32>} : memref<128x128xf32, #tpu.memory_space<vmem>>, vector<1x16xf32>,
      %swap3A_72 = vector.shape_cast %swap3A_71 : vector<1x16xf32> to vector<16xf32>
      %swap3A_73 = vector.shape_cast %broadcast_in_dim3A_1 : vector<16xf32> to vector<1x16xf32>
      tpu.vector_store %arg12[%swap3A_69, %swap3A_70], %swap3A_73 {strides = array<i32>} : memref<128x128xf32, #tpu.memory_space<vmem>>, vector<1x16xf32>,
      %swap3A_74 = arith.index_cast %scan3A_58 : i32 to index
      %swap3A_75 = arith.constant 48 : index
      %swap3A_76 = tpu.vector_load %arg12[%swap3A_74, %swap3A_75] {strides = array<i32>} : memref<128x128xf32, #tpu.memory_space<vmem>>, vector<1x16xf32>,
      %swap3A_77 = vector.shape_cast %swap3A_76 : vector<1x16xf32> to vector<16xf32>
      %swap3A_78 = vector.shape_cast %broadcast_in_dim3A_1 : vector<16xf32> to vector<1x16xf32>
      tpu.vector_store %arg12[%swap3A_74, %swap3A_75], %swap3A_78 {strides = array<i32>} : memref<128x128xf32, #tpu.memory_space<vmem>>, vector<1x16xf32>,
      %swap3A_79 = arith.index_cast %scan3A_58 : i32 to index
      %swap3A_80 = arith.constant 64 : index
      %swap3A_81 = tpu.vector_load %arg12[%swap3A_79, %swap3A_80] {strides = array<i32>} : memref<128x128xf32, #tpu.memory_space<vmem>>, vector<1x16xf32>,
      %swap3A_82 = vector.shape_cast %swap3A_81 : vector<1x16xf32> to vector<16xf32>
      %swap3A_83 = vector.shape_cast %broadcast_in_dim3A_1 : vector<16xf32> to vector<1x16xf32>
      tpu.vector_store %arg12[%swap3A_79, %swap3A_80], %swap3A_83 {strides = array<i32>} : memref<128x128xf32, #tpu.memory_space<vmem>>, vector<1x16xf32>,
      %swap3A_84 = arith.index_cast %scan3A_58 : i32 to index
      %swap3A_85 = arith.constant 80 : index
      %swap3A_86 = tpu.vector_load %arg12[%swap3A_84, %swap3A_85] {strides = array<i32>} : memref<128x128xf32, #tpu.memory_space<vmem>>, vector<1x16xf32>,
      %swap3A_87 = vector.shape_cast %swap3A_86 : vector<1x16xf32> to vector<16xf32>
      %swap3A_88 = vector.shape_cast %broadcast_in_dim3A_1 : vector<16xf32> to vector<1x16xf32>
      tpu.vector_store %arg12[%swap3A_84, %swap3A_85], %swap3A_88 {strides = array<i32>} : memref<128x128xf32, #tpu.memory_space<vmem>>, vector<1x16xf32>,
      %swap3A_89 = arith.index_cast %scan3A_58 : i32 to index
      %swap3A_90 = arith.constant 96 : index
      %swap3A_91 = tpu.vector_load %arg12[%swap3A_89, %swap3A_90] {strides = array<i32>} : memref<128x128xf32, #tpu.memory_space<vmem>>, vector<1x16xf32>,
      %swap3A_92 = vector.shape_cast %swap3A_91 : vector<1x16xf32> to vector<16xf32>
      %swap3A_93 = vector.shape_cast %broadcast_in_dim3A_1 : vector<16xf32> to vector<1x16xf32>
      tpu.vector_store %arg12[%swap3A_89, %swap3A_90], %swap3A_93 {strides = array<i32>} : memref<128x128xf32, #tpu.memory_space<vmem>>, vector<1x16xf32>,
      %swap3A_94 = arith.index_cast %scan3A_58 : i32 to index
      %swap3A_95 = arith.constant 112 : index
      %swap3A_96 = tpu.vector_load %arg12[%swap3A_94, %swap3A_95] {strides = array<i32>} : memref<128x128xf32, #tpu.memory_space<vmem>>, vector<1x16xf32>,
      %swap3A_97 = vector.shape_cast %swap3A_96 : vector<1x16xf32> to vector<16xf32>
      %swap3A_98 = vector.shape_cast %broadcast_in_dim3A_1 : vector<16xf32> to vector<1x16xf32>
      tpu.vector_store %arg12[%swap3A_94, %swap3A_95], %swap3A_98 {strides = array<i32>} : memref<128x128xf32, #tpu.memory_space<vmem>>, vector<1x16xf32>,
      %scan3A_99 = arith.constant 0 : i32
      scf.yield %scan3A_99 : i32
    }
    %scan3A_7 = arith.constant 128 : i32
    %mul3A_8 = arith.constant 632 : i32
    %mul3A_9 = arith.muli %arg1, %mul3A_8 : i32
    %add3A_10 = arith.constant 0 : i32
    %add3A_11 = arith.addi %mul3A_9, %add3A_10 : i32
    "tpu.region"() ({
      %run_scoped3A_58 = tpu.sem_alloc : memref<!tpu.dma_semaphore, #tpu.memory_space<semaphore_mem>>
      %dma_start3A_59 = arith.constant 0 : i32
      %dma_start3A_60 = tpu.memref_slice %arg13[%add3A_11, %dma_start3A_59] : memref<10112x128xf32, #tpu.memory_space<vmem_shared>> -> memref<128x128xf32, #tpu.memory_space<vmem_shared>>
      %dma_start3A_61 = arith.constant 0 : i32
      %dma_start3A_62 = tpu.memref_slice %arg13[%add3A_11, %dma_start3A_61] : memref<10112x128xf32, #tpu.memory_space<vmem_shared>> -> memref<128x128xf32, #tpu.memory_space<vmem_shared>>
      tpu.enqueue_dma source(%arg12 : memref<128x128xf32, #tpu.memory_space<vmem>>) target(%dma_start3A_62 : memref<128x128xf32, #tpu.memory_space<vmem_shared>>) target_semaphore(%run_scoped3A_58 : memref<!tpu.dma_semaphore, #tpu.memory_space<semaphore_mem>>)
      %dma_wait3A_63 = arith.constant 0 : i32
      %dma_wait3A_64 = tpu.memref_slice %arg13[%add3A_11, %dma_wait3A_63] : memref<10112x128xf32, #tpu.memory_space<vmem_shared>> -> memref<128x128xf32, #tpu.memory_space<vmem_shared>>
      %dma_wait3A_65 = arith.constant 0 : i32
      %dma_wait3A_66 = tpu.memref_slice %arg13[%add3A_11, %dma_wait3A_65] : memref<10112x128xf32, #tpu.memory_space<vmem_shared>> -> memref<128x128xf32, #tpu.memory_space<vmem_shared>>
      tpu.wait_dma2 semaphore(%run_scoped3A_58 : memref<!tpu.dma_semaphore, #tpu.memory_space<semaphore_mem>>) src(%arg12 : memref<128x128xf32, #tpu.memory_space<vmem>>) dst(%dma_wait3A_66 : memref<128x128xf32, #tpu.memory_space<vmem_shared>>)
      tpu.yield
    }) : () -> ()
    %mul3A_12 = arith.constant 632 : i32
    %mul3A_13 = arith.muli %arg1, %mul3A_12 : i32
    %add3A_14 = arith.constant 128 : i32
    %add3A_15 = arith.addi %mul3A_13, %add3A_14 : i32
    "tpu.region"() ({
      %run_scoped3A_58 = tpu.sem_alloc : memref<!tpu.dma_semaphore, #tpu.memory_space<semaphore_mem>>
      %dma_start3A_59 = arith.constant 0 : i32
      %dma_start3A_60 = tpu.memref_slice %arg13[%add3A_15, %dma_start3A_59] : memref<10112x128xf32, #tpu.memory_space<vmem_shared>> -> memref<128x128xf32, #tpu.memory_space<vmem_shared>>
      %dma_start3A_61 = arith.constant 0 : i32
      %dma_start3A_62 = tpu.memref_slice %arg13[%add3A_15, %dma_start3A_61] : memref<10112x128xf32, #tpu.memory_space<vmem_shared>> -> memref<128x128xf32, #tpu.memory_space<vmem_shared>>
      tpu.enqueue_dma source(%arg12 : memref<128x128xf32, #tpu.memory_space<vmem>>) target(%dma_start3A_62 : memref<128x128xf32, #tpu.memory_space<vmem_shared>>) target_semaphore(%run_scoped3A_58 : memref<!tpu.dma_semaphore, #tpu.memory_space<semaphore_mem>>)
      %dma_wait3A_63 = arith.constant 0 : i32
      %dma_wait3A_64 = tpu.memref_slice %arg13[%add3A_15, %dma_wait3A_63] : memref<10112x128xf32, #tpu.memory_space<vmem_shared>> -> memref<128x128xf32, #tpu.memory_space<vmem_shared>>
      %dma_wait3A_65 = arith.constant 0 : i32
      %dma_wait3A_66 = tpu.memref_slice %arg13[%add3A_15, %dma_wait3A_65] : memref<10112x128xf32, #tpu.memory_space<vmem_shared>> -> memref<128x128xf32, #tpu.memory_space<vmem_shared>>
      tpu.wait_dma2 semaphore(%run_scoped3A_58 : memref<!tpu.dma_semaphore, #tpu.memory_space<semaphore_mem>>) src(%arg12 : memref<128x128xf32, #tpu.memory_space<vmem>>) dst(%dma_wait3A_66 : memref<128x128xf32, #tpu.memory_space<vmem_shared>>)
      tpu.yield
    }) : () -> ()
    %mul3A_16 = arith.constant 632 : i32
    %mul3A_17 = arith.muli %arg1, %mul3A_16 : i32
    %add3A_18 = arith.constant 256 : i32
    %add3A_19 = arith.addi %mul3A_17, %add3A_18 : i32
    "tpu.region"() ({
      %run_scoped3A_58 = tpu.sem_alloc : memref<!tpu.dma_semaphore, #tpu.memory_space<semaphore_mem>>
      %dma_start3A_59 = arith.constant 0 : i32
      %dma_start3A_60 = tpu.memref_slice %arg13[%add3A_19, %dma_start3A_59] : memref<10112x128xf32, #tpu.memory_space<vmem_shared>> -> memref<128x128xf32, #tpu.memory_space<vmem_shared>>
      %dma_start3A_61 = arith.constant 0 : i32
      %dma_start3A_62 = tpu.memref_slice %arg13[%add3A_19, %dma_start3A_61] : memref<10112x128xf32, #tpu.memory_space<vmem_shared>> -> memref<128x128xf32, #tpu.memory_space<vmem_shared>>
      tpu.enqueue_dma source(%arg12 : memref<128x128xf32, #tpu.memory_space<vmem>>) target(%dma_start3A_62 : memref<128x128xf32, #tpu.memory_space<vmem_shared>>) target_semaphore(%run_scoped3A_58 : memref<!tpu.dma_semaphore, #tpu.memory_space<semaphore_mem>>)
      %dma_wait3A_63 = arith.constant 0 : i32
      %dma_wait3A_64 = tpu.memref_slice %arg13[%add3A_19, %dma_wait3A_63] : memref<10112x128xf32, #tpu.memory_space<vmem_shared>> -> memref<128x128xf32, #tpu.memory_space<vmem_shared>>
      %dma_wait3A_65 = arith.constant 0 : i32
      %dma_wait3A_66 = tpu.memref_slice %arg13[%add3A_19, %dma_wait3A_65] : memref<10112x128xf32, #tpu.memory_space<vmem_shared>> -> memref<128x128xf32, #tpu.memory_space<vmem_shared>>
      tpu.wait_dma2 semaphore(%run_scoped3A_58 : memref<!tpu.dma_semaphore, #tpu.memory_space<semaphore_mem>>) src(%arg12 : memref<128x128xf32, #tpu.memory_space<vmem>>) dst(%dma_wait3A_66 : memref<128x128xf32, #tpu.memory_space<vmem_shared>>)
      tpu.yield
    }) : () -> ()
    %mul3A_20 = arith.constant 632 : i32
    %mul3A_21 = arith.muli %arg1, %mul3A_20 : i32
    %add3A_22 = arith.constant 384 : i32
    %add3A_23 = arith.addi %mul3A_21, %add3A_22 : i32
    "tpu.region"() ({
      %run_scoped3A_58 = tpu.sem_alloc : memref<!tpu.dma_semaphore, #tpu.memory_space<semaphore_mem>>
      %dma_start3A_59 = arith.constant 0 : i32
      %dma_start3A_60 = tpu.memref_slice %arg13[%add3A_23, %dma_start3A_59] : memref<10112x128xf32, #tpu.memory_space<vmem_shared>> -> memref<128x128xf32, #tpu.memory_space<vmem_shared>>
      %dma_start3A_61 = arith.constant 0 : i32
      %dma_start3A_62 = tpu.memref_slice %arg13[%add3A_23, %dma_start3A_61] : memref<10112x128xf32, #tpu.memory_space<vmem_shared>> -> memref<128x128xf32, #tpu.memory_space<vmem_shared>>
      tpu.enqueue_dma source(%arg12 : memref<128x128xf32, #tpu.memory_space<vmem>>) target(%dma_start3A_62 : memref<128x128xf32, #tpu.memory_space<vmem_shared>>) target_semaphore(%run_scoped3A_58 : memref<!tpu.dma_semaphore, #tpu.memory_space<semaphore_mem>>)
      %dma_wait3A_63 = arith.constant 0 : i32
      %dma_wait3A_64 = tpu.memref_slice %arg13[%add3A_23, %dma_wait3A_63] : memref<10112x128xf32, #tpu.memory_space<vmem_shared>> -> memref<128x128xf32, #tpu.memory_space<vmem_shared>>
      %dma_wait3A_65 = arith.constant 0 : i32
      %dma_wait3A_66 = tpu.memref_slice %arg13[%add3A_23, %dma_wait3A_65] : memref<10112x128xf32, #tpu.memory_space<vmem_shared>> -> memref<128x128xf32, #tpu.memory_space<vmem_shared>>
      tpu.wait_dma2 semaphore(%run_scoped3A_58 : memref<!tpu.dma_semaphore, #tpu.memory_space<semaphore_mem>>) src(%arg12 : memref<128x128xf32, #tpu.memory_space<vmem>>) dst(%dma_wait3A_66 : memref<128x128xf32, #tpu.memory_space<vmem_shared>>)
      tpu.yield
    }) : () -> ()
    %mul3A_24 = arith.constant 632 : i32
    %mul3A_25 = arith.muli %arg1, %mul3A_24 : i32
    %add3A_26 = arith.constant 512 : i32
    %add3A_27 = arith.addi %mul3A_25, %add3A_26 : i32
    "tpu.region"() ({
      %run_scoped3A_58 = tpu.sem_alloc : memref<!tpu.dma_semaphore, #tpu.memory_space<semaphore_mem>>
      %dma_start3A_59 = arith.constant 0 : i32
      %dma_start3A_60 = arith.constant 0 : i32
      %dma_start3A_61 = tpu.memref_slice %arg12[%dma_start3A_59, %dma_start3A_60] : memref<128x128xf32, #tpu.memory_space<vmem>> -> memref<120x128xf32, #tpu.memory_space<vmem>>
      %dma_start3A_62 = arith.constant 0 : i32
      %dma_start3A_63 = tpu.memref_slice %arg13[%add3A_27, %dma_start3A_62] : memref<10112x128xf32, #tpu.memory_space<vmem_shared>> -> memref<120x128xf32, #tpu.memory_space<vmem_shared>>
      %dma_start3A_64 = arith.constant 0 : i32
      %dma_start3A_65 = tpu.memref_slice %arg13[%add3A_27, %dma_start3A_64] : memref<10112x128xf32, #tpu.memory_space<vmem_shared>> -> memref<120x128xf32, #tpu.memory_space<vmem_shared>>
      %dma_start3A_66 = arith.constant 0 : i32
      %dma_start3A_67 = arith.constant 0 : i32
      %dma_start3A_68 = tpu.memref_slice %arg12[%dma_start3A_66, %dma_start3A_67] : memref<128x128xf32, #tpu.memory_space<vmem>> -> memref<120x128xf32, #tpu.memory_space<vmem>>
      tpu.enqueue_dma source(%dma_start3A_68 : memref<120x128xf32, #tpu.memory_space<vmem>>) target(%dma_start3A_65 : memref<120x128xf32, #tpu.memory_space<vmem_shared>>) target_semaphore(%run_scoped3A_58 : memref<!tpu.dma_semaphore, #tpu.memory_space<semaphore_mem>>)
      %dma_wait3A_69 = arith.constant 0 : i32
      %dma_wait3A_70 = arith.constant 0 : i32
      %dma_wait3A_71 = tpu.memref_slice %arg12[%dma_wait3A_69, %dma_wait3A_70] : memref<128x128xf32, #tpu.memory_space<vmem>> -> memref<120x128xf32, #tpu.memory_space<vmem>>
      %dma_wait3A_72 = arith.constant 0 : i32
      %dma_wait3A_73 = tpu.memref_slice %arg13[%add3A_27, %dma_wait3A_72] : memref<10112x128xf32, #tpu.memory_space<vmem_shared>> -> memref<120x128xf32, #tpu.memory_space<vmem_shared>>
      %dma_wait3A_74 = arith.constant 0 : i32
      %dma_wait3A_75 = tpu.memref_slice %arg13[%add3A_27, %dma_wait3A_74] : memref<10112x128xf32, #tpu.memory_space<vmem_shared>> -> memref<120x128xf32, #tpu.memory_space<vmem_shared>>
      %dma_wait3A_76 = arith.constant 0 : i32
      %dma_wait3A_77 = arith.constant 0 : i32
      %dma_wait3A_78 = tpu.memref_slice %arg12[%dma_wait3A_76, %dma_wait3A_77] : memref<128x128xf32, #tpu.memory_space<vmem>> -> memref<120x128xf32, #tpu.memory_space<vmem>>
      tpu.wait_dma2 semaphore(%run_scoped3A_58 : memref<!tpu.dma_semaphore, #tpu.memory_space<semaphore_mem>>) src(%dma_wait3A_78 : memref<120x128xf32, #tpu.memory_space<vmem>>) dst(%dma_wait3A_75 : memref<120x128xf32, #tpu.memory_space<vmem_shared>>)
      tpu.yield
    }) : () -> ()
    %barrier3A = arith.constant 0 : index
    tpu.barrier barrier_id(%barrier3A)
    %run_scoped3A = arith.constant 0 : i32
    "tpu.region"() ({
      %run_scoped3A_58 = tpu.sem_alloc : memref<!tpu.dma_semaphore, #tpu.memory_space<semaphore_mem>>
      %dma_start3A_59 = arith.constant 0 : i32
      %dma_start3A_60 = tpu.memref_slice %arg3[%add3A, %run_scoped3A, %dma_start3A_59] : memref<32x80x125xi32, #tpu.memory_space<hbm>> -> memref<1x1x125xi32, #tpu.memory_space<hbm>>
      %dma_start3A_61 = tpu.memref_squeeze %dma_start3A_60 : memref<1x1x125xi32, #tpu.memory_space<hbm>> -> memref<125xi32, #tpu.memory_space<hbm>>
      %dma_start3A_62 = arith.constant 0 : i32
      %dma_start3A_63 = tpu.memref_slice %arg3[%add3A, %run_scoped3A, %dma_start3A_62] : memref<32x80x125xi32, #tpu.memory_space<hbm>> -> memref<1x1x125xi32, #tpu.memory_space<hbm>>
      %dma_start3A_64 = tpu.memref_squeeze %dma_start3A_63 : memref<1x1x125xi32, #tpu.memory_space<hbm>> -> memref<125xi32, #tpu.memory_space<hbm>>
      tpu.enqueue_dma source(%dma_start3A_64 : memref<125xi32, #tpu.memory_space<hbm>>) target(%arg6 : memref<125xi32, #tpu.memory_space<vmem>>) target_semaphore(%run_scoped3A_58 : memref<!tpu.dma_semaphore, #tpu.memory_space<semaphore_mem>>)
      %dma_wait3A_65 = arith.constant 0 : i32
      %dma_wait3A_66 = tpu.memref_slice %arg3[%add3A, %run_scoped3A, %dma_wait3A_65] : memref<32x80x125xi32, #tpu.memory_space<hbm>> -> memref<1x1x125xi32, #tpu.memory_space<hbm>>
      %dma_wait3A_67 = tpu.memref_squeeze %dma_wait3A_66 : memref<1x1x125xi32, #tpu.memory_space<hbm>> -> memref<125xi32, #tpu.memory_space<hbm>>
      %dma_wait3A_68 = arith.constant 0 : i32
      %dma_wait3A_69 = tpu.memref_slice %arg3[%add3A, %run_scoped3A, %dma_wait3A_68] : memref<32x80x125xi32, #tpu.memory_space<hbm>> -> memref<1x1x125xi32, #tpu.memory_space<hbm>>
      %dma_wait3A_70 = tpu.memref_squeeze %dma_wait3A_69 : memref<1x1x125xi32, #tpu.memory_space<hbm>> -> memref<125xi32, #tpu.memory_space<hbm>>
      tpu.wait_dma2 semaphore(%run_scoped3A_58 : memref<!tpu.dma_semaphore, #tpu.memory_space<semaphore_mem>>) src(%dma_wait3A_70 : memref<125xi32, #tpu.memory_space<hbm>>) dst(%arg6 : memref<125xi32, #tpu.memory_space<vmem>>)
      tpu.yield
    }) : () -> ()
    %run_scoped3A_28 = arith.constant 0 : i32
    "tpu.region"() ({
      %run_scoped3A_58 = tpu.sem_alloc : memref<!tpu.dma_semaphore, #tpu.memory_space<semaphore_mem>>
      %dma_start3A_59 = arith.constant 0 : i32
      %dma_start3A_60 = tpu.memref_slice %arg4[%add3A, %run_scoped3A_28, %dma_start3A_59] : memref<32x80x125xi32, #tpu.memory_space<hbm>> -> memref<1x1x125xi32, #tpu.memory_space<hbm>>
      %dma_start3A_61 = tpu.memref_squeeze %dma_start3A_60 : memref<1x1x125xi32, #tpu.memory_space<hbm>> -> memref<125xi32, #tpu.memory_space<hbm>>
      %dma_start3A_62 = arith.constant 0 : i32
      %dma_start3A_63 = tpu.memref_slice %arg4[%add3A, %run_scoped3A_28, %dma_start3A_62] : memref<32x80x125xi32, #tpu.memory_space<hbm>> -> memref<1x1x125xi32, #tpu.memory_space<hbm>>
      %dma_start3A_64 = tpu.memref_squeeze %dma_start3A_63 : memref<1x1x125xi32, #tpu.memory_space<hbm>> -> memref<125xi32, #tpu.memory_space<hbm>>
      tpu.enqueue_dma source(%dma_start3A_64 : memref<125xi32, #tpu.memory_space<hbm>>) target(%arg7 : memref<125xi32, #tpu.memory_space<vmem>>) target_semaphore(%run_scoped3A_58 : memref<!tpu.dma_semaphore, #tpu.memory_space<semaphore_mem>>)
      %dma_wait3A_65 = arith.constant 0 : i32
      %dma_wait3A_66 = tpu.memref_slice %arg4[%add3A, %run_scoped3A_28, %dma_wait3A_65] : memref<32x80x125xi32, #tpu.memory_space<hbm>> -> memref<1x1x125xi32, #tpu.memory_space<hbm>>
      %dma_wait3A_67 = tpu.memref_squeeze %dma_wait3A_66 : memref<1x1x125xi32, #tpu.memory_space<hbm>> -> memref<125xi32, #tpu.memory_space<hbm>>
      %dma_wait3A_68 = arith.constant 0 : i32
      %dma_wait3A_69 = tpu.memref_slice %arg4[%add3A, %run_scoped3A_28, %dma_wait3A_68] : memref<32x80x125xi32, #tpu.memory_space<hbm>> -> memref<1x1x125xi32, #tpu.memory_space<hbm>>
      %dma_wait3A_70 = tpu.memref_squeeze %dma_wait3A_69 : memref<1x1x125xi32, #tpu.memory_space<hbm>> -> memref<125xi32, #tpu.memory_space<hbm>>
      tpu.wait_dma2 semaphore(%run_scoped3A_58 : memref<!tpu.dma_semaphore, #tpu.memory_space<semaphore_mem>>) src(%dma_wait3A_70 : memref<125xi32, #tpu.memory_space<hbm>>) dst(%arg7 : memref<125xi32, #tpu.memory_space<vmem>>)
      tpu.yield
    }) : () -> ()
    %dma_start3A = arith.constant 0 : i32
    %dma_start3A_29 = arith.constant 0 : i32
    %dma_start3A_30 = tpu.memref_slice %arg2[%dma_start3A, %dma_start3A_29] : memref<10112x128xf32, #tpu.memory_space<hbm>> -> memref<10112x128xf32, #tpu.memory_space<hbm>>
    tpu.enqueue_indirect_dma source(%dma_start3A_30 : memref<10112x128xf32, #tpu.memory_space<hbm>>) target(%arg10 : memref<125x128xf32, #tpu.memory_space<vmem>>) offsets(%arg6 : memref<125xi32, #tpu.memory_space<vmem>>) semaphore(%arg14 : memref<!tpu.dma_semaphore, #tpu.memory_space<semaphore_mem>>)
    %broadcast_in_dim3A_31 = arith.constant 0.000000e+00 : f32
    %broadcast_in_dim3A_32 = vector.broadcast %broadcast_in_dim3A_31 : f32 to vector<16xf32>
    %scan3A_33 = arith.constant 0 : i32
    %scan3A_34 = arith.constant 0 : i32
    %scan3A_35 = arith.constant 125 : i32
    %scan3A_36 = arith.addi %scan3A_34, %scan3A_35 : i32
    %scan3A_37 = arith.constant 1 : i32
    %scan3A_38 = scf.for %scan3A_58 = %scan3A_34 to %scan3A_36 step %scan3A_37 iter_args(%scan3A_59 = %scan3A_33) -> (i32)  : i32 {
      %swap3A = arith.index_cast %scan3A_58 : i32 to index
      %swap3A_60 = arith.constant 0 : index
      %swap3A_61 = tpu.vector_load %arg11[%swap3A, %swap3A_60] {strides = array<i32>} : memref<125x128xf32, #tpu.memory_space<vmem>>, vector<1x16xf32>,
      %swap3A_62 = vector.shape_cast %swap3A_61 : vector<1x16xf32> to vector<16xf32>
      %swap3A_63 = vector.shape_cast %broadcast_in_dim3A_32 : vector<16xf32> to vector<1x16xf32>
      tpu.vector_store %arg11[%swap3A, %swap3A_60], %swap3A_63 {strides = array<i32>} : memref<125x128xf32, #tpu.memory_space<vmem>>, vector<1x16xf32>,
      %swap3A_64 = arith.index_cast %scan3A_58 : i32 to index
      %swap3A_65 = arith.constant 16 : index
      %swap3A_66 = tpu.vector_load %arg11[%swap3A_64, %swap3A_65] {strides = array<i32>} : memref<125x128xf32, #tpu.memory_space<vmem>>, vector<1x16xf32>,
      %swap3A_67 = vector.shape_cast %swap3A_66 : vector<1x16xf32> to vector<16xf32>
      %swap3A_68 = vector.shape_cast %broadcast_in_dim3A_32 : vector<16xf32> to vector<1x16xf32>
      tpu.vector_store %arg11[%swap3A_64, %swap3A_65], %swap3A_68 {strides = array<i32>} : memref<125x128xf32, #tpu.memory_space<vmem>>, vector<1x16xf32>,
      %swap3A_69 = arith.index_cast %scan3A_58 : i32 to index
      %swap3A_70 = arith.constant 32 : index
      %swap3A_71 = tpu.vector_load %arg11[%swap3A_69, %swap3A_70] {strides = array<i32>} : memref<125x128xf32, #tpu.memory_space<vmem>>, vector<1x16xf32>,
      %swap3A_72 = vector.shape_cast %swap3A_71 : vector<1x16xf32> to vector<16xf32>
      %swap3A_73 = vector.shape_cast %broadcast_in_dim3A_32 : vector<16xf32> to vector<1x16xf32>
      tpu.vector_store %arg11[%swap3A_69, %swap3A_70], %swap3A_73 {strides = array<i32>} : memref<125x128xf32, #tpu.memory_space<vmem>>, vector<1x16xf32>,
      %swap3A_74 = arith.index_cast %scan3A_58 : i32 to index
      %swap3A_75 = arith.constant 48 : index
      %swap3A_76 = tpu.vector_load %arg11[%swap3A_74, %swap3A_75] {strides = array<i32>} : memref<125x128xf32, #tpu.memory_space<vmem>>, vector<1x16xf32>,
      %swap3A_77 = vector.shape_cast %swap3A_76 : vector<1x16xf32> to vector<16xf32>
      %swap3A_78 = vector.shape_cast %broadcast_in_dim3A_32 : vector<16xf32> to vector<1x16xf32>
      tpu.vector_store %arg11[%swap3A_74, %swap3A_75], %swap3A_78 {strides = array<i32>} : memref<125x128xf32, #tpu.memory_space<vmem>>, vector<1x16xf32>,
      %swap3A_79 = arith.index_cast %scan3A_58 : i32 to index
      %swap3A_80 = arith.constant 64 : index
      %swap3A_81 = tpu.vector_load %arg11[%swap3A_79, %swap3A_80] {strides = array<i32>} : memref<125x128xf32, #tpu.memory_space<vmem>>, vector<1x16xf32>,
      %swap3A_82 = vector.shape_cast %swap3A_81 : vector<1x16xf32> to vector<16xf32>
      %swap3A_83 = vector.shape_cast %broadcast_in_dim3A_32 : vector<16xf32> to vector<1x16xf32>
      tpu.vector_store %arg11[%swap3A_79, %swap3A_80], %swap3A_83 {strides = array<i32>} : memref<125x128xf32, #tpu.memory_space<vmem>>, vector<1x16xf32>,
      %swap3A_84 = arith.index_cast %scan3A_58 : i32 to index
      %swap3A_85 = arith.constant 80 : index
      %swap3A_86 = tpu.vector_load %arg11[%swap3A_84, %swap3A_85] {strides = array<i32>} : memref<125x128xf32, #tpu.memory_space<vmem>>, vector<1x16xf32>,
      %swap3A_87 = vector.shape_cast %swap3A_86 : vector<1x16xf32> to vector<16xf32>
      %swap3A_88 = vector.shape_cast %broadcast_in_dim3A_32 : vector<16xf32> to vector<1x16xf32>
      tpu.vector_store %arg11[%swap3A_84, %swap3A_85], %swap3A_88 {strides = array<i32>} : memref<125x128xf32, #tpu.memory_space<vmem>>, vector<1x16xf32>,
      %swap3A_89 = arith.index_cast %scan3A_58 : i32 to index
      %swap3A_90 = arith.constant 96 : index
      %swap3A_91 = tpu.vector_load %arg11[%swap3A_89, %swap3A_90] {strides = array<i32>} : memref<125x128xf32, #tpu.memory_space<vmem>>, vector<1x16xf32>,
      %swap3A_92 = vector.shape_cast %swap3A_91 : vector<1x16xf32> to vector<16xf32>
      %swap3A_93 = vector.shape_cast %broadcast_in_dim3A_32 : vector<16xf32> to vector<1x16xf32>
      tpu.vector_store %arg11[%swap3A_89, %swap3A_90], %swap3A_93 {strides = array<i32>} : memref<125x128xf32, #tpu.memory_space<vmem>>, vector<1x16xf32>,
      %swap3A_94 = arith.index_cast %scan3A_58 : i32 to index
      %swap3A_95 = arith.constant 112 : index
      %swap3A_96 = tpu.vector_load %arg11[%swap3A_94, %swap3A_95] {strides = array<i32>} : memref<125x128xf32, #tpu.memory_space<vmem>>, vector<1x16xf32>,
      %swap3A_97 = vector.shape_cast %swap3A_96 : vector<1x16xf32> to vector<16xf32>
      %swap3A_98 = vector.shape_cast %broadcast_in_dim3A_32 : vector<16xf32> to vector<1x16xf32>
      tpu.vector_store %arg11[%swap3A_94, %swap3A_95], %swap3A_98 {strides = array<i32>} : memref<125x128xf32, #tpu.memory_space<vmem>>, vector<1x16xf32>,
      %scan3A_99 = arith.constant 0 : i32
      scf.yield %scan3A_99 : i32
    }
    %scan3A_39 = arith.constant 125 : i32
    %run_scoped3A_40 = arith.constant 0 : i32
    "tpu.region"() ({
      %run_scoped3A_58 = tpu.sem_alloc : memref<!tpu.dma_semaphore, #tpu.memory_space<semaphore_mem>>
      %dma_start3A_59 = arith.constant 0 : i32
      %dma_start3A_60 = tpu.memref_slice %arg4[%add3A, %run_scoped3A_40, %dma_start3A_59] : memref<32x80x125xi32, #tpu.memory_space<hbm>> -> memref<1x1x125xi32, #tpu.memory_space<hbm>>
      %dma_start3A_61 = tpu.memref_squeeze %dma_start3A_60 : memref<1x1x125xi32, #tpu.memory_space<hbm>> -> memref<125xi32, #tpu.memory_space<hbm>>
      %dma_start3A_62 = arith.constant 0 : i32
      %dma_start3A_63 = tpu.memref_slice %arg4[%add3A, %run_scoped3A_40, %dma_start3A_62] : memref<32x80x125xi32, #tpu.memory_space<hbm>> -> memref<1x1x125xi32, #tpu.memory_space<hbm>>
      %dma_start3A_64 = tpu.memref_squeeze %dma_start3A_63 : memref<1x1x125xi32, #tpu.memory_space<hbm>> -> memref<125xi32, #tpu.memory_space<hbm>>
      tpu.enqueue_dma source(%dma_start3A_64 : memref<125xi32, #tpu.memory_space<hbm>>) target(%arg9 : memref<125xi32, #tpu.memory_space<vmem>>) target_semaphore(%run_scoped3A_58 : memref<!tpu.dma_semaphore, #tpu.memory_space<semaphore_mem>>)
      %dma_wait3A_65 = arith.constant 0 : i32
      %dma_wait3A_66 = tpu.memref_slice %arg4[%add3A, %run_scoped3A_40, %dma_wait3A_65] : memref<32x80x125xi32, #tpu.memory_space<hbm>> -> memref<1x1x125xi32, #tpu.memory_space<hbm>>
      %dma_wait3A_67 = tpu.memref_squeeze %dma_wait3A_66 : memref<1x1x125xi32, #tpu.memory_space<hbm>> -> memref<125xi32, #tpu.memory_space<hbm>>
      %dma_wait3A_68 = arith.constant 0 : i32
      %dma_wait3A_69 = tpu.memref_slice %arg4[%add3A, %run_scoped3A_40, %dma_wait3A_68] : memref<32x80x125xi32, #tpu.memory_space<hbm>> -> memref<1x1x125xi32, #tpu.memory_space<hbm>>
      %dma_wait3A_70 = tpu.memref_squeeze %dma_wait3A_69 : memref<1x1x125xi32, #tpu.memory_space<hbm>> -> memref<125xi32, #tpu.memory_space<hbm>>
      tpu.wait_dma2 semaphore(%run_scoped3A_58 : memref<!tpu.dma_semaphore, #tpu.memory_space<semaphore_mem>>) src(%dma_wait3A_70 : memref<125xi32, #tpu.memory_space<hbm>>) dst(%arg9 : memref<125xi32, #tpu.memory_space<vmem>>)
      tpu.yield
    }) : () -> ()
    %dma_start3A_41 = arith.constant 0 : i32
    %dma_start3A_42 = arith.constant 0 : i32
    %dma_start3A_43 = tpu.memref_slice %arg13[%dma_start3A_41, %dma_start3A_42] : memref<10112x128xf32, #tpu.memory_space<vmem_shared>> -> memref<10112x128xf32, #tpu.memory_space<vmem_shared>>
    tpu.enqueue_indirect_dma source(%arg11 : memref<125x128xf32, #tpu.memory_space<vmem>>) target(%dma_start3A_43 : memref<10112x128xf32, #tpu.memory_space<vmem_shared>>) offsets(%arg9 : memref<125xi32, #tpu.memory_space<vmem>>) semaphore(%arg17 : memref<!tpu.dma_semaphore, #tpu.memory_space<semaphore_mem>>) {add = true}
    %scan3A_44 = arith.constant 0 : i32
    %scan3A_45 = arith.constant 0 : i32
    %scan3A_46 = arith.constant 40 : i32
    %scan3A_47 = arith.addi %scan3A_45, %scan3A_46 : i32
    %scan3A_48 = arith.constant 1 : i32
    %scan3A_49 = scf.for %scan3A_58 = %scan3A_45 to %scan3A_47 step %scan3A_48 iter_args(%scan3A_59 = %scan3A_44) -> (i32)  : i32 {
      %mul3A_60 = arith.constant 2 : i32
      %mul3A_61 = arith.muli %mul3A_60, %scan3A_58 : i32
      %add3A_62 = arith.constant 1 : i32
      %add3A_63 = arith.addi %mul3A_61, %add3A_62 : i32
      %dma_wait3A_64 = arith.constant 0 : i32
      %dma_wait3A_65 = arith.constant 0 : i32
      %dma_wait3A_66 = tpu.memref_slice %arg13[%dma_wait3A_64, %dma_wait3A_65] : memref<10112x128xf32, #tpu.memory_space<vmem_shared>> -> memref<10112x128xf32, #tpu.memory_space<vmem_shared>>
      tpu.wait_indirect_dma semaphore(%arg17 : memref<!tpu.dma_semaphore, #tpu.memory_space<semaphore_mem>>) src(%arg11 : memref<125x128xf32, #tpu.memory_space<vmem>>) dst(%dma_wait3A_66 : memref<10112x128xf32, #tpu.memory_space<vmem_shared>>)
      "tpu.region"() ({
        %run_scoped3A_93 = tpu.sem_alloc : memref<!tpu.dma_semaphore, #tpu.memory_space<semaphore_mem>>
        %dma_start3A_94 = arith.constant 0 : i32
        %dma_start3A_95 = tpu.memref_slice %arg3[%add3A, %add3A_63, %dma_start3A_94] : memref<32x80x125xi32, #tpu.memory_space<hbm>> -> memref<1x1x125xi32, #tpu.memory_space<hbm>>
        %dma_start3A_96 = tpu.memref_squeeze %dma_start3A_95 : memref<1x1x125xi32, #tpu.memory_space<hbm>> -> memref<125xi32, #tpu.memory_space<hbm>>
        %dma_start3A_97 = arith.constant 0 : i32
        %dma_start3A_98 = tpu.memref_slice %arg3[%add3A, %add3A_63, %dma_start3A_97] : memref<32x80x125xi32, #tpu.memory_space<hbm>> -> memref<1x1x125xi32, #tpu.memory_space<hbm>>
        %dma_start3A_99 = tpu.memref_squeeze %dma_start3A_98 : memref<1x1x125xi32, #tpu.memory_space<hbm>> -> memref<125xi32, #tpu.memory_space<hbm>>
        tpu.enqueue_dma source(%dma_start3A_99 : memref<125xi32, #tpu.memory_space<hbm>>) target(%arg8 : memref<125xi32, #tpu.memory_space<vmem>>) target_semaphore(%run_scoped3A_93 : memref<!tpu.dma_semaphore, #tpu.memory_space<semaphore_mem>>)
        %dma_wait3A_100 = arith.constant 0 : i32
        %dma_wait3A_101 = tpu.memref_slice %arg3[%add3A, %add3A_63, %dma_wait3A_100] : memref<32x80x125xi32, #tpu.memory_space<hbm>> -> memref<1x1x125xi32, #tpu.memory_space<hbm>>
        %dma_wait3A_102 = tpu.memref_squeeze %dma_wait3A_101 : memref<1x1x125xi32, #tpu.memory_space<hbm>> -> memref<125xi32, #tpu.memory_space<hbm>>
        %dma_wait3A_103 = arith.constant 0 : i32
        %dma_wait3A_104 = tpu.memref_slice %arg3[%add3A, %add3A_63, %dma_wait3A_103] : memref<32x80x125xi32, #tpu.memory_space<hbm>> -> memref<1x1x125xi32, #tpu.memory_space<hbm>>
        %dma_wait3A_105 = tpu.memref_squeeze %dma_wait3A_104 : memref<1x1x125xi32, #tpu.memory_space<hbm>> -> memref<125xi32, #tpu.memory_space<hbm>>
        tpu.wait_dma2 semaphore(%run_scoped3A_93 : memref<!tpu.dma_semaphore, #tpu.memory_space<semaphore_mem>>) src(%dma_wait3A_105 : memref<125xi32, #tpu.memory_space<hbm>>) dst(%arg8 : memref<125xi32, #tpu.memory_space<vmem>>)
        tpu.yield
      }) : () -> ()
      "tpu.region"() ({
        %run_scoped3A_93 = tpu.sem_alloc : memref<!tpu.dma_semaphore, #tpu.memory_space<semaphore_mem>>
        %dma_start3A_94 = arith.constant 0 : i32
        %dma_start3A_95 = tpu.memref_slice %arg4[%add3A, %add3A_63, %dma_start3A_94] : memref<32x80x125xi32, #tpu.memory_space<hbm>> -> memref<1x1x125xi32, #tpu.memory_space<hbm>>
        %dma_start3A_96 = tpu.memref_squeeze %dma_start3A_95 : memref<1x1x125xi32, #tpu.memory_space<hbm>> -> memref<125xi32, #tpu.memory_space<hbm>>
        %dma_start3A_97 = arith.constant 0 : i32
        %dma_start3A_98 = tpu.memref_slice %arg4[%add3A, %add3A_63, %dma_start3A_97] : memref<32x80x125xi32, #tpu.memory_space<hbm>> -> memref<1x1x125xi32, #tpu.memory_space<hbm>>
        %dma_start3A_99 = tpu.memref_squeeze %dma_start3A_98 : memref<1x1x125xi32, #tpu.memory_space<hbm>> -> memref<125xi32, #tpu.memory_space<hbm>>
        tpu.enqueue_dma source(%dma_start3A_99 : memref<125xi32, #tpu.memory_space<hbm>>) target(%arg9 : memref<125xi32, #tpu.memory_space<vmem>>) target_semaphore(%run_scoped3A_93 : memref<!tpu.dma_semaphore, #tpu.memory_space<semaphore_mem>>)
        %dma_wait3A_100 = arith.constant 0 : i32
        %dma_wait3A_101 = tpu.memref_slice %arg4[%add3A, %add3A_63, %dma_wait3A_100] : memref<32x80x125xi32, #tpu.memory_space<hbm>> -> memref<1x1x125xi32, #tpu.memory_space<hbm>>
        %dma_wait3A_102 = tpu.memref_squeeze %dma_wait3A_101 : memref<1x1x125xi32, #tpu.memory_space<hbm>> -> memref<125xi32, #tpu.memory_space<hbm>>
        %dma_wait3A_103 = arith.constant 0 : i32
        %dma_wait3A_104 = tpu.memref_slice %arg4[%add3A, %add3A_63, %dma_wait3A_103] : memref<32x80x125xi32, #tpu.memory_space<hbm>> -> memref<1x1x125xi32, #tpu.memory_space<hbm>>
        %dma_wait3A_105 = tpu.memref_squeeze %dma_wait3A_104 : memref<1x1x125xi32, #tpu.memory_space<hbm>> -> memref<125xi32, #tpu.memory_space<hbm>>
        tpu.wait_dma2 semaphore(%run_scoped3A_93 : memref<!tpu.dma_semaphore, #tpu.memory_space<semaphore_mem>>) src(%dma_wait3A_105 : memref<125xi32, #tpu.memory_space<hbm>>) dst(%arg9 : memref<125xi32, #tpu.memory_space<vmem>>)
        tpu.yield
      }) : () -> ()
      %dma_wait3A_67 = arith.constant 0 : i32
      %dma_wait3A_68 = arith.constant 0 : i32
      %dma_wait3A_69 = tpu.memref_slice %arg2[%dma_wait3A_67, %dma_wait3A_68] : memref<10112x128xf32, #tpu.memory_space<hbm>> -> memref<10112x128xf32, #tpu.memory_space<hbm>>
      tpu.wait_indirect_dma semaphore(%arg14 : memref<!tpu.dma_semaphore, #tpu.memory_space<semaphore_mem>>) src(%dma_wait3A_69 : memref<10112x128xf32, #tpu.memory_space<hbm>>) dst(%arg10 : memref<125x128xf32, #tpu.memory_space<vmem>>)
      %dma_start3A_70 = arith.constant 0 : i32
      %dma_start3A_71 = arith.constant 0 : i32
      %dma_start3A_72 = tpu.memref_slice %arg13[%dma_start3A_70, %dma_start3A_71] : memref<10112x128xf32, #tpu.memory_space<vmem_shared>> -> memref<10112x128xf32, #tpu.memory_space<vmem_shared>>
      tpu.enqueue_indirect_dma source(%arg10 : memref<125x128xf32, #tpu.memory_space<vmem>>) target(%dma_start3A_72 : memref<10112x128xf32, #tpu.memory_space<vmem_shared>>) offsets(%arg7 : memref<125xi32, #tpu.memory_space<vmem>>) semaphore(%arg16 : memref<!tpu.dma_semaphore, #tpu.memory_space<semaphore_mem>>) {add = true}
      %dma_start3A_73 = arith.constant 0 : i32
      %dma_start3A_74 = arith.constant 0 : i32
      %dma_start3A_75 = tpu.memref_slice %arg2[%dma_start3A_73, %dma_start3A_74] : memref<10112x128xf32, #tpu.memory_space<hbm>> -> memref<10112x128xf32, #tpu.memory_space<hbm>>
      tpu.enqueue_indirect_dma source(%dma_start3A_75 : memref<10112x128xf32, #tpu.memory_space<hbm>>) target(%arg11 : memref<125x128xf32, #tpu.memory_space<vmem>>) offsets(%arg8 : memref<125xi32, #tpu.memory_space<vmem>>) semaphore(%arg15 : memref<!tpu.dma_semaphore, #tpu.memory_space<semaphore_mem>>)
      %dma_wait3A_76 = arith.constant 0 : i32
      %dma_wait3A_77 = arith.constant 0 : i32
      %dma_wait3A_78 = tpu.memref_slice %arg13[%dma_wait3A_76, %dma_wait3A_77] : memref<10112x128xf32, #tpu.memory_space<vmem_shared>> -> memref<10112x128xf32, #tpu.memory_space<vmem_shared>>
      tpu.wait_indirect_dma semaphore(%arg16 : memref<!tpu.dma_semaphore, #tpu.memory_space<semaphore_mem>>) src(%arg10 : memref<125x128xf32, #tpu.memory_space<vmem>>) dst(%dma_wait3A_78 : memref<10112x128xf32, #tpu.memory_space<vmem_shared>>)
      %lt3A = arith.constant 39 : i32
      %lt3A_79 = arith.cmpi slt, %scan3A_58, %lt3A : i32
      %convert_element_type3A = arith.extui %lt3A_79 : i1 to i32
      %cond3A = arith.constant 0 : i32
      %cond3A_80 = arith.cmpi ne, %convert_element_type3A, %cond3A : i32
      scf.if %cond3A_80 {
        %add3A_93 = arith.constant 2 : i32
        %add3A_94 = arith.addi %mul3A_61, %add3A_93 : i32
        "tpu.region"() ({
          %run_scoped3A_97 = tpu.sem_alloc : memref<!tpu.dma_semaphore, #tpu.memory_space<semaphore_mem>>
          %dma_start3A_98 = arith.constant 0 : i32
          %dma_start3A_99 = tpu.memref_slice %arg3[%add3A, %add3A_94, %dma_start3A_98] : memref<32x80x125xi32, #tpu.memory_space<hbm>> -> memref<1x1x125xi32, #tpu.memory_space<hbm>>
          %dma_start3A_100 = tpu.memref_squeeze %dma_start3A_99 : memref<1x1x125xi32, #tpu.memory_space<hbm>> -> memref<125xi32, #tpu.memory_space<hbm>>
          %dma_start3A_101 = arith.constant 0 : i32
          %dma_start3A_102 = tpu.memref_slice %arg3[%add3A, %add3A_94, %dma_start3A_101] : memref<32x80x125xi32, #tpu.memory_space<hbm>> -> memref<1x1x125xi32, #tpu.memory_space<hbm>>
          %dma_start3A_103 = tpu.memref_squeeze %dma_start3A_102 : memref<1x1x125xi32, #tpu.memory_space<hbm>> -> memref<125xi32, #tpu.memory_space<hbm>>
          tpu.enqueue_dma source(%dma_start3A_103 : memref<125xi32, #tpu.memory_space<hbm>>) target(%arg6 : memref<125xi32, #tpu.memory_space<vmem>>) target_semaphore(%run_scoped3A_97 : memref<!tpu.dma_semaphore, #tpu.memory_space<semaphore_mem>>)
          %dma_wait3A_104 = arith.constant 0 : i32
          %dma_wait3A_105 = tpu.memref_slice %arg3[%add3A, %add3A_94, %dma_wait3A_104] : memref<32x80x125xi32, #tpu.memory_space<hbm>> -> memref<1x1x125xi32, #tpu.memory_space<hbm>>
          %dma_wait3A_106 = tpu.memref_squeeze %dma_wait3A_105 : memref<1x1x125xi32, #tpu.memory_space<hbm>> -> memref<125xi32, #tpu.memory_space<hbm>>
          %dma_wait3A_107 = arith.constant 0 : i32
          %dma_wait3A_108 = tpu.memref_slice %arg3[%add3A, %add3A_94, %dma_wait3A_107] : memref<32x80x125xi32, #tpu.memory_space<hbm>> -> memref<1x1x125xi32, #tpu.memory_space<hbm>>
          %dma_wait3A_109 = tpu.memref_squeeze %dma_wait3A_108 : memref<1x1x125xi32, #tpu.memory_space<hbm>> -> memref<125xi32, #tpu.memory_space<hbm>>
          tpu.wait_dma2 semaphore(%run_scoped3A_97 : memref<!tpu.dma_semaphore, #tpu.memory_space<semaphore_mem>>) src(%dma_wait3A_109 : memref<125xi32, #tpu.memory_space<hbm>>) dst(%arg6 : memref<125xi32, #tpu.memory_space<vmem>>)
          tpu.yield
        }) : () -> ()
        %add3A_95 = arith.constant 2 : i32
        %add3A_96 = arith.addi %mul3A_61, %add3A_95 : i32
        "tpu.region"() ({
          %run_scoped3A_97 = tpu.sem_alloc : memref<!tpu.dma_semaphore, #tpu.memory_space<semaphore_mem>>
          %dma_start3A_98 = arith.constant 0 : i32
          %dma_start3A_99 = tpu.memref_slice %arg4[%add3A, %add3A_96, %dma_start3A_98] : memref<32x80x125xi32, #tpu.memory_space<hbm>> -> memref<1x1x125xi32, #tpu.memory_space<hbm>>
          %dma_start3A_100 = tpu.memref_squeeze %dma_start3A_99 : memref<1x1x125xi32, #tpu.memory_space<hbm>> -> memref<125xi32, #tpu.memory_space<hbm>>
          %dma_start3A_101 = arith.constant 0 : i32
          %dma_start3A_102 = tpu.memref_slice %arg4[%add3A, %add3A_96, %dma_start3A_101] : memref<32x80x125xi32, #tpu.memory_space<hbm>> -> memref<1x1x125xi32, #tpu.memory_space<hbm>>
          %dma_start3A_103 = tpu.memref_squeeze %dma_start3A_102 : memref<1x1x125xi32, #tpu.memory_space<hbm>> -> memref<125xi32, #tpu.memory_space<hbm>>
          tpu.enqueue_dma source(%dma_start3A_103 : memref<125xi32, #tpu.memory_space<hbm>>) target(%arg7 : memref<125xi32, #tpu.memory_space<vmem>>) target_semaphore(%run_scoped3A_97 : memref<!tpu.dma_semaphore, #tpu.memory_space<semaphore_mem>>)
          %dma_wait3A_104 = arith.constant 0 : i32
          %dma_wait3A_105 = tpu.memref_slice %arg4[%add3A, %add3A_96, %dma_wait3A_104] : memref<32x80x125xi32, #tpu.memory_space<hbm>> -> memref<1x1x125xi32, #tpu.memory_space<hbm>>
          %dma_wait3A_106 = tpu.memref_squeeze %dma_wait3A_105 : memref<1x1x125xi32, #tpu.memory_space<hbm>> -> memref<125xi32, #tpu.memory_space<hbm>>
          %dma_wait3A_107 = arith.constant 0 : i32
          %dma_wait3A_108 = tpu.memref_slice %arg4[%add3A, %add3A_96, %dma_wait3A_107] : memref<32x80x125xi32, #tpu.memory_space<hbm>> -> memref<1x1x125xi32, #tpu.memory_space<hbm>>
          %dma_wait3A_109 = tpu.memref_squeeze %dma_wait3A_108 : memref<1x1x125xi32, #tpu.memory_space<hbm>> -> memref<125xi32, #tpu.memory_space<hbm>>
          tpu.wait_dma2 semaphore(%run_scoped3A_97 : memref<!tpu.dma_semaphore, #tpu.memory_space<semaphore_mem>>) src(%dma_wait3A_109 : memref<125xi32, #tpu.memory_space<hbm>>) dst(%arg7 : memref<125xi32, #tpu.memory_space<vmem>>)
          tpu.yield
        }) : () -> ()
      } else {
      }
      %dma_wait3A_81 = arith.constant 0 : i32
      %dma_wait3A_82 = arith.constant 0 : i32
      %dma_wait3A_83 = tpu.memref_slice %arg2[%dma_wait3A_81, %dma_wait3A_82] : memref<10112x128xf32, #tpu.memory_space<hbm>> -> memref<10112x128xf32, #tpu.memory_space<hbm>>
      tpu.wait_indirect_dma semaphore(%arg15 : memref<!tpu.dma_semaphore, #tpu.memory_space<semaphore_mem>>) src(%dma_wait3A_83 : memref<10112x128xf32, #tpu.memory_space<hbm>>) dst(%arg11 : memref<125x128xf32, #tpu.memory_space<vmem>>)
      %dma_start3A_84 = arith.constant 0 : i32
      %dma_start3A_85 = arith.constant 0 : i32
      %dma_start3A_86 = tpu.memref_slice %arg13[%dma_start3A_84, %dma_start3A_85] : memref<10112x128xf32, #tpu.memory_space<vmem_shared>> -> memref<10112x128xf32, #tpu.memory_space<vmem_shared>>
      tpu.enqueue_indirect_dma source(%arg11 : memref<125x128xf32, #tpu.memory_space<vmem>>) target(%dma_start3A_86 : memref<10112x128xf32, #tpu.memory_space<vmem_shared>>) offsets(%arg9 : memref<125xi32, #tpu.memory_space<vmem>>) semaphore(%arg17 : memref<!tpu.dma_semaphore, #tpu.memory_space<semaphore_mem>>) {add = true}
      %lt3A_87 = arith.constant 39 : i32
      %lt3A_88 = arith.cmpi slt, %scan3A_58, %lt3A_87 : i32
      %convert_element_type3A_89 = arith.extui %lt3A_88 : i1 to i32
      %cond3A_90 = arith.constant 0 : i32
      %cond3A_91 = arith.cmpi ne, %convert_element_type3A_89, %cond3A_90 : i32
      scf.if %cond3A_91 {
        %dma_start3A_93 = arith.constant 0 : i32
        %dma_start3A_94 = arith.constant 0 : i32
        %dma_start3A_95 = tpu.memref_slice %arg2[%dma_start3A_93, %dma_start3A_94] : memref<10112x128xf32, #tpu.memory_space<hbm>> -> memref<10112x128xf32, #tpu.memory_space<hbm>>
        tpu.enqueue_indirect_dma source(%dma_start3A_95 : memref<10112x128xf32, #tpu.memory_space<hbm>>) target(%arg10 : memref<125x128xf32, #tpu.memory_space<vmem>>) offsets(%arg6 : memref<125xi32, #tpu.memory_space<vmem>>) semaphore(%arg14 : memref<!tpu.dma_semaphore, #tpu.memory_space<semaphore_mem>>)
      } else {
      }
      %scan3A_92 = arith.constant 0 : i32
      scf.yield %scan3A_92 : i32
    }
    %scan3A_50 = arith.constant 40 : i32
    %dma_wait3A = arith.constant 0 : i32
    %dma_wait3A_51 = arith.constant 0 : i32
    %dma_wait3A_52 = tpu.memref_slice %arg13[%dma_wait3A, %dma_wait3A_51] : memref<10112x128xf32, #tpu.memory_space<vmem_shared>> -> memref<10112x128xf32, #tpu.memory_space<vmem_shared>>
    tpu.wait_indirect_dma semaphore(%arg17 : memref<!tpu.dma_semaphore, #tpu.memory_space<semaphore_mem>>) src(%arg11 : memref<125x128xf32, #tpu.memory_space<vmem>>) dst(%dma_wait3A_52 : memref<10112x128xf32, #tpu.memory_space<vmem_shared>>)
    %barrier3A_53 = arith.constant 0 : index
    tpu.barrier barrier_id(%barrier3A_53)
    %mul3A_54 = arith.constant 632 : i32
    %mul3A_55 = arith.muli %arg1, %mul3A_54 : i32
    %mul3A_56 = arith.constant 632 : i32
    %mul3A_57 = arith.muli %arg1, %mul3A_56 : i32
    "tpu.region"() ({
      %run_scoped3A_58 = tpu.sem_alloc : memref<!tpu.dma_semaphore, #tpu.memory_space<semaphore_mem>>
      %dma_start3A_59 = arith.constant 0 : i32
      %dma_start3A_60 = tpu.memref_slice %arg5[%arg0, %mul3A_57, %dma_start3A_59] : memref<2x10112x128xf32, #tpu.memory_space<hbm>> -> memref<1x632x128xf32, #tpu.memory_space<hbm>>
      %dma_start3A_61 = tpu.memref_squeeze %dma_start3A_60 : memref<1x632x128xf32, #tpu.memory_space<hbm>> -> memref<632x128xf32, #tpu.memory_space<hbm>>
      %dma_start3A_62 = arith.constant 0 : i32
      %dma_start3A_63 = tpu.memref_slice %arg13[%mul3A_55, %dma_start3A_62] : memref<10112x128xf32, #tpu.memory_space<vmem_shared>> -> memref<632x128xf32, #tpu.memory_space<vmem_shared>>
      tpu.enqueue_dma source(%dma_start3A_63 : memref<632x128xf32, #tpu.memory_space<vmem_shared>>) target(%dma_start3A_61 : memref<632x128xf32, #tpu.memory_space<hbm>>) target_semaphore(%run_scoped3A_58 : memref<!tpu.dma_semaphore, #tpu.memory_space<semaphore_mem>>)
      %dma_wait3A_64 = arith.constant 0 : i32
      %dma_wait3A_65 = tpu.memref_slice %arg5[%arg0, %mul3A_57, %dma_wait3A_64] : memref<2x10112x128xf32, #tpu.memory_space<hbm>> -> memref<1x632x128xf32, #tpu.memory_space<hbm>>
      %dma_wait3A_66 = tpu.memref_squeeze %dma_wait3A_65 : memref<1x632x128xf32, #tpu.memory_space<hbm>> -> memref<632x128xf32, #tpu.memory_space<hbm>>
      %dma_wait3A_67 = arith.constant 0 : i32
      %dma_wait3A_68 = tpu.memref_slice %arg13[%mul3A_55, %dma_wait3A_67] : memref<10112x128xf32, #tpu.memory_space<vmem_shared>> -> memref<632x128xf32, #tpu.memory_space<vmem_shared>>
      tpu.wait_dma2 semaphore(%run_scoped3A_58 : memref<!tpu.dma_semaphore, #tpu.memory_space<semaphore_mem>>) src(%dma_wait3A_68 : memref<632x128xf32, #tpu.memory_space<vmem_shared>>) dst(%dma_wait3A_66 : memref<632x128xf32, #tpu.memory_space<hbm>>)
      tpu.yield
    }) : () -> ()
    return
  }
}

module attributes {stable_mosaic.version = 14 : i64} {
  func.func @_tc0_body(%arg0: i32, %arg1: memref<632x128xf32, #tpu.memory_space<vmem>>, %arg2: memref<128x128xf32, #tpu.memory_space<vmem>>, %arg3: memref<632x128xf32, #tpu.memory_space<vmem>>) attributes {dimension_semantics = [#tpu.dimension_semantics<arbitrary>], iteration_bounds = array<i64: 16>, scalar_prefetch = 0 : i64, scratch_operands = 0 : i64, tpu.core_type = #tpu.core_type<tc>, window_params = [{transform_indices = @transform_0, window_bounds = array<i64: 632, 128>}, {pipeline_mode = #tpu.pipeline_mode<synchronous>, transform_indices = @transform_1, window_bounds = array<i64: 128, 128>}, {transform_indices = @transform_2, window_bounds = array<i64: 632, 128>}]} {
    %get3A = arith.constant 0 : index
    %get3A_0 = arith.constant 0 : index
    %get3A_1 = vector.load %arg1[%get3A, %get3A_0] : memref<632x128xf32, #tpu.memory_space<vmem>>, vector<632x128xf32>
    %get3A_2 = arith.constant 0 : index
    %get3A_3 = arith.constant 0 : index
    %get3A_4 = vector.load %arg2[%get3A_2, %get3A_3] : memref<128x128xf32, #tpu.memory_space<vmem>>, vector<128x128xf32>
    %dot_general3A = arith.constant dense<0.000000e+00> : vector<632x128xf32>
    %dot_general3A_5 = tpu.matmul %get3A_1, %get3A_4, %dot_general3A {dimension_numbers = #tpu.dot_dimension_numbers<[1], [0], [0], [1], [0, 0, 1, 1], [], []>, transpose_lhs_hint = false} : vector<632x128xf32>, vector<128x128xf32>, vector<632x128xf32> -> vector<632x128xf32>
    %swap3A = arith.constant 0 : index
    %swap3A_6 = arith.constant 0 : index
    %swap3A_7 = vector.load %arg3[%swap3A, %swap3A_6] : memref<632x128xf32, #tpu.memory_space<vmem>>, vector<632x128xf32>
    tpu.vector_store %arg3[%swap3A, %swap3A_6], %dot_general3A_5 {strides = array<i32>} : memref<632x128xf32, #tpu.memory_space<vmem>>, vector<632x128xf32>,
    return
  }
  func.func @transform_0(%arg0: i32) -> (i32, i32) {
    %c0_i32 = arith.constant 0 : i32
    %c0_i32_0 = arith.constant 0 : i32
    return %arg0, %c0_i32 : i32, i32
  }
  func.func @transform_1(%arg0: i32) -> (i32, i32) {
    %c0_i32 = arith.constant 0 : i32
    %c0_i32_0 = arith.constant 0 : i32
    %c0_i32_1 = arith.constant 0 : i32
    return %c0_i32, %c0_i32_0 : i32, i32
  }
  func.func @transform_2(%arg0: i32) -> (i32, i32) {
    %c0_i32 = arith.constant 0 : i32
    %c0_i32_0 = arith.constant 0 : i32
    return %arg0, %c0_i32 : i32, i32
  }
}

module attributes {stable_mosaic.version = 14 : i64} {
  func.func @_tc1_body(%arg0: i32, %arg1: memref<2x632x128xf32, #tpu.memory_space<vmem>>, %arg2: memref<632x128xf32, #tpu.memory_space<vmem>>, %arg3: memref<632x128xf32, #tpu.memory_space<vmem>>, %arg4: memref<632x128xf32, #tpu.memory_space<vmem>>) attributes {dimension_semantics = [#tpu.dimension_semantics<arbitrary>], iteration_bounds = array<i64: 16>, scalar_prefetch = 0 : i64, scratch_operands = 0 : i64, tpu.core_type = #tpu.core_type<tc>, window_params = [{transform_indices = @transform_0, window_bounds = array<i64: 2, 632, 128>}, {transform_indices = @transform_1, window_bounds = array<i64: 632, 128>}, {transform_indices = @transform_2, window_bounds = array<i64: 632, 128>}, {transform_indices = @transform_3, window_bounds = array<i64: 632, 128>}]} {
    %get3A = arith.constant 0 : index
    %get3A_0 = arith.constant 0 : index
    %get3A_1 = arith.constant 0 : index
    %get3A_2 = vector.load %arg1[%get3A, %get3A_0, %get3A_1] : memref<2x632x128xf32, #tpu.memory_space<vmem>>, vector<2x632x128xf32>
    %slice3A = vector.extract_strided_slice %get3A_2 {offsets = [0, 0, 0], sizes = [1, 632, 128], strides = [1, 1, 1]} : vector<2x632x128xf32> to vector<1x632x128xf32>
    %squeeze3A = vector.shape_cast %slice3A : vector<1x632x128xf32> to vector<632x128xf32>
    %slice3A_3 = vector.extract_strided_slice %get3A_2 {offsets = [1, 0, 0], sizes = [1, 632, 128], strides = [1, 1, 1]} : vector<2x632x128xf32> to vector<1x632x128xf32>
    %squeeze3A_4 = vector.shape_cast %slice3A_3 : vector<1x632x128xf32> to vector<632x128xf32>
    %add3A = arith.addf %squeeze3A, %squeeze3A_4 : vector<632x128xf32>
    %iota3A = tpu.iota {dimensions = array<i32: 0>} : vector<632x128xi32>
    %mul3A = arith.constant 632 : i32
    %mul3A_5 = arith.muli %arg0, %mul3A : i32
    %add3A_6 = vector.broadcast %mul3A_5 : i32 to vector<632x128xi32>
    %add3A_7 = arith.addi %iota3A, %add3A_6 : vector<632x128xi32>
    %lt3A = arith.constant 10000 : i32
    %lt3A_8 = vector.broadcast %lt3A : i32 to vector<632x128xi32>
    %lt3A_9 = arith.cmpi slt, %add3A_7, %lt3A_8 : vector<632x128xi32>
    %jit3A = arith.constant 1.000000e+00 : f32
    %jit3A_10 = arith.constant 0.000000e+00 : f32
    %broadcast_in_dim3A = vector.broadcast %jit3A : f32 to vector<632x128xf32>
    %broadcast_in_dim3A_11 = vector.broadcast %jit3A_10 : f32 to vector<632x128xf32>
    %select_n3A = arith.select %lt3A_9, %broadcast_in_dim3A, %broadcast_in_dim3A_11 : vector<632x128xi1>, vector<632x128xf32>
    %add3A_12 = arith.addf %add3A, %select_n3A : vector<632x128xf32>
    %gt3A = arith.constant 0.000000e+00 : f32
    %gt3A_13 = vector.broadcast %gt3A : f32 to vector<632x128xf32>
    %gt3A_14 = arith.cmpf ogt, %add3A_12, %gt3A_13 : vector<632x128xf32>
    %max3A = arith.constant 9.99999996E-13 : f32
    %max3A_15 = vector.broadcast %max3A : f32 to vector<632x128xf32>
    %max3A_16 = arith.maximumf %add3A_12, %max3A_15 : vector<632x128xf32>
    %rsqrt3A = math.rsqrt %max3A_16 : vector<632x128xf32>
    %jit3A_17 = arith.constant 0.000000e+00 : f32
    %broadcast_in_dim3A_18 = vector.broadcast %jit3A_17 : f32 to vector<632x128xf32>
    %select_n3A_19 = arith.select %gt3A_14, %rsqrt3A, %broadcast_in_dim3A_18 : vector<632x128xi1>, vector<632x128xf32>
    %swap3A = arith.constant 0 : index
    %swap3A_20 = arith.constant 0 : index
    %swap3A_21 = vector.load %arg4[%swap3A, %swap3A_20] : memref<632x128xf32, #tpu.memory_space<vmem>>, vector<632x128xf32>
    tpu.vector_store %arg4[%swap3A, %swap3A_20], %select_n3A_19 {strides = array<i32>} : memref<632x128xf32, #tpu.memory_space<vmem>>, vector<632x128xf32>,
    %get3A_22 = arith.constant 0 : index
    %get3A_23 = arith.constant 0 : index
    %get3A_24 = vector.load %arg2[%get3A_22, %get3A_23] : memref<632x128xf32, #tpu.memory_space<vmem>>, vector<632x128xf32>
    %mul3A_25 = arith.mulf %get3A_24, %select_n3A_19 : vector<632x128xf32>
    %swap3A_26 = arith.constant 0 : index
    %swap3A_27 = arith.constant 0 : index
    %swap3A_28 = vector.load %arg3[%swap3A_26, %swap3A_27] : memref<632x128xf32, #tpu.memory_space<vmem>>, vector<632x128xf32>
    tpu.vector_store %arg3[%swap3A_26, %swap3A_27], %mul3A_25 {strides = array<i32>} : memref<632x128xf32, #tpu.memory_space<vmem>>, vector<632x128xf32>,
    return
  }
  func.func @transform_0(%arg0: i32) -> (i32, i32, i32) {
    %c0_i32 = arith.constant 0 : i32
    %c0_i32_0 = arith.constant 0 : i32
    %c0_i32_1 = arith.constant 0 : i32
    return %c0_i32, %arg0, %c0_i32_0 : i32, i32, i32
  }
  func.func @transform_1(%arg0: i32) -> (i32, i32) {
    %c0_i32 = arith.constant 0 : i32
    %c0_i32_0 = arith.constant 0 : i32
    return %arg0, %c0_i32 : i32, i32
  }
  func.func @transform_2(%arg0: i32) -> (i32, i32) {
    %c0_i32 = arith.constant 0 : i32
    %c0_i32_0 = arith.constant 0 : i32
    return %arg0, %c0_i32 : i32, i32
  }
  func.func @transform_3(%arg0: i32) -> (i32, i32) {
    %c0_i32 = arith.constant 0 : i32
    %c0_i32_0 = arith.constant 0 : i32
    return %arg0, %c0_i32 : i32, i32
  }
}

module attributes {stable_mosaic.version = 14 : i64} {
  func.func @_tc2_body(%arg0: i32, %arg1: memref<2x632x128xf32, #tpu.memory_space<vmem>>, %arg2: memref<632x128xf32, #tpu.memory_space<vmem>>, %arg3: memref<632x128xf32, #tpu.memory_space<vmem>>, %arg4: memref<1x128xf32, #tpu.memory_space<vmem>>, %arg5: memref<128x128xf32, #tpu.memory_space<vmem>>, %arg6: memref<632x128xf32, #tpu.memory_space<vmem>>) attributes {dimension_semantics = [#tpu.dimension_semantics<arbitrary>], iteration_bounds = array<i64: 16>, scalar_prefetch = 0 : i64, scratch_operands = 0 : i64, tpu.core_type = #tpu.core_type<tc>, window_params = [{transform_indices = @transform_0, window_bounds = array<i64: 2, 632, 128>}, {transform_indices = @transform_1, window_bounds = array<i64: 632, 128>}, {transform_indices = @transform_2, window_bounds = array<i64: 632, 128>}, {pipeline_mode = #tpu.pipeline_mode<synchronous>, transform_indices = @transform_3, window_bounds = array<i64: 1, 128>}, {pipeline_mode = #tpu.pipeline_mode<synchronous>, transform_indices = @transform_4, window_bounds = array<i64: 128, 128>}, {transform_indices = @transform_5, window_bounds = array<i64: 632, 128>}]} {
    %get3A = arith.constant 0 : index
    %get3A_0 = arith.constant 0 : index
    %get3A_1 = arith.constant 0 : index
    %get3A_2 = vector.load %arg1[%get3A, %get3A_0, %get3A_1] : memref<2x632x128xf32, #tpu.memory_space<vmem>>, vector<1x632x128xf32>
    %get3A_3 = vector.shape_cast %get3A_2 : vector<1x632x128xf32> to vector<632x128xf32>
    %get3A_4 = arith.constant 1 : index
    %get3A_5 = arith.constant 0 : index
    %get3A_6 = arith.constant 0 : index
    %get3A_7 = vector.load %arg1[%get3A_4, %get3A_5, %get3A_6] : memref<2x632x128xf32, #tpu.memory_space<vmem>>, vector<1x632x128xf32>
    %get3A_8 = vector.shape_cast %get3A_7 : vector<1x632x128xf32> to vector<632x128xf32>
    %add3A = arith.addf %get3A_3, %get3A_8 : vector<632x128xf32>
    %get3A_9 = arith.constant 0 : index
    %get3A_10 = arith.constant 0 : index
    %get3A_11 = vector.load %arg3[%get3A_9, %get3A_10] : memref<632x128xf32, #tpu.memory_space<vmem>>, vector<632x128xf32>
    %get3A_12 = arith.constant 0 : index
    %get3A_13 = arith.constant 0 : index
    %get3A_14 = vector.load %arg2[%get3A_12, %get3A_13] : memref<632x128xf32, #tpu.memory_space<vmem>>, vector<632x128xf32>
    %add3A_15 = arith.addf %add3A, %get3A_14 : vector<632x128xf32>
    %mul3A = arith.mulf %add3A_15, %get3A_11 : vector<632x128xf32>
    %get3A_16 = arith.constant 0 : index
    %get3A_17 = arith.constant 0 : index
    %get3A_18 = vector.load %arg4[%get3A_16, %get3A_17] : memref<1x128xf32, #tpu.memory_space<vmem>>, vector<1x128xf32>
    %add3A_19 = vector.broadcast %get3A_18 : vector<1x128xf32> to vector<632x128xf32>
    %add3A_20 = arith.addf %mul3A, %add3A_19 : vector<632x128xf32>
    %max3A = arith.constant 0.000000e+00 : f32
    %max3A_21 = vector.broadcast %max3A : f32 to vector<632x128xf32>
    %max3A_22 = arith.maximumf %add3A_20, %max3A_21 : vector<632x128xf32>
    %get3A_23 = arith.constant 0 : index
    %get3A_24 = arith.constant 0 : index
    %get3A_25 = vector.load %arg5[%get3A_23, %get3A_24] : memref<128x128xf32, #tpu.memory_space<vmem>>, vector<128x128xf32>
    %dot_general3A = arith.constant dense<0.000000e+00> : vector<632x128xf32>
    %dot_general3A_26 = tpu.matmul %max3A_22, %get3A_25, %dot_general3A {dimension_numbers = #tpu.dot_dimension_numbers<[1], [0], [0], [1], [0, 0, 1, 1], [], []>, transpose_lhs_hint = false} : vector<632x128xf32>, vector<128x128xf32>, vector<632x128xf32> -> vector<632x128xf32>
    %mul3A_27 = arith.mulf %dot_general3A_26, %get3A_11 : vector<632x128xf32>
    %swap3A = arith.constant 0 : index
    %swap3A_28 = arith.constant 0 : index
    %swap3A_29 = vector.load %arg6[%swap3A, %swap3A_28] : memref<632x128xf32, #tpu.memory_space<vmem>>, vector<632x128xf32>
    tpu.vector_store %arg6[%swap3A, %swap3A_28], %mul3A_27 {strides = array<i32>} : memref<632x128xf32, #tpu.memory_space<vmem>>, vector<632x128xf32>,
    return
  }
  func.func @transform_0(%arg0: i32) -> (i32, i32, i32) {
    %c0_i32 = arith.constant 0 : i32
    %c0_i32_0 = arith.constant 0 : i32
    %c0_i32_1 = arith.constant 0 : i32
    return %c0_i32, %arg0, %c0_i32_0 : i32, i32, i32
  }
  func.func @transform_1(%arg0: i32) -> (i32, i32) {
    %c0_i32 = arith.constant 0 : i32
    %c0_i32_0 = arith.constant 0 : i32
    return %arg0, %c0_i32 : i32, i32
  }
  func.func @transform_2(%arg0: i32) -> (i32, i32) {
    %c0_i32 = arith.constant 0 : i32
    %c0_i32_0 = arith.constant 0 : i32
    return %arg0, %c0_i32 : i32, i32
  }
  func.func @transform_3(%arg0: i32) -> (i32, i32) {
    %c0_i32 = arith.constant 0 : i32
    %c0_i32_0 = arith.constant 0 : i32
    %c0_i32_1 = arith.constant 0 : i32
    return %c0_i32, %c0_i32_0 : i32, i32
  }
  func.func @transform_4(%arg0: i32) -> (i32, i32) {
    %c0_i32 = arith.constant 0 : i32
    %c0_i32_0 = arith.constant 0 : i32
    %c0_i32_1 = arith.constant 0 : i32
    return %c0_i32, %c0_i32_0 : i32, i32
  }
  func.func @transform_5(%arg0: i32) -> (i32, i32) {
    %c0_i32 = arith.constant 0 : i32
    %c0_i32_0 = arith.constant 0 : i32
    return %arg0, %c0_i32 : i32, i32
  }
}

module attributes {stable_mosaic.version = 14 : i64} {
  func.func @_tc3_body(%arg0: i32, %arg1: memref<2x632x128xf32, #tpu.memory_space<vmem>>, %arg2: memref<632x128xf32, #tpu.memory_space<vmem>>, %arg3: memref<632x128xf32, #tpu.memory_space<vmem>>, %arg4: memref<1x128xf32, #tpu.memory_space<vmem>>, %arg5: memref<632x128xf32, #tpu.memory_space<vmem>>) attributes {dimension_semantics = [#tpu.dimension_semantics<arbitrary>], iteration_bounds = array<i64: 16>, scalar_prefetch = 0 : i64, scratch_operands = 0 : i64, tpu.core_type = #tpu.core_type<tc>, window_params = [{transform_indices = @transform_0, window_bounds = array<i64: 2, 632, 128>}, {transform_indices = @transform_1, window_bounds = array<i64: 632, 128>}, {transform_indices = @transform_2, window_bounds = array<i64: 632, 128>}, {pipeline_mode = #tpu.pipeline_mode<synchronous>, transform_indices = @transform_3, window_bounds = array<i64: 1, 128>}, {transform_indices = @transform_4, window_bounds = array<i64: 632, 128>}]} {
    %get3A = arith.constant 0 : index
    %get3A_0 = arith.constant 0 : index
    %get3A_1 = arith.constant 0 : index
    %get3A_2 = vector.load %arg1[%get3A, %get3A_0, %get3A_1] : memref<2x632x128xf32, #tpu.memory_space<vmem>>, vector<1x632x128xf32>
    %get3A_3 = vector.shape_cast %get3A_2 : vector<1x632x128xf32> to vector<632x128xf32>
    %get3A_4 = arith.constant 1 : index
    %get3A_5 = arith.constant 0 : index
    %get3A_6 = arith.constant 0 : index
    %get3A_7 = vector.load %arg1[%get3A_4, %get3A_5, %get3A_6] : memref<2x632x128xf32, #tpu.memory_space<vmem>>, vector<1x632x128xf32>
    %get3A_8 = vector.shape_cast %get3A_7 : vector<1x632x128xf32> to vector<632x128xf32>
    %add3A = arith.addf %get3A_3, %get3A_8 : vector<632x128xf32>
    %get3A_9 = arith.constant 0 : index
    %get3A_10 = arith.constant 0 : index
    %get3A_11 = vector.load %arg2[%get3A_9, %get3A_10] : memref<632x128xf32, #tpu.memory_space<vmem>>, vector<632x128xf32>
    %add3A_12 = arith.addf %add3A, %get3A_11 : vector<632x128xf32>
    %get3A_13 = arith.constant 0 : index
    %get3A_14 = arith.constant 0 : index
    %get3A_15 = vector.load %arg3[%get3A_13, %get3A_14] : memref<632x128xf32, #tpu.memory_space<vmem>>, vector<632x128xf32>
    %mul3A = arith.mulf %add3A_12, %get3A_15 : vector<632x128xf32>
    %get3A_16 = arith.constant 0 : index
    %get3A_17 = arith.constant 0 : index
    %get3A_18 = vector.load %arg4[%get3A_16, %get3A_17] : memref<1x128xf32, #tpu.memory_space<vmem>>, vector<1x128xf32>
    %add3A_19 = vector.broadcast %get3A_18 : vector<1x128xf32> to vector<632x128xf32>
    %add3A_20 = arith.addf %mul3A, %add3A_19 : vector<632x128xf32>
    %swap3A = arith.constant 0 : index
    %swap3A_21 = arith.constant 0 : index
    %swap3A_22 = vector.load %arg5[%swap3A, %swap3A_21] : memref<632x128xf32, #tpu.memory_space<vmem>>, vector<632x128xf32>
    tpu.vector_store %arg5[%swap3A, %swap3A_21], %add3A_20 {strides = array<i32>} : memref<632x128xf32, #tpu.memory_space<vmem>>, vector<632x128xf32>,
    return
  }
  func.func @transform_0(%arg0: i32) -> (i32, i32, i32) {
    %c0_i32 = arith.constant 0 : i32
    %c0_i32_0 = arith.constant 0 : i32
    %c0_i32_1 = arith.constant 0 : i32
    return %c0_i32, %arg0, %c0_i32_0 : i32, i32, i32
  }
  func.func @transform_1(%arg0: i32) -> (i32, i32) {
    %c0_i32 = arith.constant 0 : i32
    %c0_i32_0 = arith.constant 0 : i32
    return %arg0, %c0_i32 : i32, i32
  }
  func.func @transform_2(%arg0: i32) -> (i32, i32) {
    %c0_i32 = arith.constant 0 : i32
    %c0_i32_0 = arith.constant 0 : i32
    return %arg0, %c0_i32 : i32, i32
  }
  func.func @transform_3(%arg0: i32) -> (i32, i32) {
    %c0_i32 = arith.constant 0 : i32
    %c0_i32_0 = arith.constant 0 : i32
    %c0_i32_1 = arith.constant 0 : i32
    return %c0_i32, %c0_i32_0 : i32, i32
  }
  func.func @transform_4(%arg0: i32) -> (i32, i32) {
    %c0_i32 = arith.constant 0 : i32
    %c0_i32_0 = arith.constant 0 : i32
    return %arg0, %c0_i32 : i32, i32
  }
}

</mosaic_0001>

<sc_bundles>
// kernel: kernel.12.cloned.1.call-start
scs
__scs_entry_jumppad:
0x0: {  	(pc) =	sbr.rel $0x88, $3  }
0x1: {  	(tag) =	ssettag $0x0;
	lr =	simm.s32 $0x1  }
0x2: {  	[smem:$0x3F9B] =	sst lr;
	_ =	strace $0xD0000000  }
0x3: {  	_ = 	snop  }
0x4: {  	_ = 	snop  }
0x5: {  	_ = 	snop  }
0x6: {  	_ = 	snop  }
0x7: {  	_ = 	snop  }
__scs_overlays_trampoline_lowered:
0x8: {  	[smem:$0x3FAA] =	sst s0  }
0x9: {  	[smem:$0x3FAB] =	sst s1  }
0xa: {  	[smem:$0x3FAC] =	sst s2  }
0xb: {  	[smem:$0x3FAD] =	sst s3  }
0xc: {  	[smem:$0x3FAE] =	sst s4  }
0xd: {  	[smem:$0x3FAF] =	sst s5  }
0xe: {  	[smem:$0x3FB0] =	sst s6  }
0xf: {  	[smem:$0x3FB1] =	sst s7  }
0x10: {  	[smem:$0x3FB2] =	sst s8  }
0x11: {  	[smem:$0x3FB3] =	sst s9;
	s0 =	simm.s32 @!p0 $0x0  }
0x12: {  	s1 =	sld [smem:$0x3F99];
	s0 =	simm.s32 @p0 $0x1  }
0x13: {  	[smem:$0x3FB4] =	sst s0;
	s0 =	simm.s32 @!p1 $0x0  }
0x14: {  	s2 =	sld [smem:$0x3F98];
	s0 =	simm.s32 @p1 $0x1  }
0x15: {  	[smem:$0x3FB5] =	sst s0;
	s0 =	simm.s32 @!p2 $0x0  }
0x16: {  	s3 =	sld [smem:$0x3FDB];
	s0 =	simm.s32 @p2 $0x1  }
0x17: {  	s4 =	simm.s32 $0x1BF5;
	[smem:$0x3FB7] =	sst s0  }
0x18: {  	s0 =	sld [smem:$0x3F9A];
	_ =	swait.ge [sflag:s4], $0x0  }
0x19: {  	s7 =	sld [smem:$0x3F9B]  }
0x1a: {  	s8 =	sadd.s32 $0xFFFFE003, lr  }
0x1b: {  	s9 =	sadd.s32 $0xFFFFFEF7, lr;
	s5 =	simm.s32 $0xFFFFFFFF;
	p2 =	slt.u32 s8, $0xFFFFF086  }
0x1c: {  	p1 =	slt.u32 s9, $0xF7A;
	s5 =	simm.s32 @!p2 $0x0  }
0x1d: {  	s5 =	simm.s32 @p1 $0x1;
	p0 =	seq.s32 s7, s2  }
0x1e: {  	s7 =	smul.u32 @!p0 $0xF7A, s2;
	p2 =	seq.s32 @!p0 s5, $0x0  }
0x1f: {  	s9 =	smul.u32 $0xF7A, s1;
	s8 =	simm.s32 @!p0 $0x1BF5;
	p2 =	por !p2, p0  }
0x20: {  	[sflag:s8] =	ssyncset.s32 @!p0 $0xFFFFF086;
	s6 =	sadd.s32 @!p0 s3, s7;
	s7 =	simm.s32 @!p0 $0x108  }
0x21: {  	s3 =	sadd.s32 s3, s9;
	s6 =	sadd.s32 @!p0 $0x88, s6;
	s7 =	simm.s32 @p2 $0x1082  }
0x22: {  	[simem:s7], [sflag:s8] =	dma.local @!p0 [hbm:s6], $0xF7A  }
0x23: {  	s9 =	sor.u32 $0xD0000000, s2;
	s6 =	simm.s32 $0x108;
	_ =	swait.ge @!p0 [sflag:s8], $0x0  }
0x24: {  	s3 =	sadd.s32 $0x88, s3;
	s6 =	simm.s32 @!p1 $0x1082;
	[sflag:s4] =	ssyncset.s32 $0xFFFFF086  }
0x25: {  	[simem:s6], [sflag:s4] =	dma.local [hbm:s3], $0xF7A  }
0x26: {  	[smem:$0x3F9B] =	sst s1;
	(tag) =	ssettag s2;
	_ =	strace s9  }
0x27: {  	s1 =	sld [smem:$0x3FAB]  }
0x28: {  	s2 =	sld [smem:$0x3FAC]  }
0x29: {  	s4 =	sld [smem:$0x3FAE]  }
0x2a: {  	p0 =	seq.s32 s5, $0x0;
	s5 =	sld [smem:$0x3FAF]  }
0x2b: {  	s6 =	sld [smem:$0x3FB0]  }
0x2c: {  	s7 =	sld [smem:$0x3FB1]  }
0x2d: {  	s3 =	simm.s32 $0x108;
	s8 =	sld [smem:$0x3FB2]  }
0x2e: {  	s3 =	simm.s32 @!p0 $0x1082;
	s9 =	sld [smem:$0x3FB3]  }
0x2f: {  	lr =	sadd.s32 s0, s3;
	s0 =	sld [smem:$0x3FAA]  }
0x30: {  	s3 =	sld [smem:$0x3FAD]  }
0x31: {  	[smem:$0x3FB6] =	sst s10  }
0x32: {  	s10 =	sld [smem:$0x3FB4];
	_ =	sdelay $0x3  }
0x33: {  	p0 =	seq.s32 s10, $0x1;
	s10 =	sld [smem:$0x3FB6];
	_ =	sdelay $0x3  }
0x34: {  	[smem:$0x3FB6] =	sst s10  }
0x35: {  	s10 =	sld [smem:$0x3FB5];
	_ =	sdelay $0x3  }
0x36: {  	p1 =	seq.s32 s10, $0x1;
	s10 =	sld [smem:$0x3FB6];
	_ =	sdelay $0x3  }
0x37: {  	[smem:$0x3FB6] =	sst s10  }
0x38: {  	s10 =	sld [smem:$0x3FB7]  }
0x39: {  	_ = 	snop;
	(pc) =	sbr.ind lr, $3  }
0x3a: {  	_ = 	snop  }
0x3b: {  	_ = 	snop  }
0x3c: {  	p2 =	seq.s32 s10, $0x1;
	s10 =	sld [smem:$0x3FB6]  }
0x3d: {  	_ =	shalt  }
0x3e: {  	_ =	shalt  }
0x3f: {  	_ =	shalt  }
0x40: {  	_ =	shalt  }
0x41: {  	_ =	shalt  }
0x42: {  	_ =	shalt  }
0x43: {  	_ =	shalt  }
0x44: {  	_ =	shalt  }
0x45: {  	_ =	shalt  }
0x46: {  	_ =	shalt  }
0x47: {  	_ =	shalt  }
0x48: {  	_ =	shalt  }
0x49: {  	_ =	shalt  }
0x4a: {  	_ =	shalt  }
0x4b: {  	_ =	shalt  }
0x4c: {  	_ =	shalt  }
0x4d: {  	_ =	shalt  }
0x4e: {  	_ =	shalt  }
0x4f: {  	_ =	shalt  }
0x50: {  	_ =	shalt  }
0x51: {  	_ =	shalt  }
0x52: {  	_ =	shalt  }
0x53: {  	_ =	shalt  }
0x54: {  	_ =	shalt  }
0x55: {  	_ =	shalt  }
0x56: {  	_ =	shalt  }
0x57: {  	_ =	shalt  }
0x58: {  	_ =	shalt  }
0x59: {  	_ =	shalt  }
0x5a: {  	_ =	shalt  }
0x5b: {  	_ =	shalt  }
0x5c: {  	_ =	shalt  }
0x5d: {  	_ =	shalt  }
0x5e: {  	_ =	shalt  }
0x5f: {  	_ =	shalt  }
0x60: {  	_ =	shalt  }
0x61: {  	_ =	shalt  }
0x62: {  	_ =	shalt  }
0x63: {  	_ =	shalt  }
0x64: {  	_ =	shalt  }
0x65: {  	_ =	shalt  }
0x66: {  	_ =	shalt  }
0x67: {  	_ =	shalt  }
0x68: {  	_ =	shalt  }
0x69: {  	_ =	shalt  }
0x6a: {  	_ =	shalt  }
0x6b: {  	_ =	shalt  }
0x6c: {  	_ =	shalt  }
0x6d: {  	_ =	shalt  }
0x6e: {  	_ =	shalt  }
0x6f: {  	_ =	shalt  }
0x70: {  	_ =	shalt  }
0x71: {  	_ =	shalt  }
0x72: {  	_ =	shalt  }
0x73: {  	_ =	shalt  }
0x74: {  	_ =	shalt  }
0x75: {  	_ =	shalt  }
0x76: {  	_ =	shalt  }
0x77: {  	_ =	shalt  }
0x78: {  	_ =	shalt  }
0x79: {  	_ =	shalt  }
0x7a: {  	_ =	shalt  }
0x7b: {  	_ =	shalt  }
0x7c: {  	_ =	shalt  }
0x7d: {  	_ =	shalt  }
0x7e: {  	_ =	shalt  }
0x7f: {  	_ =	shalt  }
0x80: {  	_ =	shalt  }
0x81: {  	_ =	shalt  }
0x82: {  	_ =	shalt  }
0x83: {  	_ =	shalt  }
0x84: {  	_ =	shalt  }
0x85: {  	_ =	shalt  }
0x86: {  	_ =	shalt  }
0x87: {  	_ =	shalt  }
.Lfunc_end0:
.L_simem_size_0:
called_computation.1_lowered:
.L_overlay_start_0:
0x88: {  	s2 =	sld [smem:$0x3FD9]  }
0x89: {  	s3 =	sld [smem:$0x3FFE];
	_ =	sdelay $0x1  }
0x8a: {  	s1 =	srdreg.scid  }
0x8b: {  	s0 =	sand.u32 $0x1, s1  }
0x8c: {  	s17 =	sshll.u32 s0, $0xA;
	s2 =	sadd.s32 s3, s2  }
0x8d: {  	s2 =	sadd.s32 s2, s17  }
0x8e: {  	[smem:$0x3FC2] =	sst s2  }
0x8f: {  	_ = 	snop  }
0x90: {  	s2 =	sld [smem:$0x3FD0];
	(tm) =	ssettm $0x1  }
0x91: {  	s18 =	sld [smem:$0x3FFB];
	_ =	sdelay $0x3  }
0x92: {  	_ =	strace s18  }
0x93: {  	s3 =	sld [smem:$0x3FFC];
	_ =	sdelay $0x3  }
0x94: {  	_ =	strace s3  }
0x95: {  	s3 =	sld [smem:$0x3FFD];
	_ =	sdelay $0x3  }
0x96: {  	_ =	strace s3  }
0x97: {  	_ =	strace $0x8FFFFFFF  }
0x98: {  	s19 =	sld [smem:$0x3FDB];
	_ =	sdelay $0x1  }
0x99: {  	s4 =	simm.s32 $_scs_section_size  }
0x9a: {  	s5 =	simm.s32 $_size__tile_overlayer_lowered;
	s6 =	simm.s32 $_tile_overlayer_lowered  }
0x9b: {  	s22 =	simm.s32 $0x1BFF;
	s21 =	sshll.u32 s6, $0x1;
	s3 =	sadd.s32 s4, s19  }
0x9c: {  	s7 =	simm.s32 $0x0;
	s20 =	sshll.u32 s5, $0x1;
	s5 =	sadd.s32 s21, s3  }
0x9d: {  	[timem:s7], [sflag:s22] =	dma.local [hbm:s5], s20  }
0x9e: {  	_ =	swait.ge [sflag:s22], s20  }
0x9f: {  	s4 =	ssub.s32 $0x0, s20;
	[sflag:s22] =	ssyncset.done $0x0  }
0xa0: {  	[sflag:s22] =	ssyncadd.s32 s4;
	_ =	sdelay $0x1  }
0xa1: {  	s23 =	simm.s32 $0x1B8B  }
0xa2: {  	_ =	swait.ge [sflag:s23], $0x1  }
0xa3: {  	[sflag:s23] =	ssyncset.done $0x0  }
0xa4: {  	s25 =	simm.s32 $0x1B8E;
	s24 =	sld [smem:$0x3FFE];
	[sflag:s23] =	ssyncadd.s32 $0xFFFFFFFF  }
0xa5: {  	s26 =	simm.s32 $execute0_lowered;
	[smem:$0x3FD2] =	sst s25  }
0xa6: {  	s5 =	sshll.u32 s26, $0x1;
	_ =	strace $0x80000049;
	[dreg:$0x1] =	wrdreg $0xFFFFFFFF  }
0xa7: {  	s28 =	simm.s32 $_size_execute0_lowered;
	s3 =	sadd.s32 s3, s5;
	[dreg:$0x0] =	wrdreg $0x0  }
0xa8: {  	s5 =	sshll.u32 s28, $0x1;
	[dreg:$0x2] =	wrdreg s3  }
0xa9: {  	[dreg:$0x3] =	wrdreg s5  }
0xaa: {  	[dreg:$0x4] =	wrdreg $0xC0  }
0xab: {  	_ =	task [dreg:s7], $0x5FFFF  }
0xac: {  	[dreg:$0x1] =	wrdreg $0xFFFFFFFF  }
0xad: {  	[dreg:$0x0] =	wrdreg $0x60  }
0xae: {  	[dreg:$0x2] =	wrdreg s24  }
0xaf: {  	[dreg:$0x3] =	wrdreg s2  }
0xb0: {  	[dreg:$0x4] =	wrdreg $0xC2000  }
0xb1: {  	[dreg:$0x5] =	wrdreg $0x9  }
0xb2: {  	_ =	task.clear_ibuf [dreg:s7], $0x6FFFF;
	_ =	strace $0x90000049  }
0xb3: {  	s29 =	simm.s32 $0x9;
	_ =	strace $0x8000004B  }
0xb4: {  	_ =	swait.ge [sflag:s29], $0x1  }
0xb5: {  	[sflag:s29] =	ssyncadd.s32 $0xFFFFFFFF  }
0xb6: {  	_ =	strace $0x9000004B  }
0xb7: {  	_ =	sfence  }
0xb8: {  	s30 =	sld [smem:$0x0];
	_ =	sdelay $0x2  }
0xb9: {  	s31 =	sshll.u32 s1, $0xD;
	s1 =	sshrl.u32 s1, $0x2  }
0xba: {  	s3 =	sand.u32 $0x4000, s31;
	s1 =	sadd.s32 s1, s30  }
0xbb: {  	s0 =	sor.u32 s3, s0;
	s1 =	sshll.u32 s1, $0x11  }
0xbc: {  	s0 =	sor.u32 s1, s0  }
0xbd: {  	s0 =	sadd.s32 $0x8F2B, s0  }
0xbe: {  	[sflag:s0] =	ssyncadd.remote.s32 $0x1  }
0xbf: {  	_ =	sfence.sel $0xFFFF  }
0xc0: {  	[dreg:$0x0] =	wrdreg $0xFFFFFFFF;
	(pc) =	sbr.abs _section_cstart, $3  }
0xc1: {  	[dreg:$0x1] =	wrdreg $0xFFFFFFFF  }
0xc2: {  	_ =	task.clear_ibuf [dreg:s7], $0x2FFFF;
	_ =	strace $0x9FFFFFFF  }
0xc3: {  	(tm) =	ssettm $0x7FFFFFFF  }
tec
execute0_lowered:
.L_overlay_start_1:
0x0: {  	(tag) =	ssettag $0x1  }
0x1: {  	s0 =	rddreg [dreg:$0x0]  }
0x2: {  	s1 =	rddreg [dreg:$0x1]  }
0x3: {  	s2 =	rddreg [dreg:$0x2];
	s3 =	srdreg.scid  }
0x4: {  	s4 =	simm.s32 $0x0;
	s10 =	stileid.u32;
	s28 =	simm.s32 $0x100  }
0x5: {  	s29 =	simm.s32 $0x1;
	s30 =	simm.s32 $0x3;
	s7 =	smul.u32 $0x13C00, s10  }
0x6: {  	s31 =	simm.s32 $0x2;
	s3 =	sand.u32 $0x1, s3;
	s8 =	smul.u32 $0x4F000, s10  }
0x7: {  	[smem:$0x7FF] =	sst s4;
	s5 =	sadd.s32 $0x1E00, s0;
	s6 =	smul.u32 $0x13C000, s3  }
0x8: {  	_ =	strace $0x8000004A;
	s18 =	sshll.u32 s3, $0x4;
	s3 =	ssub.s32 $0x2, s3  }
0x9: {  	s10 =	sor.u32 s10, s18;
	s19 =	sshrl.u32 s8, $0x2;
	s7 =	sadd.s32 s7, s6  }
0xa: {  	s11 =	sshrl.u32 s3, $0x1;
	s9 =	sshrl.u32 s7, $0x3;
	s7 =	sadd.s32 s19, s2  }
0xb: {  	s6 =	sadd.s32 $0x50E00, s0;
	s8 =	smul.u32 $0x2800, s10;
	s20 =	sadd.s32 $0x4000, s7  }
0xc: {  	s3 =	ssub.s32 s3, s11;
	s21 =	sadd.s32 $0x8000, s7;
	[dreg:$0x4] =	wrdreg s20  }
0xd: {  	s16 =	smax.u32 s3, $0x1;
	s22 =	sadd.s32 $0xC000, s7;
	[dreg:$0x5] =	wrdreg s21  }
0xe: {  	s19 =	simm.s32 $0x8200;
	s24 =	sadd.s32 $0x10000, s7;
	[dreg:$0x6] =	wrdreg s22  }
0xf: {  	s0 =	sadd.s32 s9, s0;
	s23 =	sshrl.u32 s8, $0x3;
	[dreg:$0x7] =	wrdreg s24  }
0x10: {  	s25 =	sadd.s32 s6, s23;
	s14 =	sadd.s32 s1, s23;
	s15 =	sadd.s32 $0x5AE00, s0  }
0x11: {  	s26 =	sadd.s32 $0x4F0, s23;
	s20 =	simm.s32 $0x5;
	s21 =	simm.s32 $0x80  }
0x12: {  	s22 =	simm.s32 $0x7D;
	s23 =	simm.s32 $0x200;
	s24 =	simm.s32 $0x180  }
0x13: {  	s0 =	simm.s32 $0x0;
	[dreg:$0x8] =	wrdreg s25;
	s17 =	sadd.s32 s6, s26  }
0x14: {  	v0 =	vimm.f32 $0.0e+00;
	s18 =	sadd.s32 s1, s26;
	s25 =	simm.s32 $0x4200;
	s26 =	simm.s32 $0x4  }
.LBB2_1:
0x15: {  	s3 =	simm.s32 $0x0;
	s9 =	simm.s32 $0x200  }
.LBB2_2:
0x16: {  	p0 =	sne.s32 s9, $0xFE00;
	[tilespmem:s3+$0x8270] =	vst v0  }
0x17: {  	[tilespmem:s3+$0x8200] =	vst v0  }
0x18: {  	[tilespmem:s3+$0x8210] =	vst v0  }
.Ltmp0:
0x19: {  	[tilespmem:s3+$0x8220] =	vst v0;
	(pc) =	sbr.rel @p0 .LBB2_2-.Ltmp0, $4  }
0x1a: {  	[tilespmem:s3+$0x8230] =	vst v0  }
0x1b: {  	[tilespmem:s3+$0x8240] =	vst v0  }
0x1c: {  	[tilespmem:s3+$0x8250] =	vst v0  }
0x1d: {  	[tilespmem:s3+$0x8260] =	vst v0;
	s3 =	sshra.s32 s9, $0x2;
	s9 =	sadd.s32 $0x200, s9  }
0x1e: {  	[tilespmem:s3+$0x8270] =	vst v0  }
0x1f: {  	[tilespmem:s3+$0x8200] =	vst v0  }
0x20: {  	[tilespmem:s3+$0x8210] =	vst v0  }
0x21: {  	[tilespmem:s3+$0x8220] =	vst v0  }
0x22: {  	[tilespmem:s3+$0x8230] =	vst v0  }
0x23: {  	[tilespmem:s3+$0x8240] =	vst v0  }
0x24: {  	[tilespmem:s3+$0x8250] =	vst v0  }
0x25: {  	[tilespmem:s3+$0x8260] =	vst v0  }
0x26: {  	[spmem:s7] =	stream.linear.scatter [tilespmem:s19], [sflag:$0x5], $0x4000, $0x38;
	[tilespmem:$0x1FE00] =	vst v63  }
0x27: {  	_ =	swait.ge [sflag:s20], $0x4000  }
0x28: {  	[sflag:s20] =	ssyncset.done $0x0  }
0x29: {  	s9 =	rddreg [dreg:$0x4];
	[sflag:s20] =	ssyncadd.s32 $0xFFFFC000  }
0x2a: {  	[spmem:s9] =	stream.linear.scatter [tilespmem:s19], [sflag:$0x5], $0x4000, $0x38;
	[tilespmem:$0x1FE00] =	vst v63  }
0x2b: {  	_ =	swait.ge [sflag:s20], $0x4000  }
0x2c: {  	[sflag:s20] =	ssyncset.done $0x0  }
0x2d: {  	s10 =	rddreg [dreg:$0x5];
	[sflag:s20] =	ssyncadd.s32 $0xFFFFC000  }
0x2e: {  	[spmem:s10] =	stream.linear.scatter [tilespmem:s19], [sflag:$0x5], $0x4000, $0x38;
	[tilespmem:$0x1FE00] =	vst v63  }
0x2f: {  	_ =	swait.ge [sflag:s20], $0x4000  }
0x30: {  	[sflag:s20] =	ssyncset.done $0x0  }
0x31: {  	s11 =	rddreg [dreg:$0x6];
	[sflag:s20] =	ssyncadd.s32 $0xFFFFC000  }
0x32: {  	[spmem:s11] =	stream.linear.scatter [tilespmem:s19], [sflag:$0x5], $0x4000, $0x38;
	[tilespmem:$0x1FE00] =	vst v63  }
0x33: {  	_ =	swait.ge [sflag:s20], $0x4000  }
0x34: {  	[sflag:s20] =	ssyncset.done $0x0  }
0x35: {  	s12 =	rddreg [dreg:$0x7];
	[sflag:s20] =	ssyncadd.s32 $0xFFFFC000  }
0x36: {  	[spmem:s12] =	stream.linear.scatter [tilespmem:s19], [sflag:$0x5], $0x3C00, $0x38;
	[tilespmem:$0x1FE00] =	vst v63  }
0x37: {  	_ =	swait.ge [sflag:s20], $0x3C00  }
0x38: {  	[sflag:s20] =	ssyncset.done $0x0  }
0x39: {  	[sflag:s20] =	ssyncadd.s32 $0xFFFFC400  }
0x3a: {  	[bflag:$0x0] =	sbarrier.arrive $0xFFFF  }
0x3b: {  	s13 =	simm.s32 $0x0;
	s9 =	rddreg [dreg:$0x8]  }
0x3c: {  	[tilespmem:s13], [sflag:$0x5] =	stream.linear.gather [hbm4b:s9+s13], $0x80, $0x38;
	[tilespmem:$0x1FE00] =	vst v63  }
0x3d: {  	_ =	swait.ge [sflag:s20], $0x80  }
0x3e: {  	[sflag:s20] =	ssyncset.done $0x0  }
0x3f: {  	[sflag:s20] =	ssyncadd.s32 $0xFFFFFF80  }
0x40: {  	[tilespmem:s21], [sflag:$0x5] =	stream.linear.gather [hbm4b:s14+s13], $0x80, $0x38;
	[tilespmem:$0x1FE00] =	vst v63  }
0x41: {  	_ =	swait.ge [sflag:s20], $0x80  }
0x42: {  	[sflag:s20] =	ssyncset.done $0x0  }
0x43: {  	s3 =	simm.s32 $0x0;
	s9 =	simm.s32 $0x200;
	[sflag:s20] =	ssyncadd.s32 $0xFFFFFF80  }
0x44: {  	[tilespmem:s23], [sflag:$0x1] =	stream.indirect.gather [hbm4b:s5+s22], $0x80, s13, s22, $0xb8;
	[tilespmem:$0x1FE00] =	vst v63  }
.LBB2_4:
0x45: {  	p0 =	sne.s32 s9, $0xF800;
	[tilespmem:s3+$0x4270] =	vst v0  }
0x46: {  	[tilespmem:s3+$0x4200] =	vst v0  }
0x47: {  	[tilespmem:s3+$0x4210] =	vst v0  }
.Ltmp1:
0x48: {  	[tilespmem:s3+$0x4220] =	vst v0;
	(pc) =	sbr.rel @p0 .LBB2_4-.Ltmp1, $4  }
0x49: {  	[tilespmem:s3+$0x4230] =	vst v0  }
0x4a: {  	[tilespmem:s3+$0x4240] =	vst v0  }
0x4b: {  	[tilespmem:s3+$0x4250] =	vst v0  }
0x4c: {  	[tilespmem:s3+$0x4260] =	vst v0;
	s3 =	sshra.s32 s9, $0x2;
	s9 =	sadd.s32 $0x200, s9  }
0x4d: {  	[tilespmem:s3+$0x4270] =	vst v0  }
0x4e: {  	[tilespmem:s3+$0x4200] =	vst v0  }
0x4f: {  	[tilespmem:s3+$0x4210] =	vst v0  }
0x50: {  	[tilespmem:s3+$0x4220] =	vst v0  }
0x51: {  	[tilespmem:s3+$0x4230] =	vst v0  }
0x52: {  	[tilespmem:s3+$0x4240] =	vst v0  }
0x53: {  	[tilespmem:s3+$0x4250] =	vst v0  }
0x54: {  	[tilespmem:s3+$0x4260] =	vst v0;
	s13 =	simm.s32 $0x0  }
0x55: {  	[tilespmem:s24], [sflag:$0x5] =	stream.linear.gather [hbm4b:s14+s4], $0x80, $0x38;
	[tilespmem:$0x1FE00] =	vst v63  }
0x56: {  	s9 =	sand.u32 $0x3C00, s13;
	_ =	swait.ge [sflag:s20], $0x80  }
0x57: {  	s3 =	sand.u32 $0x300, s13;
	s9 =	sadd.s32 s8, s9;
	[sflag:s20] =	ssyncset.done $0x0  }
0x58: {  	s3 =	sor.u32 s9, s3;
	[sflag:s20] =	ssyncadd.s32 $0xFFFFFF80  }
0x59: {  	[spmem:s2] =	stream.indirect.scatter.add.f32 [tilespmem:s25], [sflag:$0x4], $0x80, s24, s22, $0xb8;
	[tilespmem:$0x1FE00] =	vst v63  }
0x5a: {  	s3 =	sor.u32 $0x80, s3;
	_ =	swait.ge [sflag:s26], $0x3E80  }
0x5b: {  	s3 =	sshrl.u32 s3, $0x3;
	[sflag:s26] =	ssyncset.done $0x0  }
0x5c: {  	s10 =	sadd.s32 s6, s3;
	[sflag:s26] =	ssyncadd.s32 $0xFFFFC180  }
0x5d: {  	[tilespmem:s28], [sflag:$0x5] =	stream.linear.gather [hbm4b:s10+s4], $0x80, $0x38;
	[tilespmem:$0x1FE00] =	vst v63  }
0x5e: {  	_ =	swait.ge [sflag:s20], $0x80  }
0x5f: {  	[sflag:s20] =	ssyncset.done $0x0  }
0x60: {  	s3 =	sadd.s32 s1, s3;
	[sflag:s20] =	ssyncadd.s32 $0xFFFFFF80  }
0x61: {  	[tilespmem:s24], [sflag:$0x5] =	stream.linear.gather [hbm4b:s3+s4], $0x80, $0x38;
	[tilespmem:$0x1FE00] =	vst v63  }
0x62: {  	_ =	swait.ge [sflag:s20], $0x80  }
0x63: {  	[sflag:s20] =	ssyncset.done $0x0  }
0x64: {  	[sflag:s20] =	ssyncadd.s32 $0xFFFFFF80  }
0x65: {  	_ =	swait.ge [sflag:s29], $0x3E80  }
0x66: {  	s11 =	simm.s32 $0x100;
	[sflag:s29] =	ssyncset.done $0x0  }
0x67: {  	s12 =	sand.u32 $0x7C00, s11;
	[sflag:s29] =	ssyncadd.s32 $0xFFFFC180  }
0x68: {  	[spmem:s2] =	stream.indirect.scatter.add.f32 [tilespmem:s23], [sflag:$0x3], $0x80, s21, s22, $0xb8;
	[tilespmem:$0x1FE00] =	vst v63  }
0x69: {  	s9 =	sadd.s32 s8, s12;
	s3 =	sand.u32 $0x300, s11  }
0x6a: {  	[tilespmem:s25], [sflag:$0x2] =	stream.indirect.gather [hbm4b:s5+s22], $0x80, s28, s22, $0xb8;
	[tilespmem:$0x1FE00] =	vst v63  }
0x6b: {  	s3 =	sor.u32 s3, s9;
	_ =	swait.ge [sflag:s30], $0x3E80  }
0x6c: {  	s3 =	sshrl.u32 s3, $0x3;
	[sflag:s30] =	ssyncset.done $0x0  }
0x6d: {  	s13 =	sadd.s32 s6, s3;
	[sflag:s30] =	ssyncadd.s32 $0xFFFFC180  }
0x6e: {  	[tilespmem:s4], [sflag:$0x5] =	stream.linear.gather [hbm4b:s13+s4], $0x80, $0x38;
	[tilespmem:$0x1FE00] =	vst v63  }
0x6f: {  	_ =	swait.ge [sflag:s20], $0x80  }
0x70: {  	[sflag:s20] =	ssyncset.done $0x0  }
0x71: {  	s3 =	sadd.s32 s1, s3;
	[sflag:s20] =	ssyncadd.s32 $0xFFFFFF80  }
0x72: {  	[tilespmem:s21], [sflag:$0x5] =	stream.linear.gather [hbm4b:s3+s4], $0x80, $0x38;
	[tilespmem:$0x1FE00] =	vst v63  }
0x73: {  	_ =	swait.ge [sflag:s20], $0x80  }
0x74: {  	s10 =	simm.s32 $0x100;
	[sflag:s20] =	ssyncset.done $0x0  }
0x75: {  	s12 =	sand.u32 $0x3C00, s10;
	s10 =	sand.u32 $0x300, s10;
	[sflag:s20] =	ssyncadd.s32 $0xFFFFFF80  }
0x76: {  	s9 =	simm.s32 $0x300;
	s3 =	simm.s32 $0x200;
	_ =	swait.ge [sflag:s31], $0x3E80  }
.LBB2_6:
0x77: {  	s12 =	sadd.s32 s8, s12  }
0x78: {  	[sflag:s31] =	ssyncset.done $0x0;
	s13 =	smov.u32 s9;
	s11 =	sadd.s32 $0x100, s9  }
0x79: {  	p0 =	sne.s32 s9, $0x2700;
	s9 =	sor.u32 s12, s10;
	[sflag:s31] =	ssyncadd.s32 $0xFFFFC180  }
0x7a: {  	[spmem:s2] =	stream.indirect.scatter.add.f32 [tilespmem:s25], [sflag:$0x4], $0x80, s24, s22, $0xb8;
	[tilespmem:$0x1FE00] =	vst v63  }
0x7b: {  	s9 =	sor.u32 $0x80, s9  }
0x7c: {  	[tilespmem:s23], [sflag:$0x1] =	stream.indirect.gather [hbm4b:s5+s22], $0x80, s4, s22, $0xb8;
	[tilespmem:$0x1FE00] =	vst v63  }
0x7d: {  	s9 =	sshrl.u32 s9, $0x3;
	_ =	swait.ge [sflag:s26], $0x3E80  }
0x7e: {  	[sflag:s26] =	ssyncset.done $0x0  }
0x7f: {  	s10 =	sadd.s32 s6, s9;
	[sflag:s26] =	ssyncadd.s32 $0xFFFFC180  }
0x80: {  	[tilespmem:s28], [sflag:$0x5] =	stream.linear.gather [hbm4b:s10+s4], $0x80, $0x38;
	[tilespmem:$0x1FE00] =	vst v63  }
0x81: {  	_ =	swait.ge [sflag:s20], $0x80  }
0x82: {  	[sflag:s20] =	ssyncset.done $0x0  }
0x83: {  	s9 =	sadd.s32 s1, s9;
	[sflag:s20] =	ssyncadd.s32 $0xFFFFFF80  }
0x84: {  	[tilespmem:s24], [sflag:$0x5] =	stream.linear.gather [hbm4b:s9+s4], $0x80, $0x38;
	[tilespmem:$0x1FE00] =	vst v63  }
0x85: {  	_ =	swait.ge [sflag:s20], $0x80  }
0x86: {  	[sflag:s20] =	ssyncset.done $0x0  }
0x87: {  	[sflag:s20] =	ssyncadd.s32 $0xFFFFFF80  }
0x88: {  	_ =	swait.ge [sflag:s29], $0x3E80  }
0x89: {  	[sflag:s29] =	ssyncset.done $0x0  }
0x8a: {  	[sflag:s29] =	ssyncadd.s32 $0xFFFFC180  }
0x8b: {  	[spmem:s2] =	stream.indirect.scatter.add.f32 [tilespmem:s23], [sflag:$0x3], $0x80, s21, s22, $0xb8;
	[tilespmem:$0x1FE00] =	vst v63  }
0x8c: {  	s9 =	sand.u32 $0x7C00, s3  }
0x8d: {  	[tilespmem:s25], [sflag:$0x2] =	stream.indirect.gather [hbm4b:s5+s22], $0x80, s28, s22, $0xb8;
	[tilespmem:$0x1FE00] =	vst v63  }
0x8e: {  	s3 =	sand.u32 $0x300, s3;
	s9 =	sadd.s32 s8, s9;
	_ =	swait.ge [sflag:s30], $0x3E80  }
0x8f: {  	s9 =	sor.u32 s3, s9;
	s3 =	smov.u32 s13;
	[sflag:s30] =	ssyncset.done $0x0  }
0x90: {  	s9 =	sshrl.u32 s9, $0x3;
	[sflag:s30] =	ssyncadd.s32 $0xFFFFC180  }
0x91: {  	s10 =	sadd.s32 s6, s9  }
0x92: {  	[tilespmem:s4], [sflag:$0x5] =	stream.linear.gather [hbm4b:s10+s4], $0x80, $0x38;
	[tilespmem:$0x1FE00] =	vst v63  }
0x93: {  	_ =	swait.ge [sflag:s20], $0x80  }
0x94: {  	[sflag:s20] =	ssyncset.done $0x0  }
0x95: {  	s9 =	sadd.s32 s1, s9;
	[sflag:s20] =	ssyncadd.s32 $0xFFFFFF80  }
0x96: {  	[tilespmem:s21], [sflag:$0x5] =	stream.linear.gather [hbm4b:s9+s4], $0x80, $0x38;
	[tilespmem:$0x1FE00] =	vst v63  }
.Ltmp2:
0x97: {  	_ = 	snop;
	(pc) =	sbr.rel @p0 .LBB2_6-.Ltmp2, $4  }
0x98: {  	_ =	swait.ge [sflag:s20], $0x80  }
0x99: {  	s9 =	sadd.s32 $0xFFFFFF00, s3;
	[sflag:s20] =	ssyncset.done $0x0  }
0x9a: {  	s12 =	sand.u32 $0x3C00, s9;
	[sflag:s20] =	ssyncadd.s32 $0xFFFFFF80  }
0x9b: {  	s10 =	sand.u32 $0x300, s9;
	s9 =	smov.u32 s11;
	_ =	swait.ge [sflag:s31], $0x3E80  }
0x9c: {  	[sflag:s31] =	ssyncset.done $0x0  }
0x9d: {  	s9 =	sadd.s32 s8, s12;
	[sflag:s31] =	ssyncadd.s32 $0xFFFFC180  }
0x9e: {  	[spmem:s2] =	stream.indirect.scatter.add.f32 [tilespmem:s25], [sflag:$0x4], $0x80, s24, s22, $0xb8;
	[tilespmem:$0x1FE00] =	vst v63  }
0x9f: {  	s9 =	sor.u32 s9, s10  }
0xa0: {  	[tilespmem:s23], [sflag:$0x1] =	stream.indirect.gather [hbm4b:s5+s22], $0x80, s4, s22, $0xb8;
	[tilespmem:$0x1FE00] =	vst v63  }
0xa1: {  	s9 =	sor.u32 $0x80, s9;
	_ =	swait.ge [sflag:s26], $0x3E80  }
0xa2: {  	s9 =	sshrl.u32 s9, $0x3;
	[sflag:s26] =	ssyncset.done $0x0  }
0xa3: {  	s12 =	sadd.s32 s6, s9;
	[sflag:s26] =	ssyncadd.s32 $0xFFFFC180  }
0xa4: {  	[tilespmem:s28], [sflag:$0x5] =	stream.linear.gather [hbm4b:s12+s4], $0x80, $0x38;
	[tilespmem:$0x1FE00] =	vst v63  }
0xa5: {  	_ =	swait.ge [sflag:s20], $0x80  }
0xa6: {  	[sflag:s20] =	ssyncset.done $0x0  }
0xa7: {  	s9 =	sadd.s32 s1, s9;
	[sflag:s20] =	ssyncadd.s32 $0xFFFFFF80  }
0xa8: {  	[tilespmem:s24], [sflag:$0x5] =	stream.linear.gather [hbm4b:s9+s4], $0x80, $0x38;
	[tilespmem:$0x1FE00] =	vst v63  }
0xa9: {  	_ =	swait.ge [sflag:s20], $0x80  }
0xaa: {  	[sflag:s20] =	ssyncset.done $0x0  }
0xab: {  	[sflag:s20] =	ssyncadd.s32 $0xFFFFFF80  }
0xac: {  	_ =	swait.ge [sflag:s29], $0x3E80  }
0xad: {  	[sflag:s29] =	ssyncset.done $0x0  }
0xae: {  	s13 =	sand.u32 $0x7C00, s3;
	[sflag:s29] =	ssyncadd.s32 $0xFFFFC180  }
0xaf: {  	[spmem:s2] =	stream.indirect.scatter.add.f32 [tilespmem:s23], [sflag:$0x3], $0x80, s21, s22, $0xb8;
	[tilespmem:$0x1FE00] =	vst v63  }
0xb0: {  	s10 =	sand.u32 $0x300, s3;
	s9 =	sadd.s32 s8, s13  }
0xb1: {  	[tilespmem:s25], [sflag:$0x2] =	stream.indirect.gather [hbm4b:s5+s22], $0x80, s28, s22, $0xb8;
	[tilespmem:$0x1FE00] =	vst v63  }
0xb2: {  	s3 =	sor.u32 s10, s9;
	_ =	swait.ge [sflag:s30], $0x3E80  }
0xb3: {  	s3 =	sshrl.u32 s3, $0x3;
	[sflag:s30] =	ssyncset.done $0x0  }
0xb4: {  	s11 =	sadd.s32 s6, s3;
	[sflag:s30] =	ssyncadd.s32 $0xFFFFC180  }
0xb5: {  	[tilespmem:s4], [sflag:$0x5] =	stream.linear.gather [hbm4b:s11+s4], $0x80, $0x38;
	[tilespmem:$0x1FE00] =	vst v63  }
0xb6: {  	_ =	swait.ge [sflag:s20], $0x80  }
0xb7: {  	[sflag:s20] =	ssyncset.done $0x0  }
0xb8: {  	s3 =	sadd.s32 s1, s3;
	[sflag:s20] =	ssyncadd.s32 $0xFFFFFF80  }
0xb9: {  	[tilespmem:s21], [sflag:$0x5] =	stream.linear.gather [hbm4b:s3+s4], $0x80, $0x38;
	[tilespmem:$0x1FE00] =	vst v63  }
0xba: {  	_ =	swait.ge [sflag:s20], $0x80  }
0xbb: {  	[sflag:s20] =	ssyncset.done $0x0  }
0xbc: {  	[sflag:s20] =	ssyncadd.s32 $0xFFFFFF80  }
0xbd: {  	_ =	swait.ge [sflag:s31], $0x3E80  }
0xbe: {  	[sflag:s31] =	ssyncset.done $0x0  }
0xbf: {  	[sflag:s31] =	ssyncadd.s32 $0xFFFFC180  }
0xc0: {  	[spmem:s2] =	stream.indirect.scatter.add.f32 [tilespmem:s25], [sflag:$0x4], $0x80, s24, s22, $0xb8;
	[tilespmem:$0x1FE00] =	vst v63  }
0xc1: {  	_ = 	snop  }
0xc2: {  	[tilespmem:s23], [sflag:$0x1] =	stream.indirect.gather [hbm4b:s5+s22], $0x80, s4, s22, $0xb8;
	[tilespmem:$0x1FE00] =	vst v63  }
0xc3: {  	_ =	swait.ge [sflag:s26], $0x3E80  }
0xc4: {  	[sflag:s26] =	ssyncset.done $0x0  }
0xc5: {  	[sflag:s26] =	ssyncadd.s32 $0xFFFFC180  }
0xc6: {  	[tilespmem:s28], [sflag:$0x5] =	stream.linear.gather [hbm4b:s17+s4], $0x80, $0x38;
	[tilespmem:$0x1FE00] =	vst v63  }
0xc7: {  	_ =	swait.ge [sflag:s20], $0x80  }
0xc8: {  	[sflag:s20] =	ssyncset.done $0x0  }
0xc9: {  	[sflag:s20] =	ssyncadd.s32 $0xFFFFFF80  }
0xca: {  	[tilespmem:s24], [sflag:$0x5] =	stream.linear.gather [hbm4b:s18+s4], $0x80, $0x38;
	[tilespmem:$0x1FE00] =	vst v63  }
0xcb: {  	_ =	swait.ge [sflag:s20], $0x80  }
0xcc: {  	[sflag:s20] =	ssyncset.done $0x0  }
0xcd: {  	[sflag:s20] =	ssyncadd.s32 $0xFFFFFF80  }
0xce: {  	_ =	swait.ge [sflag:s29], $0x3E80  }
0xcf: {  	[sflag:s29] =	ssyncset.done $0x0  }
0xd0: {  	[sflag:s29] =	ssyncadd.s32 $0xFFFFC180  }
0xd1: {  	[spmem:s2] =	stream.indirect.scatter.add.f32 [tilespmem:s23], [sflag:$0x3], $0x80, s21, s22, $0xb8;
	[tilespmem:$0x1FE00] =	vst v63  }
0xd2: {  	_ = 	snop  }
0xd3: {  	[tilespmem:s25], [sflag:$0x2] =	stream.indirect.gather [hbm4b:s5+s22], $0x80, s28, s22, $0xb8;
	[tilespmem:$0x1FE00] =	vst v63  }
0xd4: {  	_ =	swait.ge [sflag:s30], $0x3E80  }
0xd5: {  	[sflag:s30] =	ssyncset.done $0x0  }
0xd6: {  	[sflag:s30] =	ssyncadd.s32 $0xFFFFC180  }
0xd7: {  	_ =	swait.ge [sflag:s31], $0x3E80  }
0xd8: {  	[sflag:s31] =	ssyncset.done $0x0  }
0xd9: {  	[sflag:s31] =	ssyncadd.s32 $0xFFFFC180  }
0xda: {  	[spmem:s2] =	stream.indirect.scatter.add.f32 [tilespmem:s25], [sflag:$0x4], $0x80, s24, s22, $0xb8;
	[tilespmem:$0x1FE00] =	vst v63  }
0xdb: {  	s0 =	sadd.s32 $0x1, s0;
	_ =	swait.ge [sflag:s26], $0x3E80  }
0xdc: {  	p0 =	sne.s32 s0, s16;
	s12 =	stileid.u32;
	[sflag:s26] =	ssyncset.done $0x0  }
0xdd: {  	s13 =	sshrl.u32 s7, $0x3;
	s3 =	sshll.u32 s12, $0x6;
	[sflag:s26] =	ssyncadd.s32 $0xFFFFC180  }
.Ltmp3:
0xde: {  	s3 =	sor.u32 $0x1C05, s3;
	[bflag:$0x0] =	sbarrier.arrive $0xFFFF;
	(pc) =	sbr.rel @p0 .LBB2_1-.Ltmp3, $4  }
0xdf: {  	[hbm:s15], [sflag:s3] =	dma.local [spmem:s13], $0x2780  }
0xe0: {  	_ =	swait.ge [sflag:s20], $0x2780  }
0xe1: {  	[sflag:s20] =	ssyncset.done $0x0  }
0xe2: {  	[sflag:s20] =	ssyncadd.s32 $0xFFFFD880  }
0xe3: {  	_ =	sfence.sel $0x180000  }
0xe4: {  	[bflag:$0x0] =	sbarrier.arrive $0xFFFF  }
0xe5: {  	_ =	strace $0x9000004A  }
0xe6: {  	s0 =	stileid.u32;
	[bflag:$0x2] =	sbarrier.arrive $0xFFFF  }
0xe7: {  	p0 =	sne.s32 s0, $0x0;
	s0 =	rddreg [dreg:$0x3]  }
0xe8: {  	s0 =	sadd.s32 @!p0 $0x100000, s0  }
0xe9: {  	[sflag:s0] =	ssyncadd.tile.s32 @!p0 $0x1;
	_ =	shalt  }
.Lfunc_end2:
_tile_overlayer_lowered:
.L_overlay_start_2:
0xea: {  	(tag) =	ssettag $0x2  }
0xeb: {  	s0 =	rddreg [dreg:$0x0];
	s2 =	stileid.u32  }
0xec: {  	s1 =	rddreg [dreg:$0x1];
	p0 =	sne.s32 s2, $0x0  }
0xed: {  	s3 =	rddreg [dreg:$0x2];
	[bflag:$0x3] =	sbarrier.arrive $0xFFFF;
	s2 =	simm.s32 @!p0 $0x1C05  }
0xee: {  	[timem:s3], [sflag:s2] =	dma.local @!p0 [hbm:s0], s1  }
0xef: {  	s0 =	simm.s32 @!p0 $0x5  }
0xf0: {  	_ =	swait.ge @!p0 [sflag:s0], s1  }
0xf1: {  	s1 =	ssub.s32 @!p0 $0x0, s1;
	[sflag:s0] =	ssyncset.done @!p0 $0x0  }
0xf2: {  	[sflag:s0] =	ssyncadd.s32 @!p0 s1  }
0xf3: {  	[bflag:$0x3] =	sbarrier.arrive $0xFFFF  }
0xf4: {  	_ =	shalt  }

// kernel: kernel.15.cloned.1.call-start
scs
__scs_entry_jumppad:
0x0: {  	(pc) =	sbr.rel $0x88, $3  }
0x1: {  	(tag) =	ssettag $0x0;
	lr =	simm.s32 $0x1  }
0x2: {  	[smem:$0x3F9B] =	sst lr;
	_ =	strace $0xD0000000  }
0x3: {  	_ = 	snop  }
0x4: {  	_ = 	snop  }
0x5: {  	_ = 	snop  }
0x6: {  	_ = 	snop  }
0x7: {  	_ = 	snop  }
__scs_overlays_trampoline_lowered:
0x8: {  	[smem:$0x3FAA] =	sst s0  }
0x9: {  	[smem:$0x3FAB] =	sst s1  }
0xa: {  	[smem:$0x3FAC] =	sst s2  }
0xb: {  	[smem:$0x3FAD] =	sst s3  }
0xc: {  	[smem:$0x3FAE] =	sst s4  }
0xd: {  	[smem:$0x3FAF] =	sst s5  }
0xe: {  	[smem:$0x3FB0] =	sst s6  }
0xf: {  	[smem:$0x3FB1] =	sst s7  }
0x10: {  	[smem:$0x3FB2] =	sst s8  }
0x11: {  	[smem:$0x3FB3] =	sst s9;
	s0 =	simm.s32 @!p0 $0x0  }
0x12: {  	s1 =	sld [smem:$0x3F99];
	s0 =	simm.s32 @p0 $0x1  }
0x13: {  	[smem:$0x3FB4] =	sst s0;
	s0 =	simm.s32 @!p1 $0x0  }
0x14: {  	s2 =	sld [smem:$0x3F98];
	s0 =	simm.s32 @p1 $0x1  }
0x15: {  	[smem:$0x3FB5] =	sst s0;
	s0 =	simm.s32 @!p2 $0x0  }
0x16: {  	s3 =	sld [smem:$0x3FDB];
	s0 =	simm.s32 @p2 $0x1  }
0x17: {  	s4 =	simm.s32 $0x1BF5;
	[smem:$0x3FB7] =	sst s0  }
0x18: {  	s0 =	sld [smem:$0x3F9A];
	_ =	swait.ge [sflag:s4], $0x0  }
0x19: {  	s7 =	sld [smem:$0x3F9B]  }
0x1a: {  	s8 =	sadd.s32 $0xFFFFE003, lr  }
0x1b: {  	s9 =	sadd.s32 $0xFFFFFEF7, lr;
	s5 =	simm.s32 $0xFFFFFFFF;
	p2 =	slt.u32 s8, $0xFFFFF086  }
0x1c: {  	p1 =	slt.u32 s9, $0xF7A;
	s5 =	simm.s32 @!p2 $0x0  }
0x1d: {  	s5 =	simm.s32 @p1 $0x1;
	p0 =	seq.s32 s7, s2  }
0x1e: {  	s7 =	smul.u32 @!p0 $0xF7A, s2;
	p2 =	seq.s32 @!p0 s5, $0x0  }
0x1f: {  	s9 =	smul.u32 $0xF7A, s1;
	s8 =	simm.s32 @!p0 $0x1BF5;
	p2 =	por !p2, p0  }
0x20: {  	[sflag:s8] =	ssyncset.s32 @!p0 $0xFFFFF086;
	s6 =	sadd.s32 @!p0 s3, s7;
	s7 =	simm.s32 @!p0 $0x108  }
0x21: {  	s3 =	sadd.s32 s3, s9;
	s6 =	sadd.s32 @!p0 $0x88, s6;
	s7 =	simm.s32 @p2 $0x1082  }
0x22: {  	[simem:s7], [sflag:s8] =	dma.local @!p0 [hbm:s6], $0xF7A  }
0x23: {  	s9 =	sor.u32 $0xD0000000, s2;
	s6 =	simm.s32 $0x108;
	_ =	swait.ge @!p0 [sflag:s8], $0x0  }
0x24: {  	s3 =	sadd.s32 $0x88, s3;
	s6 =	simm.s32 @!p1 $0x1082;
	[sflag:s4] =	ssyncset.s32 $0xFFFFF086  }
0x25: {  	[simem:s6], [sflag:s4] =	dma.local [hbm:s3], $0xF7A  }
0x26: {  	[smem:$0x3F9B] =	sst s1;
	(tag) =	ssettag s2;
	_ =	strace s9  }
0x27: {  	s1 =	sld [smem:$0x3FAB]  }
0x28: {  	s2 =	sld [smem:$0x3FAC]  }
0x29: {  	s4 =	sld [smem:$0x3FAE]  }
0x2a: {  	p0 =	seq.s32 s5, $0x0;
	s5 =	sld [smem:$0x3FAF]  }
0x2b: {  	s6 =	sld [smem:$0x3FB0]  }
0x2c: {  	s7 =	sld [smem:$0x3FB1]  }
0x2d: {  	s3 =	simm.s32 $0x108;
	s8 =	sld [smem:$0x3FB2]  }
0x2e: {  	s3 =	simm.s32 @!p0 $0x1082;
	s9 =	sld [smem:$0x3FB3]  }
0x2f: {  	lr =	sadd.s32 s0, s3;
	s0 =	sld [smem:$0x3FAA]  }
0x30: {  	s3 =	sld [smem:$0x3FAD]  }
0x31: {  	[smem:$0x3FB6] =	sst s10  }
0x32: {  	s10 =	sld [smem:$0x3FB4];
	_ =	sdelay $0x3  }
0x33: {  	p0 =	seq.s32 s10, $0x1;
	s10 =	sld [smem:$0x3FB6];
	_ =	sdelay $0x3  }
0x34: {  	[smem:$0x3FB6] =	sst s10  }
0x35: {  	s10 =	sld [smem:$0x3FB5];
	_ =	sdelay $0x3  }
0x36: {  	p1 =	seq.s32 s10, $0x1;
	s10 =	sld [smem:$0x3FB6];
	_ =	sdelay $0x3  }
0x37: {  	[smem:$0x3FB6] =	sst s10  }
0x38: {  	s10 =	sld [smem:$0x3FB7]  }
0x39: {  	_ = 	snop;
	(pc) =	sbr.ind lr, $3  }
0x3a: {  	_ = 	snop  }
0x3b: {  	_ = 	snop  }
0x3c: {  	p2 =	seq.s32 s10, $0x1;
	s10 =	sld [smem:$0x3FB6]  }
0x3d: {  	_ =	shalt  }
0x3e: {  	_ =	shalt  }
0x3f: {  	_ =	shalt  }
0x40: {  	_ =	shalt  }
0x41: {  	_ =	shalt  }
0x42: {  	_ =	shalt  }
0x43: {  	_ =	shalt  }
0x44: {  	_ =	shalt  }
0x45: {  	_ =	shalt  }
0x46: {  	_ =	shalt  }
0x47: {  	_ =	shalt  }
0x48: {  	_ =	shalt  }
0x49: {  	_ =	shalt  }
0x4a: {  	_ =	shalt  }
0x4b: {  	_ =	shalt  }
0x4c: {  	_ =	shalt  }
0x4d: {  	_ =	shalt  }
0x4e: {  	_ =	shalt  }
0x4f: {  	_ =	shalt  }
0x50: {  	_ =	shalt  }
0x51: {  	_ =	shalt  }
0x52: {  	_ =	shalt  }
0x53: {  	_ =	shalt  }
0x54: {  	_ =	shalt  }
0x55: {  	_ =	shalt  }
0x56: {  	_ =	shalt  }
0x57: {  	_ =	shalt  }
0x58: {  	_ =	shalt  }
0x59: {  	_ =	shalt  }
0x5a: {  	_ =	shalt  }
0x5b: {  	_ =	shalt  }
0x5c: {  	_ =	shalt  }
0x5d: {  	_ =	shalt  }
0x5e: {  	_ =	shalt  }
0x5f: {  	_ =	shalt  }
0x60: {  	_ =	shalt  }
0x61: {  	_ =	shalt  }
0x62: {  	_ =	shalt  }
0x63: {  	_ =	shalt  }
0x64: {  	_ =	shalt  }
0x65: {  	_ =	shalt  }
0x66: {  	_ =	shalt  }
0x67: {  	_ =	shalt  }
0x68: {  	_ =	shalt  }
0x69: {  	_ =	shalt  }
0x6a: {  	_ =	shalt  }
0x6b: {  	_ =	shalt  }
0x6c: {  	_ =	shalt  }
0x6d: {  	_ =	shalt  }
0x6e: {  	_ =	shalt  }
0x6f: {  	_ =	shalt  }
0x70: {  	_ =	shalt  }
0x71: {  	_ =	shalt  }
0x72: {  	_ =	shalt  }
0x73: {  	_ =	shalt  }
0x74: {  	_ =	shalt  }
0x75: {  	_ =	shalt  }
0x76: {  	_ =	shalt  }
0x77: {  	_ =	shalt  }
0x78: {  	_ =	shalt  }
0x79: {  	_ =	shalt  }
0x7a: {  	_ =	shalt  }
0x7b: {  	_ =	shalt  }
0x7c: {  	_ =	shalt  }
0x7d: {  	_ =	shalt  }
0x7e: {  	_ =	shalt  }
0x7f: {  	_ =	shalt  }
0x80: {  	_ =	shalt  }
0x81: {  	_ =	shalt  }
0x82: {  	_ =	shalt  }
0x83: {  	_ =	shalt  }
0x84: {  	_ =	shalt  }
0x85: {  	_ =	shalt  }
0x86: {  	_ =	shalt  }
0x87: {  	_ =	shalt  }
.Lfunc_end0:
.L_simem_size_0:
called_computation.2_lowered:
.L_overlay_start_0:
0x88: {  	s2 =	sld [smem:$0x3FD9]  }
0x89: {  	s3 =	sld [smem:$0x3FFE];
	_ =	sdelay $0x1  }
0x8a: {  	s1 =	srdreg.scid  }
0x8b: {  	s0 =	sand.u32 $0x1, s1  }
0x8c: {  	s17 =	sshll.u32 s0, $0xA;
	s2 =	sadd.s32 s3, s2  }
0x8d: {  	s2 =	sadd.s32 s2, s17  }
0x8e: {  	[smem:$0x3FC2] =	sst s2  }
0x8f: {  	_ = 	snop  }
0x90: {  	s2 =	sld [smem:$0x3FD0];
	(tm) =	ssettm $0x1  }
0x91: {  	s18 =	sld [smem:$0x3FFB];
	_ =	sdelay $0x3  }
0x92: {  	_ =	strace s18  }
0x93: {  	s3 =	sld [smem:$0x3FFC];
	_ =	sdelay $0x3  }
0x94: {  	_ =	strace s3  }
0x95: {  	s3 =	sld [smem:$0x3FFD];
	_ =	sdelay $0x3  }
0x96: {  	_ =	strace s3  }
0x97: {  	_ =	strace $0x8FFFFFFF  }
0x98: {  	s19 =	sld [smem:$0x3FDB];
	_ =	sdelay $0x1  }
0x99: {  	s4 =	simm.s32 $_scs_section_size  }
0x9a: {  	s5 =	simm.s32 $_size__tile_overlayer_lowered;
	s6 =	simm.s32 $_tile_overlayer_lowered  }
0x9b: {  	s22 =	simm.s32 $0x1BFF;
	s21 =	sshll.u32 s6, $0x1;
	s3 =	sadd.s32 s4, s19  }
0x9c: {  	s7 =	simm.s32 $0x0;
	s20 =	sshll.u32 s5, $0x1;
	s5 =	sadd.s32 s21, s3  }
0x9d: {  	[timem:s7], [sflag:s22] =	dma.local [hbm:s5], s20  }
0x9e: {  	_ =	swait.ge [sflag:s22], s20  }
0x9f: {  	s4 =	ssub.s32 $0x0, s20;
	[sflag:s22] =	ssyncset.done $0x0  }
0xa0: {  	[sflag:s22] =	ssyncadd.s32 s4;
	_ =	sdelay $0x1  }
0xa1: {  	s23 =	simm.s32 $0x1B8B  }
0xa2: {  	_ =	swait.ge [sflag:s23], $0x1  }
0xa3: {  	[sflag:s23] =	ssyncset.done $0x0  }
0xa4: {  	s25 =	simm.s32 $0x1B8E;
	s24 =	sld [smem:$0x3FFE];
	[sflag:s23] =	ssyncadd.s32 $0xFFFFFFFF  }
0xa5: {  	s26 =	simm.s32 $execute0_lowered;
	[smem:$0x3FD2] =	sst s25  }
0xa6: {  	s5 =	sshll.u32 s26, $0x1;
	_ =	strace $0x8000004C;
	[dreg:$0x1] =	wrdreg $0xFFFFFFFF  }
0xa7: {  	s28 =	simm.s32 $_size_execute0_lowered;
	s3 =	sadd.s32 s3, s5;
	[dreg:$0x0] =	wrdreg $0x0  }
0xa8: {  	s5 =	sshll.u32 s28, $0x1;
	[dreg:$0x2] =	wrdreg s3  }
0xa9: {  	[dreg:$0x3] =	wrdreg s5  }
0xaa: {  	[dreg:$0x4] =	wrdreg $0xC0  }
0xab: {  	_ =	task [dreg:s7], $0x5FFFF  }
0xac: {  	[dreg:$0x1] =	wrdreg $0xFFFFFFFF  }
0xad: {  	[dreg:$0x0] =	wrdreg $0x60  }
0xae: {  	[dreg:$0x2] =	wrdreg s24  }
0xaf: {  	[dreg:$0x3] =	wrdreg s2  }
0xb0: {  	[dreg:$0x4] =	wrdreg $0xC2000  }
0xb1: {  	[dreg:$0x5] =	wrdreg $0x9  }
0xb2: {  	_ =	task.clear_ibuf [dreg:s7], $0x6FFFF;
	_ =	strace $0x9000004C  }
0xb3: {  	s29 =	simm.s32 $0x9;
	_ =	strace $0x8000004E  }
0xb4: {  	_ =	swait.ge [sflag:s29], $0x1  }
0xb5: {  	[sflag:s29] =	ssyncadd.s32 $0xFFFFFFFF  }
0xb6: {  	_ =	strace $0x9000004E  }
0xb7: {  	_ =	sfence  }
0xb8: {  	s30 =	sld [smem:$0x0];
	_ =	sdelay $0x2  }
0xb9: {  	s31 =	sshll.u32 s1, $0xD;
	s1 =	sshrl.u32 s1, $0x2  }
0xba: {  	s3 =	sand.u32 $0x4000, s31;
	s1 =	sadd.s32 s1, s30  }
0xbb: {  	s0 =	sor.u32 s3, s0;
	s1 =	sshll.u32 s1, $0x11  }
0xbc: {  	s0 =	sor.u32 s1, s0  }
0xbd: {  	s0 =	sadd.s32 $0x8F2B, s0  }
0xbe: {  	[sflag:s0] =	ssyncadd.remote.s32 $0x1  }
0xbf: {  	_ =	sfence.sel $0xFFFF  }
0xc0: {  	[dreg:$0x0] =	wrdreg $0xFFFFFFFF;
	(pc) =	sbr.abs _section_cstart, $3  }
0xc1: {  	[dreg:$0x1] =	wrdreg $0xFFFFFFFF  }
0xc2: {  	_ =	task.clear_ibuf [dreg:s7], $0x2FFFF;
	_ =	strace $0x9FFFFFFF  }
0xc3: {  	(tm) =	ssettm $0x7FFFFFFF  }
tec
execute0_lowered:
.L_overlay_start_1:
0x0: {  	(tag) =	ssettag $0x1  }
0x1: {  	s0 =	rddreg [dreg:$0x0]  }
0x2: {  	s1 =	rddreg [dreg:$0x1]  }
0x3: {  	s2 =	rddreg [dreg:$0x2];
	s3 =	srdreg.scid  }
0x4: {  	s4 =	simm.s32 $0x0;
	s10 =	stileid.u32;
	s28 =	simm.s32 $0x100  }
0x5: {  	s29 =	simm.s32 $0x1;
	s30 =	simm.s32 $0x3;
	s7 =	smul.u32 $0x13C00, s10  }
0x6: {  	s31 =	simm.s32 $0x2;
	s3 =	sand.u32 $0x1, s3;
	s8 =	smul.u32 $0x4F000, s10  }
0x7: {  	[smem:$0x7FF] =	sst s4;
	s5 =	sadd.s32 $0x1E00, s0;
	s6 =	smul.u32 $0x13C000, s3  }
0x8: {  	_ =	strace $0x8000004D;
	s18 =	sshll.u32 s3, $0x4;
	s3 =	ssub.s32 $0x2, s3  }
0x9: {  	s10 =	sor.u32 s10, s18;
	s19 =	sshrl.u32 s8, $0x2;
	s7 =	sadd.s32 s7, s6  }
0xa: {  	s11 =	sshrl.u32 s3, $0x1;
	s9 =	sshrl.u32 s7, $0x3;
	s7 =	sadd.s32 s19, s2  }
0xb: {  	s6 =	sadd.s32 $0x50E00, s0;
	s8 =	smul.u32 $0x2800, s10;
	s20 =	sadd.s32 $0x4000, s7  }
0xc: {  	s3 =	ssub.s32 s3, s11;
	s21 =	sadd.s32 $0x8000, s7;
	[dreg:$0x4] =	wrdreg s20  }
0xd: {  	s16 =	smax.u32 s3, $0x1;
	s22 =	sadd.s32 $0xC000, s7;
	[dreg:$0x5] =	wrdreg s21  }
0xe: {  	s19 =	simm.s32 $0x8200;
	s24 =	sadd.s32 $0x10000, s7;
	[dreg:$0x6] =	wrdreg s22  }
0xf: {  	s0 =	sadd.s32 s9, s0;
	s23 =	sshrl.u32 s8, $0x3;
	[dreg:$0x7] =	wrdreg s24  }
0x10: {  	s25 =	sadd.s32 s6, s23;
	s14 =	sadd.s32 s1, s23;
	s15 =	sadd.s32 $0x5AE00, s0  }
0x11: {  	s26 =	sadd.s32 $0x4F0, s23;
	s20 =	simm.s32 $0x5;
	s21 =	simm.s32 $0x80  }
0x12: {  	s22 =	simm.s32 $0x7D;
	s23 =	simm.s32 $0x200;
	s24 =	simm.s32 $0x180  }
0x13: {  	s0 =	simm.s32 $0x0;
	[dreg:$0x8] =	wrdreg s25;
	s17 =	sadd.s32 s6, s26  }
0x14: {  	v0 =	vimm.f32 $0.0e+00;
	s18 =	sadd.s32 s1, s26;
	s25 =	simm.s32 $0x4200;
	s26 =	simm.s32 $0x4  }
.LBB2_1:
0x15: {  	s3 =	simm.s32 $0x0;
	s9 =	simm.s32 $0x200  }
.LBB2_2:
0x16: {  	p0 =	sne.s32 s9, $0xFE00;
	[tilespmem:s3+$0x8270] =	vst v0  }
0x17: {  	[tilespmem:s3+$0x8200] =	vst v0  }
0x18: {  	[tilespmem:s3+$0x8210] =	vst v0  }
.Ltmp0:
0x19: {  	[tilespmem:s3+$0x8220] =	vst v0;
	(pc) =	sbr.rel @p0 .LBB2_2-.Ltmp0, $4  }
0x1a: {  	[tilespmem:s3+$0x8230] =	vst v0  }
0x1b: {  	[tilespmem:s3+$0x8240] =	vst v0  }
0x1c: {  	[tilespmem:s3+$0x8250] =	vst v0  }
0x1d: {  	[tilespmem:s3+$0x8260] =	vst v0;
	s3 =	sshra.s32 s9, $0x2;
	s9 =	sadd.s32 $0x200, s9  }
0x1e: {  	[tilespmem:s3+$0x8270] =	vst v0  }
0x1f: {  	[tilespmem:s3+$0x8200] =	vst v0  }
0x20: {  	[tilespmem:s3+$0x8210] =	vst v0  }
0x21: {  	[tilespmem:s3+$0x8220] =	vst v0  }
0x22: {  	[tilespmem:s3+$0x8230] =	vst v0  }
0x23: {  	[tilespmem:s3+$0x8240] =	vst v0  }
0x24: {  	[tilespmem:s3+$0x8250] =	vst v0  }
0x25: {  	[tilespmem:s3+$0x8260] =	vst v0  }
0x26: {  	[spmem:s7] =	stream.linear.scatter [tilespmem:s19], [sflag:$0x5], $0x4000, $0x38;
	[tilespmem:$0x1FE00] =	vst v63  }
0x27: {  	_ =	swait.ge [sflag:s20], $0x4000  }
0x28: {  	[sflag:s20] =	ssyncset.done $0x0  }
0x29: {  	s9 =	rddreg [dreg:$0x4];
	[sflag:s20] =	ssyncadd.s32 $0xFFFFC000  }
0x2a: {  	[spmem:s9] =	stream.linear.scatter [tilespmem:s19], [sflag:$0x5], $0x4000, $0x38;
	[tilespmem:$0x1FE00] =	vst v63  }
0x2b: {  	_ =	swait.ge [sflag:s20], $0x4000  }
0x2c: {  	[sflag:s20] =	ssyncset.done $0x0  }
0x2d: {  	s10 =	rddreg [dreg:$0x5];
	[sflag:s20] =	ssyncadd.s32 $0xFFFFC000  }
0x2e: {  	[spmem:s10] =	stream.linear.scatter [tilespmem:s19], [sflag:$0x5], $0x4000, $0x38;
	[tilespmem:$0x1FE00] =	vst v63  }
0x2f: {  	_ =	swait.ge [sflag:s20], $0x4000  }
0x30: {  	[sflag:s20] =	ssyncset.done $0x0  }
0x31: {  	s11 =	rddreg [dreg:$0x6];
	[sflag:s20] =	ssyncadd.s32 $0xFFFFC000  }
0x32: {  	[spmem:s11] =	stream.linear.scatter [tilespmem:s19], [sflag:$0x5], $0x4000, $0x38;
	[tilespmem:$0x1FE00] =	vst v63  }
0x33: {  	_ =	swait.ge [sflag:s20], $0x4000  }
0x34: {  	[sflag:s20] =	ssyncset.done $0x0  }
0x35: {  	s12 =	rddreg [dreg:$0x7];
	[sflag:s20] =	ssyncadd.s32 $0xFFFFC000  }
0x36: {  	[spmem:s12] =	stream.linear.scatter [tilespmem:s19], [sflag:$0x5], $0x3C00, $0x38;
	[tilespmem:$0x1FE00] =	vst v63  }
0x37: {  	_ =	swait.ge [sflag:s20], $0x3C00  }
0x38: {  	[sflag:s20] =	ssyncset.done $0x0  }
0x39: {  	[sflag:s20] =	ssyncadd.s32 $0xFFFFC400  }
0x3a: {  	[bflag:$0x0] =	sbarrier.arrive $0xFFFF  }
0x3b: {  	s13 =	simm.s32 $0x0;
	s9 =	rddreg [dreg:$0x8]  }
0x3c: {  	[tilespmem:s13], [sflag:$0x5] =	stream.linear.gather [hbm4b:s9+s13], $0x80, $0x38;
	[tilespmem:$0x1FE00] =	vst v63  }
0x3d: {  	_ =	swait.ge [sflag:s20], $0x80  }
0x3e: {  	[sflag:s20] =	ssyncset.done $0x0  }
0x3f: {  	[sflag:s20] =	ssyncadd.s32 $0xFFFFFF80  }
0x40: {  	[tilespmem:s21], [sflag:$0x5] =	stream.linear.gather [hbm4b:s14+s13], $0x80, $0x38;
	[tilespmem:$0x1FE00] =	vst v63  }
0x41: {  	_ =	swait.ge [sflag:s20], $0x80  }
0x42: {  	[sflag:s20] =	ssyncset.done $0x0  }
0x43: {  	s3 =	simm.s32 $0x0;
	s9 =	simm.s32 $0x200;
	[sflag:s20] =	ssyncadd.s32 $0xFFFFFF80  }
0x44: {  	[tilespmem:s23], [sflag:$0x1] =	stream.indirect.gather [hbm4b:s5+s22], $0x80, s13, s22, $0xb8;
	[tilespmem:$0x1FE00] =	vst v63  }
.LBB2_4:
0x45: {  	p0 =	sne.s32 s9, $0xF800;
	[tilespmem:s3+$0x4270] =	vst v0  }
0x46: {  	[tilespmem:s3+$0x4200] =	vst v0  }
0x47: {  	[tilespmem:s3+$0x4210] =	vst v0  }
.Ltmp1:
0x48: {  	[tilespmem:s3+$0x4220] =	vst v0;
	(pc) =	sbr.rel @p0 .LBB2_4-.Ltmp1, $4  }
0x49: {  	[tilespmem:s3+$0x4230] =	vst v0  }
0x4a: {  	[tilespmem:s3+$0x4240] =	vst v0  }
0x4b: {  	[tilespmem:s3+$0x4250] =	vst v0  }
0x4c: {  	[tilespmem:s3+$0x4260] =	vst v0;
	s3 =	sshra.s32 s9, $0x2;
	s9 =	sadd.s32 $0x200, s9  }
0x4d: {  	[tilespmem:s3+$0x4270] =	vst v0  }
0x4e: {  	[tilespmem:s3+$0x4200] =	vst v0  }
0x4f: {  	[tilespmem:s3+$0x4210] =	vst v0  }
0x50: {  	[tilespmem:s3+$0x4220] =	vst v0  }
0x51: {  	[tilespmem:s3+$0x4230] =	vst v0  }
0x52: {  	[tilespmem:s3+$0x4240] =	vst v0  }
0x53: {  	[tilespmem:s3+$0x4250] =	vst v0  }
0x54: {  	[tilespmem:s3+$0x4260] =	vst v0;
	s13 =	simm.s32 $0x0  }
0x55: {  	[tilespmem:s24], [sflag:$0x5] =	stream.linear.gather [hbm4b:s14+s4], $0x80, $0x38;
	[tilespmem:$0x1FE00] =	vst v63  }
0x56: {  	s9 =	sand.u32 $0x3C00, s13;
	_ =	swait.ge [sflag:s20], $0x80  }
0x57: {  	s3 =	sand.u32 $0x300, s13;
	s9 =	sadd.s32 s8, s9;
	[sflag:s20] =	ssyncset.done $0x0  }
0x58: {  	s3 =	sor.u32 s9, s3;
	[sflag:s20] =	ssyncadd.s32 $0xFFFFFF80  }
0x59: {  	[spmem:s2] =	stream.indirect.scatter.add.f32 [tilespmem:s25], [sflag:$0x4], $0x80, s24, s22, $0xb8;
	[tilespmem:$0x1FE00] =	vst v63  }
0x5a: {  	s3 =	sor.u32 $0x80, s3;
	_ =	swait.ge [sflag:s26], $0x3E80  }
0x5b: {  	s3 =	sshrl.u32 s3, $0x3;
	[sflag:s26] =	ssyncset.done $0x0  }
0x5c: {  	s10 =	sadd.s32 s6, s3;
	[sflag:s26] =	ssyncadd.s32 $0xFFFFC180  }
0x5d: {  	[tilespmem:s28], [sflag:$0x5] =	stream.linear.gather [hbm4b:s10+s4], $0x80, $0x38;
	[tilespmem:$0x1FE00] =	vst v63  }
0x5e: {  	_ =	swait.ge [sflag:s20], $0x80  }
0x5f: {  	[sflag:s20] =	ssyncset.done $0x0  }
0x60: {  	s3 =	sadd.s32 s1, s3;
	[sflag:s20] =	ssyncadd.s32 $0xFFFFFF80  }
0x61: {  	[tilespmem:s24], [sflag:$0x5] =	stream.linear.gather [hbm4b:s3+s4], $0x80, $0x38;
	[tilespmem:$0x1FE00] =	vst v63  }
0x62: {  	_ =	swait.ge [sflag:s20], $0x80  }
0x63: {  	[sflag:s20] =	ssyncset.done $0x0  }
0x64: {  	[sflag:s20] =	ssyncadd.s32 $0xFFFFFF80  }
0x65: {  	_ =	swait.ge [sflag:s29], $0x3E80  }
0x66: {  	s11 =	simm.s32 $0x100;
	[sflag:s29] =	ssyncset.done $0x0  }
0x67: {  	s12 =	sand.u32 $0x7C00, s11;
	[sflag:s29] =	ssyncadd.s32 $0xFFFFC180  }
0x68: {  	[spmem:s2] =	stream.indirect.scatter.add.f32 [tilespmem:s23], [sflag:$0x3], $0x80, s21, s22, $0xb8;
	[tilespmem:$0x1FE00] =	vst v63  }
0x69: {  	s9 =	sadd.s32 s8, s12;
	s3 =	sand.u32 $0x300, s11  }
0x6a: {  	[tilespmem:s25], [sflag:$0x2] =	stream.indirect.gather [hbm4b:s5+s22], $0x80, s28, s22, $0xb8;
	[tilespmem:$0x1FE00] =	vst v63  }
0x6b: {  	s3 =	sor.u32 s3, s9;
	_ =	swait.ge [sflag:s30], $0x3E80  }
0x6c: {  	s3 =	sshrl.u32 s3, $0x3;
	[sflag:s30] =	ssyncset.done $0x0  }
0x6d: {  	s13 =	sadd.s32 s6, s3;
	[sflag:s30] =	ssyncadd.s32 $0xFFFFC180  }
0x6e: {  	[tilespmem:s4], [sflag:$0x5] =	stream.linear.gather [hbm4b:s13+s4], $0x80, $0x38;
	[tilespmem:$0x1FE00] =	vst v63  }
0x6f: {  	_ =	swait.ge [sflag:s20], $0x80  }
0x70: {  	[sflag:s20] =	ssyncset.done $0x0  }
0x71: {  	s3 =	sadd.s32 s1, s3;
	[sflag:s20] =	ssyncadd.s32 $0xFFFFFF80  }
0x72: {  	[tilespmem:s21], [sflag:$0x5] =	stream.linear.gather [hbm4b:s3+s4], $0x80, $0x38;
	[tilespmem:$0x1FE00] =	vst v63  }
0x73: {  	_ =	swait.ge [sflag:s20], $0x80  }
0x74: {  	s10 =	simm.s32 $0x100;
	[sflag:s20] =	ssyncset.done $0x0  }
0x75: {  	s12 =	sand.u32 $0x3C00, s10;
	s10 =	sand.u32 $0x300, s10;
	[sflag:s20] =	ssyncadd.s32 $0xFFFFFF80  }
0x76: {  	s9 =	simm.s32 $0x300;
	s3 =	simm.s32 $0x200;
	_ =	swait.ge [sflag:s31], $0x3E80  }
.LBB2_6:
0x77: {  	s12 =	sadd.s32 s8, s12  }
0x78: {  	[sflag:s31] =	ssyncset.done $0x0;
	s13 =	smov.u32 s9;
	s11 =	sadd.s32 $0x100, s9  }
0x79: {  	p0 =	sne.s32 s9, $0x2700;
	s9 =	sor.u32 s12, s10;
	[sflag:s31] =	ssyncadd.s32 $0xFFFFC180  }
0x7a: {  	[spmem:s2] =	stream.indirect.scatter.add.f32 [tilespmem:s25], [sflag:$0x4], $0x80, s24, s22, $0xb8;
	[tilespmem:$0x1FE00] =	vst v63  }
0x7b: {  	s9 =	sor.u32 $0x80, s9  }
0x7c: {  	[tilespmem:s23], [sflag:$0x1] =	stream.indirect.gather [hbm4b:s5+s22], $0x80, s4, s22, $0xb8;
	[tilespmem:$0x1FE00] =	vst v63  }
0x7d: {  	s9 =	sshrl.u32 s9, $0x3;
	_ =	swait.ge [sflag:s26], $0x3E80  }
0x7e: {  	[sflag:s26] =	ssyncset.done $0x0  }
0x7f: {  	s10 =	sadd.s32 s6, s9;
	[sflag:s26] =	ssyncadd.s32 $0xFFFFC180  }
0x80: {  	[tilespmem:s28], [sflag:$0x5] =	stream.linear.gather [hbm4b:s10+s4], $0x80, $0x38;
	[tilespmem:$0x1FE00] =	vst v63  }
0x81: {  	_ =	swait.ge [sflag:s20], $0x80  }
0x82: {  	[sflag:s20] =	ssyncset.done $0x0  }
0x83: {  	s9 =	sadd.s32 s1, s9;
	[sflag:s20] =	ssyncadd.s32 $0xFFFFFF80  }
0x84: {  	[tilespmem:s24], [sflag:$0x5] =	stream.linear.gather [hbm4b:s9+s4], $0x80, $0x38;
	[tilespmem:$0x1FE00] =	vst v63  }
0x85: {  	_ =	swait.ge [sflag:s20], $0x80  }
0x86: {  	[sflag:s20] =	ssyncset.done $0x0  }
0x87: {  	[sflag:s20] =	ssyncadd.s32 $0xFFFFFF80  }
0x88: {  	_ =	swait.ge [sflag:s29], $0x3E80  }
0x89: {  	[sflag:s29] =	ssyncset.done $0x0  }
0x8a: {  	[sflag:s29] =	ssyncadd.s32 $0xFFFFC180  }
0x8b: {  	[spmem:s2] =	stream.indirect.scatter.add.f32 [tilespmem:s23], [sflag:$0x3], $0x80, s21, s22, $0xb8;
	[tilespmem:$0x1FE00] =	vst v63  }
0x8c: {  	s9 =	sand.u32 $0x7C00, s3  }
0x8d: {  	[tilespmem:s25], [sflag:$0x2] =	stream.indirect.gather [hbm4b:s5+s22], $0x80, s28, s22, $0xb8;
	[tilespmem:$0x1FE00] =	vst v63  }
0x8e: {  	s3 =	sand.u32 $0x300, s3;
	s9 =	sadd.s32 s8, s9;
	_ =	swait.ge [sflag:s30], $0x3E80  }
0x8f: {  	s9 =	sor.u32 s3, s9;
	s3 =	smov.u32 s13;
	[sflag:s30] =	ssyncset.done $0x0  }
0x90: {  	s9 =	sshrl.u32 s9, $0x3;
	[sflag:s30] =	ssyncadd.s32 $0xFFFFC180  }
0x91: {  	s10 =	sadd.s32 s6, s9  }
0x92: {  	[tilespmem:s4], [sflag:$0x5] =	stream.linear.gather [hbm4b:s10+s4], $0x80, $0x38;
	[tilespmem:$0x1FE00] =	vst v63  }
0x93: {  	_ =	swait.ge [sflag:s20], $0x80  }
0x94: {  	[sflag:s20] =	ssyncset.done $0x0  }
0x95: {  	s9 =	sadd.s32 s1, s9;
	[sflag:s20] =	ssyncadd.s32 $0xFFFFFF80  }
0x96: {  	[tilespmem:s21], [sflag:$0x5] =	stream.linear.gather [hbm4b:s9+s4], $0x80, $0x38;
	[tilespmem:$0x1FE00] =	vst v63  }
.Ltmp2:
0x97: {  	_ = 	snop;
	(pc) =	sbr.rel @p0 .LBB2_6-.Ltmp2, $4  }
0x98: {  	_ =	swait.ge [sflag:s20], $0x80  }
0x99: {  	s9 =	sadd.s32 $0xFFFFFF00, s3;
	[sflag:s20] =	ssyncset.done $0x0  }
0x9a: {  	s12 =	sand.u32 $0x3C00, s9;
	[sflag:s20] =	ssyncadd.s32 $0xFFFFFF80  }
0x9b: {  	s10 =	sand.u32 $0x300, s9;
	s9 =	smov.u32 s11;
	_ =	swait.ge [sflag:s31], $0x3E80  }
0x9c: {  	[sflag:s31] =	ssyncset.done $0x0  }
0x9d: {  	s9 =	sadd.s32 s8, s12;
	[sflag:s31] =	ssyncadd.s32 $0xFFFFC180  }
0x9e: {  	[spmem:s2] =	stream.indirect.scatter.add.f32 [tilespmem:s25], [sflag:$0x4], $0x80, s24, s22, $0xb8;
	[tilespmem:$0x1FE00] =	vst v63  }
0x9f: {  	s9 =	sor.u32 s9, s10  }
0xa0: {  	[tilespmem:s23], [sflag:$0x1] =	stream.indirect.gather [hbm4b:s5+s22], $0x80, s4, s22, $0xb8;
	[tilespmem:$0x1FE00] =	vst v63  }
0xa1: {  	s9 =	sor.u32 $0x80, s9;
	_ =	swait.ge [sflag:s26], $0x3E80  }
0xa2: {  	s9 =	sshrl.u32 s9, $0x3;
	[sflag:s26] =	ssyncset.done $0x0  }
0xa3: {  	s12 =	sadd.s32 s6, s9;
	[sflag:s26] =	ssyncadd.s32 $0xFFFFC180  }
0xa4: {  	[tilespmem:s28], [sflag:$0x5] =	stream.linear.gather [hbm4b:s12+s4], $0x80, $0x38;
	[tilespmem:$0x1FE00] =	vst v63  }
0xa5: {  	_ =	swait.ge [sflag:s20], $0x80  }
0xa6: {  	[sflag:s20] =	ssyncset.done $0x0  }
0xa7: {  	s9 =	sadd.s32 s1, s9;
	[sflag:s20] =	ssyncadd.s32 $0xFFFFFF80  }
0xa8: {  	[tilespmem:s24], [sflag:$0x5] =	stream.linear.gather [hbm4b:s9+s4], $0x80, $0x38;
	[tilespmem:$0x1FE00] =	vst v63  }
0xa9: {  	_ =	swait.ge [sflag:s20], $0x80  }
0xaa: {  	[sflag:s20] =	ssyncset.done $0x0  }
0xab: {  	[sflag:s20] =	ssyncadd.s32 $0xFFFFFF80  }
0xac: {  	_ =	swait.ge [sflag:s29], $0x3E80  }
0xad: {  	[sflag:s29] =	ssyncset.done $0x0  }
0xae: {  	s13 =	sand.u32 $0x7C00, s3;
	[sflag:s29] =	ssyncadd.s32 $0xFFFFC180  }
0xaf: {  	[spmem:s2] =	stream.indirect.scatter.add.f32 [tilespmem:s23], [sflag:$0x3], $0x80, s21, s22, $0xb8;
	[tilespmem:$0x1FE00] =	vst v63  }
0xb0: {  	s10 =	sand.u32 $0x300, s3;
	s9 =	sadd.s32 s8, s13  }
0xb1: {  	[tilespmem:s25], [sflag:$0x2] =	stream.indirect.gather [hbm4b:s5+s22], $0x80, s28, s22, $0xb8;
	[tilespmem:$0x1FE00] =	vst v63  }
0xb2: {  	s3 =	sor.u32 s10, s9;
	_ =	swait.ge [sflag:s30], $0x3E80  }
0xb3: {  	s3 =	sshrl.u32 s3, $0x3;
	[sflag:s30] =	ssyncset.done $0x0  }
0xb4: {  	s11 =	sadd.s32 s6, s3;
	[sflag:s30] =	ssyncadd.s32 $0xFFFFC180  }
0xb5: {  	[tilespmem:s4], [sflag:$0x5] =	stream.linear.gather [hbm4b:s11+s4], $0x80, $0x38;
	[tilespmem:$0x1FE00] =	vst v63  }
0xb6: {  	_ =	swait.ge [sflag:s20], $0x80  }
0xb7: {  	[sflag:s20] =	ssyncset.done $0x0  }
0xb8: {  	s3 =	sadd.s32 s1, s3;
	[sflag:s20] =	ssyncadd.s32 $0xFFFFFF80  }
0xb9: {  	[tilespmem:s21], [sflag:$0x5] =	stream.linear.gather [hbm4b:s3+s4], $0x80, $0x38;
	[tilespmem:$0x1FE00] =	vst v63  }
0xba: {  	_ =	swait.ge [sflag:s20], $0x80  }
0xbb: {  	[sflag:s20] =	ssyncset.done $0x0  }
0xbc: {  	[sflag:s20] =	ssyncadd.s32 $0xFFFFFF80  }
0xbd: {  	_ =	swait.ge [sflag:s31], $0x3E80  }
0xbe: {  	[sflag:s31] =	ssyncset.done $0x0  }
0xbf: {  	[sflag:s31] =	ssyncadd.s32 $0xFFFFC180  }
0xc0: {  	[spmem:s2] =	stream.indirect.scatter.add.f32 [tilespmem:s25], [sflag:$0x4], $0x80, s24, s22, $0xb8;
	[tilespmem:$0x1FE00] =	vst v63  }
0xc1: {  	_ = 	snop  }
0xc2: {  	[tilespmem:s23], [sflag:$0x1] =	stream.indirect.gather [hbm4b:s5+s22], $0x80, s4, s22, $0xb8;
	[tilespmem:$0x1FE00] =	vst v63  }
0xc3: {  	_ =	swait.ge [sflag:s26], $0x3E80  }
0xc4: {  	[sflag:s26] =	ssyncset.done $0x0  }
0xc5: {  	[sflag:s26] =	ssyncadd.s32 $0xFFFFC180  }
0xc6: {  	[tilespmem:s28], [sflag:$0x5] =	stream.linear.gather [hbm4b:s17+s4], $0x80, $0x38;
	[tilespmem:$0x1FE00] =	vst v63  }
0xc7: {  	_ =	swait.ge [sflag:s20], $0x80  }
0xc8: {  	[sflag:s20] =	ssyncset.done $0x0  }
0xc9: {  	[sflag:s20] =	ssyncadd.s32 $0xFFFFFF80  }
0xca: {  	[tilespmem:s24], [sflag:$0x5] =	stream.linear.gather [hbm4b:s18+s4], $0x80, $0x38;
	[tilespmem:$0x1FE00] =	vst v63  }
0xcb: {  	_ =	swait.ge [sflag:s20], $0x80  }
0xcc: {  	[sflag:s20] =	ssyncset.done $0x0  }
0xcd: {  	[sflag:s20] =	ssyncadd.s32 $0xFFFFFF80  }
0xce: {  	_ =	swait.ge [sflag:s29], $0x3E80  }
0xcf: {  	[sflag:s29] =	ssyncset.done $0x0  }
0xd0: {  	[sflag:s29] =	ssyncadd.s32 $0xFFFFC180  }
0xd1: {  	[spmem:s2] =	stream.indirect.scatter.add.f32 [tilespmem:s23], [sflag:$0x3], $0x80, s21, s22, $0xb8;
	[tilespmem:$0x1FE00] =	vst v63  }
0xd2: {  	_ = 	snop  }
0xd3: {  	[tilespmem:s25], [sflag:$0x2] =	stream.indirect.gather [hbm4b:s5+s22], $0x80, s28, s22, $0xb8;
	[tilespmem:$0x1FE00] =	vst v63  }
0xd4: {  	_ =	swait.ge [sflag:s30], $0x3E80  }
0xd5: {  	[sflag:s30] =	ssyncset.done $0x0  }
0xd6: {  	[sflag:s30] =	ssyncadd.s32 $0xFFFFC180  }
0xd7: {  	_ =	swait.ge [sflag:s31], $0x3E80  }
0xd8: {  	[sflag:s31] =	ssyncset.done $0x0  }
0xd9: {  	[sflag:s31] =	ssyncadd.s32 $0xFFFFC180  }
0xda: {  	[spmem:s2] =	stream.indirect.scatter.add.f32 [tilespmem:s25], [sflag:$0x4], $0x80, s24, s22, $0xb8;
	[tilespmem:$0x1FE00] =	vst v63  }
0xdb: {  	s0 =	sadd.s32 $0x1, s0;
	_ =	swait.ge [sflag:s26], $0x3E80  }
0xdc: {  	p0 =	sne.s32 s0, s16;
	s12 =	stileid.u32;
	[sflag:s26] =	ssyncset.done $0x0  }
0xdd: {  	s13 =	sshrl.u32 s7, $0x3;
	s3 =	sshll.u32 s12, $0x6;
	[sflag:s26] =	ssyncadd.s32 $0xFFFFC180  }
.Ltmp3:
0xde: {  	s3 =	sor.u32 $0x1C05, s3;
	[bflag:$0x0] =	sbarrier.arrive $0xFFFF;
	(pc) =	sbr.rel @p0 .LBB2_1-.Ltmp3, $4  }
0xdf: {  	[hbm:s15], [sflag:s3] =	dma.local [spmem:s13], $0x2780  }
0xe0: {  	_ =	swait.ge [sflag:s20], $0x2780  }
0xe1: {  	[sflag:s20] =	ssyncset.done $0x0  }
0xe2: {  	[sflag:s20] =	ssyncadd.s32 $0xFFFFD880  }
0xe3: {  	_ =	sfence.sel $0x180000  }
0xe4: {  	[bflag:$0x0] =	sbarrier.arrive $0xFFFF  }
0xe5: {  	_ =	strace $0x9000004D  }
0xe6: {  	s0 =	stileid.u32;
	[bflag:$0x2] =	sbarrier.arrive $0xFFFF  }
0xe7: {  	p0 =	sne.s32 s0, $0x0;
	s0 =	rddreg [dreg:$0x3]  }
0xe8: {  	s0 =	sadd.s32 @!p0 $0x100000, s0  }
0xe9: {  	[sflag:s0] =	ssyncadd.tile.s32 @!p0 $0x1;
	_ =	shalt  }
.Lfunc_end2:
_tile_overlayer_lowered:
.L_overlay_start_2:
0xea: {  	(tag) =	ssettag $0x2  }
0xeb: {  	s0 =	rddreg [dreg:$0x0];
	s2 =	stileid.u32  }
0xec: {  	s1 =	rddreg [dreg:$0x1];
	p0 =	sne.s32 s2, $0x0  }
0xed: {  	s3 =	rddreg [dreg:$0x2];
	[bflag:$0x3] =	sbarrier.arrive $0xFFFF;
	s2 =	simm.s32 @!p0 $0x1C05  }
0xee: {  	[timem:s3], [sflag:s2] =	dma.local @!p0 [hbm:s0], s1  }
0xef: {  	s0 =	simm.s32 @!p0 $0x5  }
0xf0: {  	_ =	swait.ge @!p0 [sflag:s0], s1  }
0xf1: {  	s1 =	ssub.s32 @!p0 $0x0, s1;
	[sflag:s0] =	ssyncset.done @!p0 $0x0  }
0xf2: {  	[sflag:s0] =	ssyncadd.s32 @!p0 s1  }
0xf3: {  	[bflag:$0x3] =	sbarrier.arrive $0xFFFF  }
0xf4: {  	_ =	shalt  }

// kernel: kernel.9.cloned.1.call-start
scs
__scs_entry_jumppad:
0x0: {  	(pc) =	sbr.rel $0x88, $3  }
0x1: {  	(tag) =	ssettag $0x0;
	lr =	simm.s32 $0x1  }
0x2: {  	[smem:$0x3F9B] =	sst lr;
	_ =	strace $0xD0000000  }
0x3: {  	_ = 	snop  }
0x4: {  	_ = 	snop  }
0x5: {  	_ = 	snop  }
0x6: {  	_ = 	snop  }
0x7: {  	_ = 	snop  }
__scs_overlays_trampoline_lowered:
0x8: {  	[smem:$0x3FAA] =	sst s0  }
0x9: {  	[smem:$0x3FAB] =	sst s1  }
0xa: {  	[smem:$0x3FAC] =	sst s2  }
0xb: {  	[smem:$0x3FAD] =	sst s3  }
0xc: {  	[smem:$0x3FAE] =	sst s4  }
0xd: {  	[smem:$0x3FAF] =	sst s5  }
0xe: {  	[smem:$0x3FB0] =	sst s6  }
0xf: {  	[smem:$0x3FB1] =	sst s7  }
0x10: {  	[smem:$0x3FB2] =	sst s8  }
0x11: {  	[smem:$0x3FB3] =	sst s9;
	s0 =	simm.s32 @!p0 $0x0  }
0x12: {  	s1 =	sld [smem:$0x3F99];
	s0 =	simm.s32 @p0 $0x1  }
0x13: {  	[smem:$0x3FB4] =	sst s0;
	s0 =	simm.s32 @!p1 $0x0  }
0x14: {  	s2 =	sld [smem:$0x3F98];
	s0 =	simm.s32 @p1 $0x1  }
0x15: {  	[smem:$0x3FB5] =	sst s0;
	s0 =	simm.s32 @!p2 $0x0  }
0x16: {  	s3 =	sld [smem:$0x3FDB];
	s0 =	simm.s32 @p2 $0x1  }
0x17: {  	s4 =	simm.s32 $0x1BF5;
	[smem:$0x3FB7] =	sst s0  }
0x18: {  	s0 =	sld [smem:$0x3F9A];
	_ =	swait.ge [sflag:s4], $0x0  }
0x19: {  	s7 =	sld [smem:$0x3F9B]  }
0x1a: {  	s8 =	sadd.s32 $0xFFFFE003, lr  }
0x1b: {  	s9 =	sadd.s32 $0xFFFFFEF7, lr;
	s5 =	simm.s32 $0xFFFFFFFF;
	p2 =	slt.u32 s8, $0xFFFFF086  }
0x1c: {  	p1 =	slt.u32 s9, $0xF7A;
	s5 =	simm.s32 @!p2 $0x0  }
0x1d: {  	s5 =	simm.s32 @p1 $0x1;
	p0 =	seq.s32 s7, s2  }
0x1e: {  	s7 =	smul.u32 @!p0 $0xF7A, s2;
	p2 =	seq.s32 @!p0 s5, $0x0  }
0x1f: {  	s9 =	smul.u32 $0xF7A, s1;
	s8 =	simm.s32 @!p0 $0x1BF5;
	p2 =	por !p2, p0  }
0x20: {  	[sflag:s8] =	ssyncset.s32 @!p0 $0xFFFFF086;
	s6 =	sadd.s32 @!p0 s3, s7;
	s7 =	simm.s32 @!p0 $0x108  }
0x21: {  	s3 =	sadd.s32 s3, s9;
	s6 =	sadd.s32 @!p0 $0x88, s6;
	s7 =	simm.s32 @p2 $0x1082  }
0x22: {  	[simem:s7], [sflag:s8] =	dma.local @!p0 [hbm:s6], $0xF7A  }
0x23: {  	s9 =	sor.u32 $0xD0000000, s2;
	s6 =	simm.s32 $0x108;
	_ =	swait.ge @!p0 [sflag:s8], $0x0  }
0x24: {  	s3 =	sadd.s32 $0x88, s3;
	s6 =	simm.s32 @!p1 $0x1082;
	[sflag:s4] =	ssyncset.s32 $0xFFFFF086  }
0x25: {  	[simem:s6], [sflag:s4] =	dma.local [hbm:s3], $0xF7A  }
0x26: {  	[smem:$0x3F9B] =	sst s1;
	(tag) =	ssettag s2;
	_ =	strace s9  }
0x27: {  	s1 =	sld [smem:$0x3FAB]  }
0x28: {  	s2 =	sld [smem:$0x3FAC]  }
0x29: {  	s4 =	sld [smem:$0x3FAE]  }
0x2a: {  	p0 =	seq.s32 s5, $0x0;
	s5 =	sld [smem:$0x3FAF]  }
0x2b: {  	s6 =	sld [smem:$0x3FB0]  }
0x2c: {  	s7 =	sld [smem:$0x3FB1]  }
0x2d: {  	s3 =	simm.s32 $0x108;
	s8 =	sld [smem:$0x3FB2]  }
0x2e: {  	s3 =	simm.s32 @!p0 $0x1082;
	s9 =	sld [smem:$0x3FB3]  }
0x2f: {  	lr =	sadd.s32 s0, s3;
	s0 =	sld [smem:$0x3FAA]  }
0x30: {  	s3 =	sld [smem:$0x3FAD]  }
0x31: {  	[smem:$0x3FB6] =	sst s10  }
0x32: {  	s10 =	sld [smem:$0x3FB4];
	_ =	sdelay $0x3  }
0x33: {  	p0 =	seq.s32 s10, $0x1;
	s10 =	sld [smem:$0x3FB6];
	_ =	sdelay $0x3  }
0x34: {  	[smem:$0x3FB6] =	sst s10  }
0x35: {  	s10 =	sld [smem:$0x3FB5];
	_ =	sdelay $0x3  }
0x36: {  	p1 =	seq.s32 s10, $0x1;
	s10 =	sld [smem:$0x3FB6];
	_ =	sdelay $0x3  }
0x37: {  	[smem:$0x3FB6] =	sst s10  }
0x38: {  	s10 =	sld [smem:$0x3FB7]  }
0x39: {  	_ = 	snop;
	(pc) =	sbr.ind lr, $3  }
0x3a: {  	_ = 	snop  }
0x3b: {  	_ = 	snop  }
0x3c: {  	p2 =	seq.s32 s10, $0x1;
	s10 =	sld [smem:$0x3FB6]  }
0x3d: {  	_ =	shalt  }
0x3e: {  	_ =	shalt  }
0x3f: {  	_ =	shalt  }
0x40: {  	_ =	shalt  }
0x41: {  	_ =	shalt  }
0x42: {  	_ =	shalt  }
0x43: {  	_ =	shalt  }
0x44: {  	_ =	shalt  }
0x45: {  	_ =	shalt  }
0x46: {  	_ =	shalt  }
0x47: {  	_ =	shalt  }
0x48: {  	_ =	shalt  }
0x49: {  	_ =	shalt  }
0x4a: {  	_ =	shalt  }
0x4b: {  	_ =	shalt  }
0x4c: {  	_ =	shalt  }
0x4d: {  	_ =	shalt  }
0x4e: {  	_ =	shalt  }
0x4f: {  	_ =	shalt  }
0x50: {  	_ =	shalt  }
0x51: {  	_ =	shalt  }
0x52: {  	_ =	shalt  }
0x53: {  	_ =	shalt  }
0x54: {  	_ =	shalt  }
0x55: {  	_ =	shalt  }
0x56: {  	_ =	shalt  }
0x57: {  	_ =	shalt  }
0x58: {  	_ =	shalt  }
0x59: {  	_ =	shalt  }
0x5a: {  	_ =	shalt  }
0x5b: {  	_ =	shalt  }
0x5c: {  	_ =	shalt  }
0x5d: {  	_ =	shalt  }
0x5e: {  	_ =	shalt  }
0x5f: {  	_ =	shalt  }
0x60: {  	_ =	shalt  }
0x61: {  	_ =	shalt  }
0x62: {  	_ =	shalt  }
0x63: {  	_ =	shalt  }
0x64: {  	_ =	shalt  }
0x65: {  	_ =	shalt  }
0x66: {  	_ =	shalt  }
0x67: {  	_ =	shalt  }
0x68: {  	_ =	shalt  }
0x69: {  	_ =	shalt  }
0x6a: {  	_ =	shalt  }
0x6b: {  	_ =	shalt  }
0x6c: {  	_ =	shalt  }
0x6d: {  	_ =	shalt  }
0x6e: {  	_ =	shalt  }
0x6f: {  	_ =	shalt  }
0x70: {  	_ =	shalt  }
0x71: {  	_ =	shalt  }
0x72: {  	_ =	shalt  }
0x73: {  	_ =	shalt  }
0x74: {  	_ =	shalt  }
0x75: {  	_ =	shalt  }
0x76: {  	_ =	shalt  }
0x77: {  	_ =	shalt  }
0x78: {  	_ =	shalt  }
0x79: {  	_ =	shalt  }
0x7a: {  	_ =	shalt  }
0x7b: {  	_ =	shalt  }
0x7c: {  	_ =	shalt  }
0x7d: {  	_ =	shalt  }
0x7e: {  	_ =	shalt  }
0x7f: {  	_ =	shalt  }
0x80: {  	_ =	shalt  }
0x81: {  	_ =	shalt  }
0x82: {  	_ =	shalt  }
0x83: {  	_ =	shalt  }
0x84: {  	_ =	shalt  }
0x85: {  	_ =	shalt  }
0x86: {  	_ =	shalt  }
0x87: {  	_ =	shalt  }
.Lfunc_end0:
.L_simem_size_0:
called_computation_lowered:
.L_overlay_start_0:
0x88: {  	s2 =	sld [smem:$0x3FD9]  }
0x89: {  	s3 =	sld [smem:$0x3FFE];
	_ =	sdelay $0x1  }
0x8a: {  	s1 =	srdreg.scid  }
0x8b: {  	s0 =	sand.u32 $0x1, s1  }
0x8c: {  	s17 =	sshll.u32 s0, $0xA;
	s2 =	sadd.s32 s3, s2  }
0x8d: {  	s2 =	sadd.s32 s2, s17  }
0x8e: {  	[smem:$0x3FC2] =	sst s2  }
0x8f: {  	_ = 	snop  }
0x90: {  	s2 =	sld [smem:$0x3FD0];
	(tm) =	ssettm $0x1  }
0x91: {  	s18 =	sld [smem:$0x3FFB];
	_ =	sdelay $0x3  }
0x92: {  	_ =	strace s18  }
0x93: {  	s3 =	sld [smem:$0x3FFC];
	_ =	sdelay $0x3  }
0x94: {  	_ =	strace s3  }
0x95: {  	s3 =	sld [smem:$0x3FFD];
	_ =	sdelay $0x3  }
0x96: {  	_ =	strace s3  }
0x97: {  	_ =	strace $0x8FFFFFFF  }
0x98: {  	s19 =	sld [smem:$0x3FDB];
	_ =	sdelay $0x1  }
0x99: {  	s4 =	simm.s32 $_scs_section_size  }
0x9a: {  	s5 =	simm.s32 $_size__tile_overlayer_lowered;
	s6 =	simm.s32 $_tile_overlayer_lowered  }
0x9b: {  	s22 =	simm.s32 $0x1BFF;
	s21 =	sshll.u32 s6, $0x1;
	s3 =	sadd.s32 s4, s19  }
0x9c: {  	s7 =	simm.s32 $0x0;
	s20 =	sshll.u32 s5, $0x1;
	s5 =	sadd.s32 s21, s3  }
0x9d: {  	[timem:s7], [sflag:s22] =	dma.local [hbm:s5], s20  }
0x9e: {  	_ =	swait.ge [sflag:s22], s20  }
0x9f: {  	s4 =	ssub.s32 $0x0, s20;
	[sflag:s22] =	ssyncset.done $0x0  }
0xa0: {  	[sflag:s22] =	ssyncadd.s32 s4;
	_ =	sdelay $0x1  }
0xa1: {  	s23 =	simm.s32 $0x1B8B  }
0xa2: {  	_ =	swait.ge [sflag:s23], $0x1  }
0xa3: {  	[sflag:s23] =	ssyncset.done $0x0  }
0xa4: {  	s25 =	simm.s32 $0x1B8E;
	s24 =	sld [smem:$0x3FFE];
	[sflag:s23] =	ssyncadd.s32 $0xFFFFFFFF  }
0xa5: {  	s26 =	simm.s32 $execute0_lowered;
	[smem:$0x3FD2] =	sst s25  }
0xa6: {  	s5 =	sshll.u32 s26, $0x1;
	_ =	strace $0x80000046;
	[dreg:$0x1] =	wrdreg $0xFFFFFFFF  }
0xa7: {  	s28 =	simm.s32 $_size_execute0_lowered;
	s3 =	sadd.s32 s3, s5;
	[dreg:$0x0] =	wrdreg $0x0  }
0xa8: {  	s5 =	sshll.u32 s28, $0x1;
	[dreg:$0x2] =	wrdreg s3  }
0xa9: {  	[dreg:$0x3] =	wrdreg s5  }
0xaa: {  	[dreg:$0x4] =	wrdreg $0xC0  }
0xab: {  	_ =	task [dreg:s7], $0x5FFFF  }
0xac: {  	[dreg:$0x1] =	wrdreg $0xFFFFFFFF  }
0xad: {  	[dreg:$0x0] =	wrdreg $0x60  }
0xae: {  	[dreg:$0x2] =	wrdreg s2  }
0xaf: {  	[dreg:$0x3] =	wrdreg s24  }
0xb0: {  	[dreg:$0x4] =	wrdreg $0x81000  }
0xb1: {  	[dreg:$0x5] =	wrdreg $0x9  }
0xb2: {  	_ =	task.clear_ibuf [dreg:s7], $0x6FFFF;
	_ =	strace $0x90000046  }
0xb3: {  	s29 =	simm.s32 $0x9;
	_ =	strace $0x80000048  }
0xb4: {  	_ =	swait.ge [sflag:s29], $0x1  }
0xb5: {  	[sflag:s29] =	ssyncadd.s32 $0xFFFFFFFF  }
0xb6: {  	_ =	strace $0x90000048  }
0xb7: {  	_ =	sfence  }
0xb8: {  	s30 =	sld [smem:$0x0];
	_ =	sdelay $0x2  }
0xb9: {  	s31 =	sshll.u32 s1, $0xD;
	s1 =	sshrl.u32 s1, $0x2  }
0xba: {  	s3 =	sand.u32 $0x4000, s31;
	s1 =	sadd.s32 s1, s30  }
0xbb: {  	s0 =	sor.u32 s3, s0;
	s1 =	sshll.u32 s1, $0x11  }
0xbc: {  	s0 =	sor.u32 s1, s0  }
0xbd: {  	s0 =	sadd.s32 $0x8F2B, s0  }
0xbe: {  	[sflag:s0] =	ssyncadd.remote.s32 $0x1  }
0xbf: {  	_ =	sfence.sel $0xFFFF  }
0xc0: {  	[dreg:$0x0] =	wrdreg $0xFFFFFFFF;
	(pc) =	sbr.abs _section_cstart, $3  }
0xc1: {  	[dreg:$0x1] =	wrdreg $0xFFFFFFFF  }
0xc2: {  	_ =	task.clear_ibuf [dreg:s7], $0x2FFFF;
	_ =	strace $0x9FFFFFFF  }
0xc3: {  	(tm) =	ssettm $0x7FFFFFFF  }
tec
execute0_lowered:
.L_overlay_start_1:
0x0: {  	(tag) =	ssettag $0x1  }
0x1: {  	s0 =	rddreg [dreg:$0x0]  }
0x2: {  	s6 =	rddreg [dreg:$0x1];
	s1 =	srdreg.scid  }
0x3: {  	s3 =	rddreg [dreg:$0x2];
	s2 =	stileid.u32  }
0x4: {  	s4 =	simm.s32 $0x0;
	s15 =	simm.s32 $0x4100;
	s16 =	simm.s32 $0x3  }
0x5: {  	s17 =	simm.s32 $0x7D;
	s18 =	simm.s32 $0x80;
	s19 =	simm.s32 $0x1  }
0x6: {  	s20 =	simm.s32 $0x100;
	s21 =	simm.s32 $0x2;
	s8 =	smul.u32 $0x13C00, s2  }
0x7: {  	s5 =	sand.u32 $0x1, s1;
	s1 =	rddreg [dreg:$0x3];
	s9 =	smul.u32 $0x4F000, s2  }
0x8: {  	s22 =	simm.s32 $0x0;
	[smem:$0x7FF] =	sst s4;
	s7 =	smul.u32 $0x13C000, s5  }
0x9: {  	s29 =	sshll.u32 s5, $0x4;
	_ =	strace $0x80000047;
	s10 =	ssub.s32 $0x2, s5  }
0xa: {  	s9 =	sshrl.u32 s9, $0x2;
	s7 =	sadd.s32 s8, s7;
	s8 =	sor.u32 s2, s29  }
0xb: {  	s30 =	sshrl.u32 s10, $0x1;
	s7 =	sshrl.u32 s7, $0x3;
	s5 =	smul.u32 $0x2800, s8  }
0xc: {  	s14 =	ssub.s32 s10, s30;
	s13 =	sadd.s32 s7, s6;
	s6 =	sadd.s32 s9, s3  }
0xd: {  	s14 =	smax.u32 s14, $0x1;
	s7 =	sadd.s32 $0x4000, s6;
	s31 =	sshrl.u32 s5, $0x3  }
0xe: {  	s8 =	sadd.s32 $0x8000, s6;
	s9 =	sadd.s32 $0xC000, s6;
	s10 =	sadd.s32 s0, s31  }
0xf: {  	v0 =	vimm.f32 $1.000000000e+00;
	v1 =	vimm.f32 $0.0e+00;
	s11 =	sadd.s32 $0x10000, s6;
	s13 =	sadd.s32 $0x1E00, s13;
	s12 =	sadd.s32 $0x10, s10  }
.LBB2_1:
0x10: {  	s23 =	simm.s32 $0x0;
	s24 =	simm.s32 $0x200  }
.LBB2_2:
0x11: {  	p0 =	sne.s32 s24, $0xF800;
	[tilespmem:s23+$0x170] =	vst v0  }
0x12: {  	[tilespmem:s23+$0x100] =	vst v0  }
0x13: {  	[tilespmem:s23+$0x110] =	vst v0  }
.Ltmp0:
0x14: {  	[tilespmem:s23+$0x120] =	vst v0;
	(pc) =	sbr.rel @p0 .LBB2_2-.Ltmp0, $4  }
0x15: {  	[tilespmem:s23+$0x130] =	vst v0  }
0x16: {  	[tilespmem:s23+$0x140] =	vst v0  }
0x17: {  	[tilespmem:s23+$0x150] =	vst v0  }
0x18: {  	[tilespmem:s23+$0x160] =	vst v0;
	s23 =	sshra.s32 s24, $0x2;
	s24 =	sadd.s32 $0x200, s24  }
0x19: {  	[tilespmem:s23+$0x170] =	vst v0  }
0x1a: {  	[tilespmem:s23+$0x100] =	vst v0  }
0x1b: {  	[tilespmem:s23+$0x110] =	vst v0  }
0x1c: {  	[tilespmem:s23+$0x120] =	vst v0  }
0x1d: {  	[tilespmem:s23+$0x130] =	vst v0  }
0x1e: {  	[tilespmem:s23+$0x140] =	vst v0  }
0x1f: {  	[tilespmem:s23+$0x150] =	vst v0  }
0x20: {  	[tilespmem:s23+$0x160] =	vst v0;
	s23 =	simm.s32 $0x0;
	s24 =	simm.s32 $0x200  }
.LBB2_4:
0x21: {  	p0 =	sne.s32 s24, $0xFE00;
	[tilespmem:s23+$0x4170] =	vst v1  }
0x22: {  	[tilespmem:s23+$0x4100] =	vst v1  }
0x23: {  	[tilespmem:s23+$0x4110] =	vst v1  }
.Ltmp1:
0x24: {  	[tilespmem:s23+$0x4120] =	vst v1;
	(pc) =	sbr.rel @p0 .LBB2_4-.Ltmp1, $4  }
0x25: {  	[tilespmem:s23+$0x4130] =	vst v1  }
0x26: {  	[tilespmem:s23+$0x4140] =	vst v1  }
0x27: {  	[tilespmem:s23+$0x4150] =	vst v1  }
0x28: {  	[tilespmem:s23+$0x4160] =	vst v1;
	s23 =	sshra.s32 s24, $0x2;
	s24 =	sadd.s32 $0x200, s24  }
0x29: {  	[tilespmem:s23+$0x4170] =	vst v1  }
0x2a: {  	[tilespmem:s23+$0x4100] =	vst v1  }
0x2b: {  	[tilespmem:s23+$0x4110] =	vst v1  }
0x2c: {  	[tilespmem:s23+$0x4120] =	vst v1  }
0x2d: {  	[tilespmem:s23+$0x4130] =	vst v1  }
0x2e: {  	[tilespmem:s23+$0x4140] =	vst v1  }
0x2f: {  	[tilespmem:s23+$0x4150] =	vst v1  }
0x30: {  	[tilespmem:s23+$0x4160] =	vst v1  }
0x31: {  	[spmem:s6] =	stream.linear.scatter [tilespmem:s15], [sflag:$0x3], $0x4000, $0x38;
	[tilespmem:$0x1BD00] =	vst v63  }
0x32: {  	_ =	swait.ge [sflag:s16], $0x4000  }
0x33: {  	[sflag:s16] =	ssyncset.done $0x0  }
0x34: {  	[sflag:s16] =	ssyncadd.s32 $0xFFFFC000  }
0x35: {  	[spmem:s7] =	stream.linear.scatter [tilespmem:s15], [sflag:$0x3], $0x4000, $0x38;
	[tilespmem:$0x1BD00] =	vst v63  }
0x36: {  	_ =	swait.ge [sflag:s16], $0x4000  }
0x37: {  	[sflag:s16] =	ssyncset.done $0x0  }
0x38: {  	[sflag:s16] =	ssyncadd.s32 $0xFFFFC000  }
0x39: {  	[spmem:s8] =	stream.linear.scatter [tilespmem:s15], [sflag:$0x3], $0x4000, $0x38;
	[tilespmem:$0x1BD00] =	vst v63  }
0x3a: {  	_ =	swait.ge [sflag:s16], $0x4000  }
0x3b: {  	[sflag:s16] =	ssyncset.done $0x0  }
0x3c: {  	[sflag:s16] =	ssyncadd.s32 $0xFFFFC000  }
0x3d: {  	[spmem:s9] =	stream.linear.scatter [tilespmem:s15], [sflag:$0x3], $0x4000, $0x38;
	[tilespmem:$0x1BD00] =	vst v63  }
0x3e: {  	_ =	swait.ge [sflag:s16], $0x4000  }
0x3f: {  	[sflag:s16] =	ssyncset.done $0x0  }
0x40: {  	[sflag:s16] =	ssyncadd.s32 $0xFFFFC000  }
0x41: {  	[spmem:s11] =	stream.linear.scatter [tilespmem:s15], [sflag:$0x3], $0x3C00, $0x38;
	[tilespmem:$0x1BD00] =	vst v63  }
0x42: {  	_ =	swait.ge [sflag:s16], $0x3C00  }
0x43: {  	[sflag:s16] =	ssyncset.done $0x0  }
0x44: {  	[sflag:s16] =	ssyncadd.s32 $0xFFFFC400  }
0x45: {  	[bflag:$0x0] =	sbarrier.arrive $0xFFFF  }
0x46: {  	[tilespmem:s4], [sflag:$0x3] =	stream.linear.gather [hbm4b:s10+s4], $0x80, $0x38;
	[tilespmem:$0x1BD00] =	vst v63  }
0x47: {  	_ =	swait.ge [sflag:s16], $0x80  }
0x48: {  	[sflag:s16] =	ssyncset.done $0x0  }
0x49: {  	s30 =	simm.s32 $0x100;
	[sflag:s16] =	ssyncadd.s32 $0xFFFFFF80  }
0x4a: {  	[spmem:s3] =	stream.indirect.scatter.add.f32 [tilespmem:s30], [sflag:$0x1], $0x80, s4, s17, $0xb8;
	[tilespmem:$0x1BD00] =	vst v63  }
0x4b: {  	_ = 	snop  }
0x4c: {  	[tilespmem:s18], [sflag:$0x3] =	stream.linear.gather [hbm4b:s12+s4], $0x80, $0x38;
	[tilespmem:$0x1BD00] =	vst v63  }
0x4d: {  	_ =	swait.ge [sflag:s16], $0x80  }
0x4e: {  	s24 =	sand.u32 $0x3C00, s30;
	[sflag:s16] =	ssyncset.done $0x0  }
0x4f: {  	s23 =	sand.u32 $0x300, s30;
	s24 =	sadd.s32 s5, s24;
	[sflag:s16] =	ssyncadd.s32 $0xFFFFFF80  }
0x50: {  	[spmem:s3] =	stream.indirect.scatter.add.f32 [tilespmem:s30], [sflag:$0x2], $0x80, s18, s17, $0xb8;
	[tilespmem:$0x1BD00] =	vst v63  }
0x51: {  	s23 =	sor.u32 s23, s24;
	_ =	swait.ge [sflag:s19], $0x3E80  }
0x52: {  	s23 =	sshrl.u32 s23, $0x3;
	[sflag:s19] =	ssyncset.done $0x0  }
0x53: {  	s23 =	sadd.s32 s0, s23;
	[sflag:s19] =	ssyncadd.s32 $0xFFFFC180  }
0x54: {  	[tilespmem:s4], [sflag:$0x3] =	stream.linear.gather [hbm4b:s23+s4], $0x80, $0x38;
	[tilespmem:$0x1BD00] =	vst v63  }
0x55: {  	_ =	swait.ge [sflag:s16], $0x80  }
0x56: {  	[sflag:s16] =	ssyncset.done $0x0  }
0x57: {  	[sflag:s16] =	ssyncadd.s32 $0xFFFFFF80  }
0x58: {  	[spmem:s3] =	stream.indirect.scatter.add.f32 [tilespmem:s20], [sflag:$0x1], $0x80, s4, s17, $0xb8;
	[tilespmem:$0x1BD00] =	vst v63  }
0x59: {  	_ =	swait.ge [sflag:s21], $0x3E80  }
0x5a: {  	[sflag:s21] =	ssyncset.done $0x0  }
0x5b: {  	s23 =	sadd.s32 $0x10, s23;
	[sflag:s21] =	ssyncadd.s32 $0xFFFFC180  }
0x5c: {  	[tilespmem:s18], [sflag:$0x3] =	stream.linear.gather [hbm4b:s23+s4], $0x80, $0x38;
	[tilespmem:$0x1BD00] =	vst v63  }
0x5d: {  	_ =	swait.ge [sflag:s16], $0x80  }
0x5e: {  	s31 =	simm.s32 $0x200;
	s25 =	simm.s32 $0x300;
	[sflag:s16] =	ssyncset.done $0x0  }
0x5f: {  	s24 =	sand.u32 $0x300, s31;
	s23 =	sand.u32 $0x3C00, s31;
	[sflag:s16] =	ssyncadd.s32 $0xFFFFFF80  }
.LBB2_6:
0x60: {  	[spmem:s3] =	stream.indirect.scatter.add.f32 [tilespmem:s20], [sflag:$0x2], $0x80, s18, s17, $0xb8;
	[tilespmem:$0x1BD00] =	vst v63  }
0x61: {  	s26 =	smov.u32 s25  }
0x62: {  	s28 =	sadd.s32 $0x100, s25;
	s29 =	sadd.s32 s5, s23;
	s23 =	sand.u32 $0x3C00, s26  }
0x63: {  	p0 =	sne.s32 s25, $0x2700;
	s24 =	sor.u32 s24, s29;
	_ =	swait.ge [sflag:s19], $0x3E80  }
0x64: {  	s24 =	sshrl.u32 s24, $0x3;
	[sflag:s19] =	ssyncset.done $0x0  }
0x65: {  	s24 =	sadd.s32 s0, s24;
	[sflag:s19] =	ssyncadd.s32 $0xFFFFC180  }
0x66: {  	[tilespmem:s4], [sflag:$0x3] =	stream.linear.gather [hbm4b:s24+s4], $0x80, $0x38;
	[tilespmem:$0x1BD00] =	vst v63  }
0x67: {  	_ =	swait.ge [sflag:s16], $0x80  }
0x68: {  	[sflag:s16] =	ssyncset.done $0x0  }
0x69: {  	[sflag:s16] =	ssyncadd.s32 $0xFFFFFF80  }
0x6a: {  	[spmem:s3] =	stream.indirect.scatter.add.f32 [tilespmem:s20], [sflag:$0x1], $0x80, s4, s17, $0xb8;
	[tilespmem:$0x1BD00] =	vst v63  }
0x6b: {  	_ =	swait.ge [sflag:s21], $0x3E80  }
0x6c: {  	[sflag:s21] =	ssyncset.done $0x0  }
.Ltmp2:
0x6d: {  	s24 =	sadd.s32 $0x10, s24;
	[sflag:s21] =	ssyncadd.s32 $0xFFFFC180;
	(pc) =	sbr.rel @p0 .LBB2_6-.Ltmp2, $4  }
0x6e: {  	[tilespmem:s18], [sflag:$0x3] =	stream.linear.gather [hbm4b:s24+s4], $0x80, $0x38;
	[tilespmem:$0x1BD00] =	vst v63  }
0x6f: {  	_ =	swait.ge [sflag:s16], $0x80  }
0x70: {  	[sflag:s16] =	ssyncset.done $0x0  }
0x71: {  	s25 =	smov.u32 s28;
	s24 =	sand.u32 $0x300, s26;
	[sflag:s16] =	ssyncadd.s32 $0xFFFFFF80  }
0x72: {  	[spmem:s3] =	stream.indirect.scatter.add.f32 [tilespmem:s20], [sflag:$0x2], $0x80, s18, s17, $0xb8;
	[tilespmem:$0x1BD00] =	vst v63  }
0x73: {  	s23 =	sadd.s32 s5, s23  }
0x74: {  	_ =	swait.ge [sflag:s19], $0x3E80;
	s23 =	sor.u32 s24, s23  }
0x75: {  	[sflag:s19] =	ssyncset.done $0x0;
	s23 =	sshrl.u32 s23, $0x3  }
0x76: {  	[sflag:s19] =	ssyncadd.s32 $0xFFFFC180;
	s23 =	sadd.s32 s0, s23  }
0x77: {  	[tilespmem:s4], [sflag:$0x3] =	stream.linear.gather [hbm4b:s23+s4], $0x80, $0x38;
	[tilespmem:$0x1BD00] =	vst v63  }
0x78: {  	_ =	swait.ge [sflag:s16], $0x80  }
0x79: {  	[sflag:s16] =	ssyncset.done $0x0  }
0x7a: {  	[sflag:s16] =	ssyncadd.s32 $0xFFFFFF80  }
0x7b: {  	[spmem:s3] =	stream.indirect.scatter.add.f32 [tilespmem:s20], [sflag:$0x1], $0x80, s4, s17, $0xb8;
	[tilespmem:$0x1BD00] =	vst v63  }
0x7c: {  	_ =	swait.ge [sflag:s21], $0x3E80  }
0x7d: {  	[sflag:s21] =	ssyncset.done $0x0  }
0x7e: {  	s23 =	sadd.s32 $0x10, s23;
	[sflag:s21] =	ssyncadd.s32 $0xFFFFC180  }
0x7f: {  	[tilespmem:s18], [sflag:$0x3] =	stream.linear.gather [hbm4b:s23+s4], $0x80, $0x38;
	[tilespmem:$0x1BD00] =	vst v63  }
0x80: {  	_ =	swait.ge [sflag:s16], $0x80  }
0x81: {  	[sflag:s16] =	ssyncset.done $0x0  }
0x82: {  	[sflag:s16] =	ssyncadd.s32 $0xFFFFFF80  }
0x83: {  	[spmem:s3] =	stream.indirect.scatter.add.f32 [tilespmem:s20], [sflag:$0x2], $0x80, s18, s17, $0xb8;
	[tilespmem:$0x1BD00] =	vst v63  }
0x84: {  	_ =	swait.ge [sflag:s19], $0x3E80  }
0x85: {  	[sflag:s19] =	ssyncset.done $0x0  }
0x86: {  	[sflag:s19] =	ssyncadd.s32 $0xFFFFC180  }
0x87: {  	_ =	swait.ge [sflag:s21], $0x3E80  }
0x88: {  	s30 =	sshll.u32 s2, $0x6;
	s22 =	sadd.s32 $0x1, s22;
	[sflag:s21] =	ssyncset.done $0x0  }
0x89: {  	s31 =	sshrl.u32 s6, $0x3;
	p0 =	sne.s32 s22, s14;
	[sflag:s21] =	ssyncadd.s32 $0xFFFFC180  }
.Ltmp3:
0x8a: {  	s23 =	sor.u32 $0x1C03, s30;
	[bflag:$0x0] =	sbarrier.arrive $0xFFFF;
	(pc) =	sbr.rel @p0 .LBB2_1-.Ltmp3, $4  }
0x8b: {  	[hbm:s13], [sflag:s23] =	dma.local [spmem:s31], $0x2780  }
0x8c: {  	_ =	swait.ge [sflag:s16], $0x2780  }
0x8d: {  	[sflag:s16] =	ssyncset.done $0x0  }
0x8e: {  	[sflag:s16] =	ssyncadd.s32 $0xFFFFD880  }
0x8f: {  	_ =	sfence.sel $0x180000  }
0x90: {  	[bflag:$0x0] =	sbarrier.arrive $0xFFFF  }
0x91: {  	p0 =	sne.s32 s2, $0x0;
	_ =	strace $0x90000047  }
0x92: {  	s0 =	sadd.s32 @!p0 $0x100000, s1;
	[bflag:$0x2] =	sbarrier.arrive $0xFFFF  }
0x93: {  	[sflag:s0] =	ssyncadd.tile.s32 @!p0 $0x1;
	_ =	shalt  }
.Lfunc_end2:
_tile_overlayer_lowered:
.L_overlay_start_2:
0x94: {  	(tag) =	ssettag $0x2  }
0x95: {  	s0 =	rddreg [dreg:$0x0];
	s2 =	stileid.u32  }
0x96: {  	s1 =	rddreg [dreg:$0x1];
	p0 =	sne.s32 s2, $0x0  }
0x97: {  	s3 =	rddreg [dreg:$0x2];
	[bflag:$0x3] =	sbarrier.arrive $0xFFFF;
	s2 =	simm.s32 @!p0 $0x1C03  }
0x98: {  	[timem:s3], [sflag:s2] =	dma.local @!p0 [hbm:s0], s1  }
0x99: {  	s0 =	simm.s32 @!p0 $0x3  }
0x9a: {  	_ =	swait.ge @!p0 [sflag:s0], s1  }
0x9b: {  	s1 =	ssub.s32 @!p0 $0x0, s1;
	[sflag:s0] =	ssyncset.done @!p0 $0x0  }
0x9c: {  	[sflag:s0] =	ssyncadd.s32 @!p0 s1  }
0x9d: {  	[bflag:$0x3] =	sbarrier.arrive $0xFFFF  }
0x9e: {  	_ =	shalt  }

</sc_bundles>
